<compile_context>
chip_gen: v7x
topology: tpu7x:2x2x1
jax: 0.10.2.dev20260603
libtpu: 0.0.44.dev20260713+nightly
codegen_flags: <defaults>
</compile_context>

<pallas_src>
import functools

import jax
import jax.numpy as jnp
from jax import lax
from jax.experimental import pallas as pl
from jax.experimental.pallas import tpu as pltpu
from jax.experimental.pallas import tpu_sc as plsc

N = 10000
D = 128
E = 320000

NC = 2
NS = 16
NW = NC * NS
CHUNK = 128
C = 79
EPAD = NW * C * CHUNK
DUMMY = N
NPAD = 10240
RPT = NPAD // NS

_BN_SCALE = 1.0 / (1.0 + 1e-5) ** 0.5
_LN_EPS = 1e-5



def _zero_vmem_rows(buf, nrows, ncols16):
    def zrow(i, _):
        for k in range(ncols16):
            buf[i, pl.ds(k * 16, 16)] = jnp.zeros((16,), jnp.float32)
        return 0
    lax.fori_loop(0, nrows, zrow, 0)


def _deg_body(dst_hbm, out_hbm, dst_v, buf, acc_sh):
    c = lax.axis_index("c")
    s = lax.axis_index("s")
    pltpu.sync_copy(dst_hbm.at[c, s], dst_v)
    _zero_vmem_rows(buf, CHUNK, D // 16)
    for b in range(RPT // CHUNK):
        pltpu.sync_copy(buf, acc_sh.at[pl.ds(s * RPT + b * CHUNK, CHUNK)])
    def orow(i, _):
        for k in range(D // 16):
            buf[i, pl.ds(k * 16, 16)] = jnp.ones((16,), jnp.float32)
        return 0
    lax.fori_loop(0, CHUNK, orow, 0)
    plsc.subcore_barrier()
    def body(j, _):
        pltpu.sync_copy(buf, acc_sh.at[dst_v.at[j]], add=True)
        return 0
    lax.fori_loop(0, C, body, 0)
    plsc.subcore_barrier()
    pltpu.sync_copy(acc_sh.at[pl.ds(s * RPT, RPT)],
                    out_hbm.at[c, pl.ds(s * RPT, RPT)])


def _sc_degree(dst_idx):
    mesh = plsc.VectorSubcoreMesh(core_axis_name="c", subcore_axis_name="s")
    return pl.kernel(
        _deg_body,
        out_type=jax.ShapeDtypeStruct((NC, NPAD, D), jnp.float32),
        mesh=mesh,
        scratch_types=[
            pltpu.VMEM((C, CHUNK), jnp.int32),
            pltpu.VMEM((CHUNK, D), jnp.float32),
            pltpu.VMEM_SHARED((NPAD, D), jnp.float32),
        ],
    )(dst_idx)


NBUF = 2
G = 16
NBLK = C // G
GB = CHUNK * D * 4



C0 = 78
C1 = 79
CMAX = max(C0, C1)
EPAD2 = NS * (C0 + C1) * CHUNK


def _prop_body(g_hbm, src_hbm, dst_hbm, out_hbm, src_v, dst_v, gbuf, acc_sh,
               sem):
    c = lax.axis_index("c")
    s = lax.axis_index("s")
    pltpu.sync_copy(src_hbm.at[c, s], src_v)
    pltpu.sync_copy(dst_hbm.at[c, s], dst_v)
    _zero_vmem_rows(gbuf, CHUNK, D // 16)
    for b in range(RPT // CHUNK):
        pltpu.sync_copy(gbuf, acc_sh.at[pl.ds(s * RPT + b * CHUNK, CHUNK)])
    plsc.subcore_barrier()
    nchunks = jnp.where(c == 0, C0, C1)
    def body(j, _):
        pltpu.async_copy(g_hbm.at[src_v.at[j]], gbuf, sem).wait()
        pltpu.sync_copy(gbuf, acc_sh.at[dst_v.at[j]], add=True)
        return 0
    lax.fori_loop(0, nchunks, body, 0)
    plsc.subcore_barrier()
    pltpu.sync_copy(acc_sh.at[pl.ds(s * RPT, RPT)],
                    out_hbm.at[c, pl.ds(s * RPT, RPT)])


def _sc_propagate(g, src_idx, dst_idx):
    mesh = plsc.VectorSubcoreMesh(core_axis_name="c", subcore_axis_name="s")
    return pl.kernel(
        _prop_body,
        out_type=jax.ShapeDtypeStruct((NC, NPAD, D), jnp.float32),
        mesh=mesh,
        scratch_types=[
            pltpu.VMEM((CMAX, CHUNK), jnp.int32),
            pltpu.VMEM((CMAX, CHUNK), jnp.int32),
            pltpu.VMEM((CHUNK, D), jnp.float32),
            pltpu.VMEM_SHARED((NPAD, D), jnp.float32),
            pltpu.SemaphoreType.DMA,
        ],
    )(g, src_idx, dst_idx)



BLK = 1024
BLKP = 1000


def _pre_body(x_ref, w_ref, d0_ref, d1_ref, g_ref, dinv_ref):
    deg = d0_ref[:, 0:1] + d1_ref[:, 0:1] + 1.0
    dinv = lax.rsqrt(deg)
    g_ref[...] = jnp.dot(x_ref[...], w_ref[...],
                         preferred_element_type=jnp.float32) * dinv
    dinv_ref[...] = jnp.broadcast_to(dinv, (BLK, 16))


def _tc_pre(xp, W1, deg0, deg1):
    grid = NPAD // BLK
    return pl.pallas_call(
        _pre_body,
        grid=(grid,),
        in_specs=[
            pl.BlockSpec((BLK, D), lambda i: (i, 0)),
            pl.BlockSpec((D, D), lambda i: (0, 0)),
            pl.BlockSpec((BLK, D), lambda i: (i, 0)),
            pl.BlockSpec((BLK, D), lambda i: (i, 0)),
        ],
        out_specs=[
            pl.BlockSpec((BLK, D), lambda i: (i, 0)),
            pl.BlockSpec((BLK, 16), lambda i: (i, 0)),
        ],
        out_shape=[
            jax.ShapeDtypeStruct((NPAD, D), jnp.float32),
            jax.ShapeDtypeStruct((NPAD, 16), jnp.float32),
        ],
    )(xp, W1, deg0, deg1)


def _mid_body(p0_ref, p1_ref, g_ref, dinv_ref, b_ref, bng_ref, bnb_ref, w_ref,
              out_ref):
    dv = dinv_ref[:, 0:1]
    pre = (p0_ref[...] + p1_ref[...] + g_ref[...]) * dv + b_ref[...]
    h = jnp.maximum(pre * _BN_SCALE * bng_ref[...] + bnb_ref[...], 0.0)
    out_ref[...] = jnp.dot(h, w_ref[...],
                           preferred_element_type=jnp.float32) * dv


def _tc_mid(p0, p1, g, dinv16, b, bng, bnb, Wn):
    grid = NPAD // BLK
    return pl.pallas_call(
        _mid_body,
        grid=(grid,),
        in_specs=[
            pl.BlockSpec((BLK, D), lambda i: (i, 0)),
            pl.BlockSpec((BLK, D), lambda i: (i, 0)),
            pl.BlockSpec((BLK, D), lambda i: (i, 0)),
            pl.BlockSpec((BLK, 16), lambda i: (i, 0)),
            pl.BlockSpec((1, D), lambda i: (0, 0)),
            pl.BlockSpec((1, D), lambda i: (0, 0)),
            pl.BlockSpec((1, D), lambda i: (0, 0)),
            pl.BlockSpec((D, D), lambda i: (0, 0)),
        ],
        out_specs=pl.BlockSpec((BLK, D), lambda i: (i, 0)),
        out_shape=jax.ShapeDtypeStruct((NPAD, D), jnp.float32),
    )(p0, p1, g, dinv16, b, bng, bnb, Wn)


def _post_body(p0_ref, p1_ref, g_ref, dinv_ref, b_ref, lng_ref, lnb_ref,
               emb_ref, pool_ref):
    i = pl.program_id(0)
    ngrid = pl.num_programs(0)
    dv = dinv_ref[:, 0:1]
    h = (p0_ref[...] + p1_ref[...] + g_ref[...]) * dv + b_ref[...]
    mu = jnp.mean(h, axis=-1, keepdims=True)
    var = jnp.mean((h - mu) ** 2, axis=-1, keepdims=True)
    e = (h - mu) * lax.rsqrt(var + _LN_EPS) * lng_ref[...] + lnb_ref[...]
    emb_ref[...] = e
    bsum = jnp.sum(e, axis=0, keepdims=True)

    @pl.when(i == 0)
    def _():
        pool_ref[...] = jnp.zeros_like(pool_ref)

    pool_ref[...] += bsum

    @pl.when(i == ngrid - 1)
    def _():
        pool_ref[...] = pool_ref[...] * (1.0 / N)


def _tc_post(p0, p1, g, dinv16, b, lng, lnb):
    grid = N // BLKP
    return pl.pallas_call(
        _post_body,
        grid=(grid,),
        in_specs=[
            pl.BlockSpec((BLKP, D), lambda i: (i, 0)),
            pl.BlockSpec((BLKP, D), lambda i: (i, 0)),
            pl.BlockSpec((BLKP, D), lambda i: (i, 0)),
            pl.BlockSpec((BLKP, 16), lambda i: (i, 0)),
            pl.BlockSpec((1, D), lambda i: (0, 0)),
            pl.BlockSpec((1, D), lambda i: (0, 0)),
            pl.BlockSpec((1, D), lambda i: (0, 0)),
        ],
        out_specs=[
            pl.BlockSpec((BLKP, D), lambda i: (i, 0)),
            pl.BlockSpec((1, D), lambda i: (0, 0)),
        ],
        out_shape=[
            jax.ShapeDtypeStruct((N, D), jnp.float32),
            jax.ShapeDtypeStruct((1, D), jnp.float32),
        ],
    )(p0, p1, g, dinv16, b, lng, lnb)



def kernel(x, edge_index, W1, b1, W2, b2, W3, b3, bn1_g, bn1_b, bn2_g, bn2_b,
           ln_g, ln_b):
    xp = jnp.zeros((NPAD, D), jnp.float32).at[:N].set(x)
    pad = EPAD - E
    src = jnp.concatenate(
        [edge_index[0], jnp.full((pad,), DUMMY, jnp.int32)]
    ).reshape(NC, NS, C, CHUNK)
    dst = jnp.concatenate(
        [edge_index[1], jnp.full((pad,), DUMMY, jnp.int32)]
    ).reshape(NC, NS, C, CHUNK)

    def split_uneven(v):
        e0n = NS * C0 * CHUNK
        vf = jnp.concatenate(
            [v, jnp.full((EPAD2 - E,), DUMMY, jnp.int32)])
        p0 = jnp.full((NS, CMAX, CHUNK), DUMMY, jnp.int32).at[:, :C0].set(
            vf[:e0n].reshape(NS, C0, CHUNK))
        p1 = vf[e0n:].reshape(NS, C1, CHUNK)
        return jnp.stack([p0, p1])

    src2 = split_uneven(edge_index[0])
    dst2 = split_uneven(edge_index[1])

    degp = _sc_degree(dst)
    g1, dinv16 = _tc_pre(xp, W1, degp[0], degp[1])

    s1 = _sc_propagate(g1, src2, dst2)
    g2 = _tc_mid(s1[0], s1[1], g1, dinv16, b1.reshape(1, D),
                 bn1_g.reshape(1, D), bn1_b.reshape(1, D), W2)

    s2 = _sc_propagate(g2, src2, dst2)
    g3 = _tc_mid(s2[0], s2[1], g2, dinv16, b2.reshape(1, D),
                 bn2_g.reshape(1, D), bn2_b.reshape(1, D), W3)

    s3 = _sc_propagate(g3, src2, dst2)
    node_embeddings, graph_embedding = _tc_post(
        s3[0], s3[1], g3, dinv16, b3.reshape(1, D),
        ln_g.reshape(1, D), ln_b.reshape(1, D))

    return (node_embeddings, graph_embedding)

# --- scband reference (transcript-rebuilt; emitter-appended) ---
"""Pipeline reference for scband-graph-encoder-32916629356847 (READ-ONLY COPY).

The authoritative reference and input builder live on the scoring server;
editing this copy changes nothing except your own understanding.
"""

import jax, jax.numpy as jnp
import numpy as np

N = 10000
E = 320000
D = 128


def setup_inputs(seed: int = 0) -> dict:
    key = jax.random.key(seed)
    ks = jax.random.split(key, 16)
    s = 1.0 / np.sqrt(D)
    inp = {}
    inp['x'] = jax.random.normal(ks[0], (N, D), dtype=jnp.float32)
    inp['edge_index'] = jax.random.randint(ks[1], (2, E), 0, N, dtype=jnp.int32)
    inp['W1'] = jax.random.normal(ks[2], (D, D), dtype=jnp.float32) * s
    inp['b1'] = jnp.zeros((D,), dtype=jnp.float32)
    inp['W2'] = jax.random.normal(ks[3], (D, D), dtype=jnp.float32) * s
    inp['b2'] = jnp.zeros((D,), dtype=jnp.float32)
    inp['W3'] = jax.random.normal(ks[4], (D, D), dtype=jnp.float32) * s
    inp['b3'] = jnp.zeros((D,), dtype=jnp.float32)
    inp['bn1_g'] = jnp.ones((D,), dtype=jnp.float32)
    inp['bn1_b'] = jnp.zeros((D,), dtype=jnp.float32)
    inp['bn2_g'] = jnp.ones((D,), dtype=jnp.float32)
    inp['bn2_b'] = jnp.zeros((D,), dtype=jnp.float32)
    inp['ln_g'] = jnp.ones((D,), dtype=jnp.float32)
    inp['ln_b'] = jnp.zeros((D,), dtype=jnp.float32)
    return inp


def _gcn_conv(x, W, b, edge_index):
    # GCNConv with add_self_loops=True: D^-1/2 (A+I) D^-1/2 X W + b
    n = x.shape[0]
    loop = jnp.arange(n, dtype=edge_index.dtype)
    src = jnp.concatenate([edge_index[0], loop])
    dst = jnp.concatenate([edge_index[1], loop])
    deg = jax.ops.segment_sum(jnp.ones_like(dst, dtype=x.dtype), dst, num_segments=n)
    dinv = jnp.where(deg > 0, deg ** -0.5, 0.0)
    norm = dinv[src] * dinv[dst]
    h = x @ W
    msg = h[src] * norm[:, None]
    out = jax.ops.segment_sum(msg, dst, num_segments=n)
    return out + b


def _batchnorm_eval(x, g, b, eps=1e-5):
    # eval-mode BatchNorm1d with fresh running stats (mean=0, var=1)
    rm = jnp.zeros((x.shape[-1],), dtype=x.dtype)
    rv = jnp.ones((x.shape[-1],), dtype=x.dtype)
    return (x - rm) / jnp.sqrt(rv + eps) * g + b


def _layernorm(x, g, b, eps=1e-5):
    mu = jnp.mean(x, axis=-1, keepdims=True)
    var = jnp.mean((x - mu) ** 2, axis=-1, keepdims=True)
    return (x - mu) / jnp.sqrt(var + eps) * g + b


def reference(x, edge_index, W1, b1, W2, b2, W3, b3, bn1_g, bn1_b, bn2_g, bn2_b, ln_g, ln_b):
    h = _gcn_conv(x, W1, b1, edge_index)
    h = _batchnorm_eval(h, bn1_g, bn1_b)
    h = jax.nn.relu(h)
    # dropout is identity in eval mode
    h = _gcn_conv(h, W2, b2, edge_index)
    h = _batchnorm_eval(h, bn2_g, bn2_b)
    h = jax.nn.relu(h)
    h = _gcn_conv(h, W3, b3, edge_index)
    node_embeddings = _layernorm(h, ln_g, ln_b)
    # batch is None -> all nodes in one graph; global_mean_pool
    batch = jnp.zeros((node_embeddings.shape[0],), dtype=jnp.int32)
    summed = jax.ops.segment_sum(node_embeddings, batch, num_segments=1)
    counts = jax.ops.segment_sum(jnp.ones((node_embeddings.shape[0],), dtype=node_embeddings.dtype), batch, num_segments=1)
    graph_embedding = summed / counts[:, None]
    return (node_embeddings, graph_embedding)

if __name__ == "__main__":
    import jax
    _d = setup_inputs()
    print(jax.jit(kernel)(*tuple(_d.values())))

</pallas_src>

<mosaic_0001>
#map = affine_map<(d0, d1) -> (0, 0, 0, 0)>
#map1 = affine_map<(d0, d1) -> (0, 0, 0)>
module attributes {stable_mosaic.version = 14 : i64} {
  func.func @_deg_body(%arg0: i32, %arg1: i32, %arg2: memref<2x16x79x128xi32, #tpu.memory_space<hbm>>, %arg3: memref<2x10240x128xf32, #tpu.memory_space<hbm>>, %arg4: memref<79x128xi32, #tpu.memory_space<vmem>>, %arg5: memref<128x128xf32, #tpu.memory_space<vmem>>, %arg6: memref<10240x128xf32, #tpu.memory_space<vmem_shared>>) attributes {dimension_semantics = [#tpu.dimension_semantics<core_parallel>, #tpu.dimension_semantics<subcore_parallel>], iteration_bounds = array<i64: 2, 16>, scalar_prefetch = 0 : i64, scratch_operands = 3 : i64, tpu.core_type = #tpu.core_type<sc_vector_subcore>, window_params = [{transform_indices = #map}, {transform_indices = #map1}]} {
    "tpu.region"() ({
      %run_scoped3A = tpu.sem_alloc : memref<!tpu.dma_semaphore, #tpu.memory_space<semaphore_mem>>
      %dma_start3A = arith.constant 0 : i32
      %dma_start3A_43 = arith.constant 0 : i32
      %dma_start3A_44 = tpu.memref_slice %arg2[%arg0, %arg1, %dma_start3A, %dma_start3A_43] : memref<2x16x79x128xi32, #tpu.memory_space<hbm>> -> memref<1x1x79x128xi32, #tpu.memory_space<hbm>>
      %dma_start3A_45 = tpu.memref_squeeze %dma_start3A_44 : memref<1x1x79x128xi32, #tpu.memory_space<hbm>> -> memref<79x128xi32, #tpu.memory_space<hbm>>
      %dma_start3A_46 = arith.constant 0 : i32
      %dma_start3A_47 = arith.constant 0 : i32
      %dma_start3A_48 = tpu.memref_slice %arg2[%arg0, %arg1, %dma_start3A_46, %dma_start3A_47] : memref<2x16x79x128xi32, #tpu.memory_space<hbm>> -> memref<1x1x79x128xi32, #tpu.memory_space<hbm>>
      %dma_start3A_49 = tpu.memref_squeeze %dma_start3A_48 : memref<1x1x79x128xi32, #tpu.memory_space<hbm>> -> memref<79x128xi32, #tpu.memory_space<hbm>>
      tpu.enqueue_dma source(%dma_start3A_49 : memref<79x128xi32, #tpu.memory_space<hbm>>) target(%arg4 : memref<79x128xi32, #tpu.memory_space<vmem>>) target_semaphore(%run_scoped3A : memref<!tpu.dma_semaphore, #tpu.memory_space<semaphore_mem>>)
      %dma_wait3A = arith.constant 0 : i32
      %dma_wait3A_50 = arith.constant 0 : i32
      %dma_wait3A_51 = tpu.memref_slice %arg2[%arg0, %arg1, %dma_wait3A, %dma_wait3A_50] : memref<2x16x79x128xi32, #tpu.memory_space<hbm>> -> memref<1x1x79x128xi32, #tpu.memory_space<hbm>>
      %dma_wait3A_52 = tpu.memref_squeeze %dma_wait3A_51 : memref<1x1x79x128xi32, #tpu.memory_space<hbm>> -> memref<79x128xi32, #tpu.memory_space<hbm>>
      %dma_wait3A_53 = arith.constant 0 : i32
      %dma_wait3A_54 = arith.constant 0 : i32
      %dma_wait3A_55 = tpu.memref_slice %arg2[%arg0, %arg1, %dma_wait3A_53, %dma_wait3A_54] : memref<2x16x79x128xi32, #tpu.memory_space<hbm>> -> memref<1x1x79x128xi32, #tpu.memory_space<hbm>>
      %dma_wait3A_56 = tpu.memref_squeeze %dma_wait3A_55 : memref<1x1x79x128xi32, #tpu.memory_space<hbm>> -> memref<79x128xi32, #tpu.memory_space<hbm>>
      tpu.wait_dma2 semaphore(%run_scoped3A : memref<!tpu.dma_semaphore, #tpu.memory_space<semaphore_mem>>) src(%dma_wait3A_56 : memref<79x128xi32, #tpu.memory_space<hbm>>) dst(%arg4 : memref<79x128xi32, #tpu.memory_space<vmem>>)
      tpu.yield
    }) : () -> ()
    %scan3A = arith.constant 0 : i32
    %scan3A_0 = arith.constant 0 : i32
    %scan3A_1 = arith.constant 128 : i32
    %scan3A_2 = arith.addi %scan3A_0, %scan3A_1 : i32
    %scan3A_3 = arith.constant 1 : i32
    %scan3A_4 = scf.for %scan3A_43 = %scan3A_0 to %scan3A_2 step %scan3A_3 iter_args(%scan3A_44 = %scan3A) -> (i32)  : i32 {
      %broadcast_in_dim3A = arith.constant 0.000000e+00 : f32
      %broadcast_in_dim3A_45 = vector.broadcast %broadcast_in_dim3A : f32 to vector<16xf32>
      %swap3A = arith.index_cast %scan3A_43 : i32 to index
      %swap3A_46 = arith.constant 0 : index
      %swap3A_47 = tpu.vector_load %arg5[%swap3A, %swap3A_46] {strides = array<i32>} : memref<128x128xf32, #tpu.memory_space<vmem>>, vector<1x16xf32>,
      %swap3A_48 = vector.shape_cast %swap3A_47 : vector<1x16xf32> to vector<16xf32>
      %swap3A_49 = vector.shape_cast %broadcast_in_dim3A_45 : vector<16xf32> to vector<1x16xf32>
      tpu.vector_store %arg5[%swap3A, %swap3A_46], %swap3A_49 {strides = array<i32>} : memref<128x128xf32, #tpu.memory_space<vmem>>, vector<1x16xf32>,
      %broadcast_in_dim3A_50 = arith.constant 0.000000e+00 : f32
      %broadcast_in_dim3A_51 = vector.broadcast %broadcast_in_dim3A_50 : f32 to vector<16xf32>
      %swap3A_52 = arith.index_cast %scan3A_43 : i32 to index
      %swap3A_53 = arith.constant 16 : index
      %swap3A_54 = tpu.vector_load %arg5[%swap3A_52, %swap3A_53] {strides = array<i32>} : memref<128x128xf32, #tpu.memory_space<vmem>>, vector<1x16xf32>,
      %swap3A_55 = vector.shape_cast %swap3A_54 : vector<1x16xf32> to vector<16xf32>
      %swap3A_56 = vector.shape_cast %broadcast_in_dim3A_51 : vector<16xf32> to vector<1x16xf32>
      tpu.vector_store %arg5[%swap3A_52, %swap3A_53], %swap3A_56 {strides = array<i32>} : memref<128x128xf32, #tpu.memory_space<vmem>>, vector<1x16xf32>,
      %broadcast_in_dim3A_57 = arith.constant 0.000000e+00 : f32
      %broadcast_in_dim3A_58 = vector.broadcast %broadcast_in_dim3A_57 : f32 to vector<16xf32>
      %swap3A_59 = arith.index_cast %scan3A_43 : i32 to index
      %swap3A_60 = arith.constant 32 : index
      %swap3A_61 = tpu.vector_load %arg5[%swap3A_59, %swap3A_60] {strides = array<i32>} : memref<128x128xf32, #tpu.memory_space<vmem>>, vector<1x16xf32>,
      %swap3A_62 = vector.shape_cast %swap3A_61 : vector<1x16xf32> to vector<16xf32>
      %swap3A_63 = vector.shape_cast %broadcast_in_dim3A_58 : vector<16xf32> to vector<1x16xf32>
      tpu.vector_store %arg5[%swap3A_59, %swap3A_60], %swap3A_63 {strides = array<i32>} : memref<128x128xf32, #tpu.memory_space<vmem>>, vector<1x16xf32>,
      %broadcast_in_dim3A_64 = arith.constant 0.000000e+00 : f32
      %broadcast_in_dim3A_65 = vector.broadcast %broadcast_in_dim3A_64 : f32 to vector<16xf32>
      %swap3A_66 = arith.index_cast %scan3A_43 : i32 to index
      %swap3A_67 = arith.constant 48 : index
      %swap3A_68 = tpu.vector_load %arg5[%swap3A_66, %swap3A_67] {strides = array<i32>} : memref<128x128xf32, #tpu.memory_space<vmem>>, vector<1x16xf32>,
      %swap3A_69 = vector.shape_cast %swap3A_68 : vector<1x16xf32> to vector<16xf32>
      %swap3A_70 = vector.shape_cast %broadcast_in_dim3A_65 : vector<16xf32> to vector<1x16xf32>
      tpu.vector_store %arg5[%swap3A_66, %swap3A_67], %swap3A_70 {strides = array<i32>} : memref<128x128xf32, #tpu.memory_space<vmem>>, vector<1x16xf32>,
      %broadcast_in_dim3A_71 = arith.constant 0.000000e+00 : f32
      %broadcast_in_dim3A_72 = vector.broadcast %broadcast_in_dim3A_71 : f32 to vector<16xf32>
      %swap3A_73 = arith.index_cast %scan3A_43 : i32 to index
      %swap3A_74 = arith.constant 64 : index
      %swap3A_75 = tpu.vector_load %arg5[%swap3A_73, %swap3A_74] {strides = array<i32>} : memref<128x128xf32, #tpu.memory_space<vmem>>, vector<1x16xf32>,
      %swap3A_76 = vector.shape_cast %swap3A_75 : vector<1x16xf32> to vector<16xf32>
      %swap3A_77 = vector.shape_cast %broadcast_in_dim3A_72 : vector<16xf32> to vector<1x16xf32>
      tpu.vector_store %arg5[%swap3A_73, %swap3A_74], %swap3A_77 {strides = array<i32>} : memref<128x128xf32, #tpu.memory_space<vmem>>, vector<1x16xf32>,
      %broadcast_in_dim3A_78 = arith.constant 0.000000e+00 : f32
      %broadcast_in_dim3A_79 = vector.broadcast %broadcast_in_dim3A_78 : f32 to vector<16xf32>
      %swap3A_80 = arith.index_cast %scan3A_43 : i32 to index
      %swap3A_81 = arith.constant 80 : index
      %swap3A_82 = tpu.vector_load %arg5[%swap3A_80, %swap3A_81] {strides = array<i32>} : memref<128x128xf32, #tpu.memory_space<vmem>>, vector<1x16xf32>,
      %swap3A_83 = vector.shape_cast %swap3A_82 : vector<1x16xf32> to vector<16xf32>
      %swap3A_84 = vector.shape_cast %broadcast_in_dim3A_79 : vector<16xf32> to vector<1x16xf32>
      tpu.vector_store %arg5[%swap3A_80, %swap3A_81], %swap3A_84 {strides = array<i32>} : memref<128x128xf32, #tpu.memory_space<vmem>>, vector<1x16xf32>,
      %broadcast_in_dim3A_85 = arith.constant 0.000000e+00 : f32
      %broadcast_in_dim3A_86 = vector.broadcast %broadcast_in_dim3A_85 : f32 to vector<16xf32>
      %swap3A_87 = arith.index_cast %scan3A_43 : i32 to index
      %swap3A_88 = arith.constant 96 : index
      %swap3A_89 = tpu.vector_load %arg5[%swap3A_87, %swap3A_88] {strides = array<i32>} : memref<128x128xf32, #tpu.memory_space<vmem>>, vector<1x16xf32>,
      %swap3A_90 = vector.shape_cast %swap3A_89 : vector<1x16xf32> to vector<16xf32>
      %swap3A_91 = vector.shape_cast %broadcast_in_dim3A_86 : vector<16xf32> to vector<1x16xf32>
      tpu.vector_store %arg5[%swap3A_87, %swap3A_88], %swap3A_91 {strides = array<i32>} : memref<128x128xf32, #tpu.memory_space<vmem>>, vector<1x16xf32>,
      %broadcast_in_dim3A_92 = arith.constant 0.000000e+00 : f32
      %broadcast_in_dim3A_93 = vector.broadcast %broadcast_in_dim3A_92 : f32 to vector<16xf32>
      %swap3A_94 = arith.index_cast %scan3A_43 : i32 to index
      %swap3A_95 = arith.constant 112 : index
      %swap3A_96 = tpu.vector_load %arg5[%swap3A_94, %swap3A_95] {strides = array<i32>} : memref<128x128xf32, #tpu.memory_space<vmem>>, vector<1x16xf32>,
      %swap3A_97 = vector.shape_cast %swap3A_96 : vector<1x16xf32> to vector<16xf32>
      %swap3A_98 = vector.shape_cast %broadcast_in_dim3A_93 : vector<16xf32> to vector<1x16xf32>
      tpu.vector_store %arg5[%swap3A_94, %swap3A_95], %swap3A_98 {strides = array<i32>} : memref<128x128xf32, #tpu.memory_space<vmem>>, vector<1x16xf32>,
      %scan3A_99 = arith.constant 0 : i32
      scf.yield %scan3A_99 : i32
    }
    %scan3A_5 = arith.constant 128 : i32
    %mul3A = arith.constant 640 : i32
    %mul3A_6 = arith.muli %arg1, %mul3A : i32
    %add3A = arith.constant 0 : i32
    %add3A_7 = arith.addi %mul3A_6, %add3A : i32
    "tpu.region"() ({
      %run_scoped3A = tpu.sem_alloc : memref<!tpu.dma_semaphore, #tpu.memory_space<semaphore_mem>>
      %dma_start3A = arith.constant 0 : i32
      %dma_start3A_43 = tpu.memref_slice %arg6[%add3A_7, %dma_start3A] : memref<10240x128xf32, #tpu.memory_space<vmem_shared>> -> memref<128x128xf32, #tpu.memory_space<vmem_shared>>
      %dma_start3A_44 = arith.constant 0 : i32
      %dma_start3A_45 = tpu.memref_slice %arg6[%add3A_7, %dma_start3A_44] : memref<10240x128xf32, #tpu.memory_space<vmem_shared>> -> memref<128x128xf32, #tpu.memory_space<vmem_shared>>
      tpu.enqueue_dma source(%arg5 : memref<128x128xf32, #tpu.memory_space<vmem>>) target(%dma_start3A_45 : memref<128x128xf32, #tpu.memory_space<vmem_shared>>) target_semaphore(%run_scoped3A : memref<!tpu.dma_semaphore, #tpu.memory_space<semaphore_mem>>)
      %dma_wait3A = arith.constant 0 : i32
      %dma_wait3A_46 = tpu.memref_slice %arg6[%add3A_7, %dma_wait3A] : memref<10240x128xf32, #tpu.memory_space<vmem_shared>> -> memref<128x128xf32, #tpu.memory_space<vmem_shared>>
      %dma_wait3A_47 = arith.constant 0 : i32
      %dma_wait3A_48 = tpu.memref_slice %arg6[%add3A_7, %dma_wait3A_47] : memref<10240x128xf32, #tpu.memory_space<vmem_shared>> -> memref<128x128xf32, #tpu.memory_space<vmem_shared>>
      tpu.wait_dma2 semaphore(%run_scoped3A : memref<!tpu.dma_semaphore, #tpu.memory_space<semaphore_mem>>) src(%arg5 : memref<128x128xf32, #tpu.memory_space<vmem>>) dst(%dma_wait3A_48 : memref<128x128xf32, #tpu.memory_space<vmem_shared>>)
      tpu.yield
    }) : () -> ()
    %mul3A_8 = arith.constant 640 : i32
    %mul3A_9 = arith.muli %arg1, %mul3A_8 : i32
    %add3A_10 = arith.constant 128 : i32
    %add3A_11 = arith.addi %mul3A_9, %add3A_10 : i32
    "tpu.region"() ({
      %run_scoped3A = tpu.sem_alloc : memref<!tpu.dma_semaphore, #tpu.memory_space<semaphore_mem>>
      %dma_start3A = arith.constant 0 : i32
      %dma_start3A_43 = tpu.memref_slice %arg6[%add3A_11, %dma_start3A] : memref<10240x128xf32, #tpu.memory_space<vmem_shared>> -> memref<128x128xf32, #tpu.memory_space<vmem_shared>>
      %dma_start3A_44 = arith.constant 0 : i32
      %dma_start3A_45 = tpu.memref_slice %arg6[%add3A_11, %dma_start3A_44] : memref<10240x128xf32, #tpu.memory_space<vmem_shared>> -> memref<128x128xf32, #tpu.memory_space<vmem_shared>>
      tpu.enqueue_dma source(%arg5 : memref<128x128xf32, #tpu.memory_space<vmem>>) target(%dma_start3A_45 : memref<128x128xf32, #tpu.memory_space<vmem_shared>>) target_semaphore(%run_scoped3A : memref<!tpu.dma_semaphore, #tpu.memory_space<semaphore_mem>>)
      %dma_wait3A = arith.constant 0 : i32
      %dma_wait3A_46 = tpu.memref_slice %arg6[%add3A_11, %dma_wait3A] : memref<10240x128xf32, #tpu.memory_space<vmem_shared>> -> memref<128x128xf32, #tpu.memory_space<vmem_shared>>
      %dma_wait3A_47 = arith.constant 0 : i32
      %dma_wait3A_48 = tpu.memref_slice %arg6[%add3A_11, %dma_wait3A_47] : memref<10240x128xf32, #tpu.memory_space<vmem_shared>> -> memref<128x128xf32, #tpu.memory_space<vmem_shared>>
      tpu.wait_dma2 semaphore(%run_scoped3A : memref<!tpu.dma_semaphore, #tpu.memory_space<semaphore_mem>>) src(%arg5 : memref<128x128xf32, #tpu.memory_space<vmem>>) dst(%dma_wait3A_48 : memref<128x128xf32, #tpu.memory_space<vmem_shared>>)
      tpu.yield
    }) : () -> ()
    %mul3A_12 = arith.constant 640 : i32
    %mul3A_13 = arith.muli %arg1, %mul3A_12 : i32
    %add3A_14 = arith.constant 256 : i32
    %add3A_15 = arith.addi %mul3A_13, %add3A_14 : i32
    "tpu.region"() ({
      %run_scoped3A = tpu.sem_alloc : memref<!tpu.dma_semaphore, #tpu.memory_space<semaphore_mem>>
      %dma_start3A = arith.constant 0 : i32
      %dma_start3A_43 = tpu.memref_slice %arg6[%add3A_15, %dma_start3A] : memref<10240x128xf32, #tpu.memory_space<vmem_shared>> -> memref<128x128xf32, #tpu.memory_space<vmem_shared>>
      %dma_start3A_44 = arith.constant 0 : i32
      %dma_start3A_45 = tpu.memref_slice %arg6[%add3A_15, %dma_start3A_44] : memref<10240x128xf32, #tpu.memory_space<vmem_shared>> -> memref<128x128xf32, #tpu.memory_space<vmem_shared>>
      tpu.enqueue_dma source(%arg5 : memref<128x128xf32, #tpu.memory_space<vmem>>) target(%dma_start3A_45 : memref<128x128xf32, #tpu.memory_space<vmem_shared>>) target_semaphore(%run_scoped3A : memref<!tpu.dma_semaphore, #tpu.memory_space<semaphore_mem>>)
      %dma_wait3A = arith.constant 0 : i32
      %dma_wait3A_46 = tpu.memref_slice %arg6[%add3A_15, %dma_wait3A] : memref<10240x128xf32, #tpu.memory_space<vmem_shared>> -> memref<128x128xf32, #tpu.memory_space<vmem_shared>>
      %dma_wait3A_47 = arith.constant 0 : i32
      %dma_wait3A_48 = tpu.memref_slice %arg6[%add3A_15, %dma_wait3A_47] : memref<10240x128xf32, #tpu.memory_space<vmem_shared>> -> memref<128x128xf32, #tpu.memory_space<vmem_shared>>
      tpu.wait_dma2 semaphore(%run_scoped3A : memref<!tpu.dma_semaphore, #tpu.memory_space<semaphore_mem>>) src(%arg5 : memref<128x128xf32, #tpu.memory_space<vmem>>) dst(%dma_wait3A_48 : memref<128x128xf32, #tpu.memory_space<vmem_shared>>)
      tpu.yield
    }) : () -> ()
    %mul3A_16 = arith.constant 640 : i32
    %mul3A_17 = arith.muli %arg1, %mul3A_16 : i32
    %add3A_18 = arith.constant 384 : i32
    %add3A_19 = arith.addi %mul3A_17, %add3A_18 : i32
    "tpu.region"() ({
      %run_scoped3A = tpu.sem_alloc : memref<!tpu.dma_semaphore, #tpu.memory_space<semaphore_mem>>
      %dma_start3A = arith.constant 0 : i32
      %dma_start3A_43 = tpu.memref_slice %arg6[%add3A_19, %dma_start3A] : memref<10240x128xf32, #tpu.memory_space<vmem_shared>> -> memref<128x128xf32, #tpu.memory_space<vmem_shared>>
      %dma_start3A_44 = arith.constant 0 : i32
      %dma_start3A_45 = tpu.memref_slice %arg6[%add3A_19, %dma_start3A_44] : memref<10240x128xf32, #tpu.memory_space<vmem_shared>> -> memref<128x128xf32, #tpu.memory_space<vmem_shared>>
      tpu.enqueue_dma source(%arg5 : memref<128x128xf32, #tpu.memory_space<vmem>>) target(%dma_start3A_45 : memref<128x128xf32, #tpu.memory_space<vmem_shared>>) target_semaphore(%run_scoped3A : memref<!tpu.dma_semaphore, #tpu.memory_space<semaphore_mem>>)
      %dma_wait3A = arith.constant 0 : i32
      %dma_wait3A_46 = tpu.memref_slice %arg6[%add3A_19, %dma_wait3A] : memref<10240x128xf32, #tpu.memory_space<vmem_shared>> -> memref<128x128xf32, #tpu.memory_space<vmem_shared>>
      %dma_wait3A_47 = arith.constant 0 : i32
      %dma_wait3A_48 = tpu.memref_slice %arg6[%add3A_19, %dma_wait3A_47] : memref<10240x128xf32, #tpu.memory_space<vmem_shared>> -> memref<128x128xf32, #tpu.memory_space<vmem_shared>>
      tpu.wait_dma2 semaphore(%run_scoped3A : memref<!tpu.dma_semaphore, #tpu.memory_space<semaphore_mem>>) src(%arg5 : memref<128x128xf32, #tpu.memory_space<vmem>>) dst(%dma_wait3A_48 : memref<128x128xf32, #tpu.memory_space<vmem_shared>>)
      tpu.yield
    }) : () -> ()
    %mul3A_20 = arith.constant 640 : i32
    %mul3A_21 = arith.muli %arg1, %mul3A_20 : i32
    %add3A_22 = arith.constant 512 : i32
    %add3A_23 = arith.addi %mul3A_21, %add3A_22 : i32
    "tpu.region"() ({
      %run_scoped3A = tpu.sem_alloc : memref<!tpu.dma_semaphore, #tpu.memory_space<semaphore_mem>>
      %dma_start3A = arith.constant 0 : i32
      %dma_start3A_43 = tpu.memref_slice %arg6[%add3A_23, %dma_start3A] : memref<10240x128xf32, #tpu.memory_space<vmem_shared>> -> memref<128x128xf32, #tpu.memory_space<vmem_shared>>
      %dma_start3A_44 = arith.constant 0 : i32
      %dma_start3A_45 = tpu.memref_slice %arg6[%add3A_23, %dma_start3A_44] : memref<10240x128xf32, #tpu.memory_space<vmem_shared>> -> memref<128x128xf32, #tpu.memory_space<vmem_shared>>
      tpu.enqueue_dma source(%arg5 : memref<128x128xf32, #tpu.memory_space<vmem>>) target(%dma_start3A_45 : memref<128x128xf32, #tpu.memory_space<vmem_shared>>) target_semaphore(%run_scoped3A : memref<!tpu.dma_semaphore, #tpu.memory_space<semaphore_mem>>)
      %dma_wait3A = arith.constant 0 : i32
      %dma_wait3A_46 = tpu.memref_slice %arg6[%add3A_23, %dma_wait3A] : memref<10240x128xf32, #tpu.memory_space<vmem_shared>> -> memref<128x128xf32, #tpu.memory_space<vmem_shared>>
      %dma_wait3A_47 = arith.constant 0 : i32
      %dma_wait3A_48 = tpu.memref_slice %arg6[%add3A_23, %dma_wait3A_47] : memref<10240x128xf32, #tpu.memory_space<vmem_shared>> -> memref<128x128xf32, #tpu.memory_space<vmem_shared>>
      tpu.wait_dma2 semaphore(%run_scoped3A : memref<!tpu.dma_semaphore, #tpu.memory_space<semaphore_mem>>) src(%arg5 : memref<128x128xf32, #tpu.memory_space<vmem>>) dst(%dma_wait3A_48 : memref<128x128xf32, #tpu.memory_space<vmem_shared>>)
      tpu.yield
    }) : () -> ()
    %scan3A_24 = arith.constant 0 : i32
    %scan3A_25 = arith.constant 0 : i32
    %scan3A_26 = arith.constant 128 : i32
    %scan3A_27 = arith.addi %scan3A_25, %scan3A_26 : i32
    %scan3A_28 = arith.constant 1 : i32
    %scan3A_29 = scf.for %scan3A_43 = %scan3A_25 to %scan3A_27 step %scan3A_28 iter_args(%scan3A_44 = %scan3A_24) -> (i32)  : i32 {
      %broadcast_in_dim3A = arith.constant 1.000000e+00 : f32
      %broadcast_in_dim3A_45 = vector.broadcast %broadcast_in_dim3A : f32 to vector<16xf32>
      %swap3A = arith.index_cast %scan3A_43 : i32 to index
      %swap3A_46 = arith.constant 0 : index
      %swap3A_47 = tpu.vector_load %arg5[%swap3A, %swap3A_46] {strides = array<i32>} : memref<128x128xf32, #tpu.memory_space<vmem>>, vector<1x16xf32>,
      %swap3A_48 = vector.shape_cast %swap3A_47 : vector<1x16xf32> to vector<16xf32>
      %swap3A_49 = vector.shape_cast %broadcast_in_dim3A_45 : vector<16xf32> to vector<1x16xf32>
      tpu.vector_store %arg5[%swap3A, %swap3A_46], %swap3A_49 {strides = array<i32>} : memref<128x128xf32, #tpu.memory_space<vmem>>, vector<1x16xf32>,
      %broadcast_in_dim3A_50 = arith.constant 1.000000e+00 : f32
      %broadcast_in_dim3A_51 = vector.broadcast %broadcast_in_dim3A_50 : f32 to vector<16xf32>
      %swap3A_52 = arith.index_cast %scan3A_43 : i32 to index
      %swap3A_53 = arith.constant 16 : index
      %swap3A_54 = tpu.vector_load %arg5[%swap3A_52, %swap3A_53] {strides = array<i32>} : memref<128x128xf32, #tpu.memory_space<vmem>>, vector<1x16xf32>,
      %swap3A_55 = vector.shape_cast %swap3A_54 : vector<1x16xf32> to vector<16xf32>
      %swap3A_56 = vector.shape_cast %broadcast_in_dim3A_51 : vector<16xf32> to vector<1x16xf32>
      tpu.vector_store %arg5[%swap3A_52, %swap3A_53], %swap3A_56 {strides = array<i32>} : memref<128x128xf32, #tpu.memory_space<vmem>>, vector<1x16xf32>,
      %broadcast_in_dim3A_57 = arith.constant 1.000000e+00 : f32
      %broadcast_in_dim3A_58 = vector.broadcast %broadcast_in_dim3A_57 : f32 to vector<16xf32>
      %swap3A_59 = arith.index_cast %scan3A_43 : i32 to index
      %swap3A_60 = arith.constant 32 : index
      %swap3A_61 = tpu.vector_load %arg5[%swap3A_59, %swap3A_60] {strides = array<i32>} : memref<128x128xf32, #tpu.memory_space<vmem>>, vector<1x16xf32>,
      %swap3A_62 = vector.shape_cast %swap3A_61 : vector<1x16xf32> to vector<16xf32>
      %swap3A_63 = vector.shape_cast %broadcast_in_dim3A_58 : vector<16xf32> to vector<1x16xf32>
      tpu.vector_store %arg5[%swap3A_59, %swap3A_60], %swap3A_63 {strides = array<i32>} : memref<128x128xf32, #tpu.memory_space<vmem>>, vector<1x16xf32>,
      %broadcast_in_dim3A_64 = arith.constant 1.000000e+00 : f32
      %broadcast_in_dim3A_65 = vector.broadcast %broadcast_in_dim3A_64 : f32 to vector<16xf32>
      %swap3A_66 = arith.index_cast %scan3A_43 : i32 to index
      %swap3A_67 = arith.constant 48 : index
      %swap3A_68 = tpu.vector_load %arg5[%swap3A_66, %swap3A_67] {strides = array<i32>} : memref<128x128xf32, #tpu.memory_space<vmem>>, vector<1x16xf32>,
      %swap3A_69 = vector.shape_cast %swap3A_68 : vector<1x16xf32> to vector<16xf32>
      %swap3A_70 = vector.shape_cast %broadcast_in_dim3A_65 : vector<16xf32> to vector<1x16xf32>
      tpu.vector_store %arg5[%swap3A_66, %swap3A_67], %swap3A_70 {strides = array<i32>} : memref<128x128xf32, #tpu.memory_space<vmem>>, vector<1x16xf32>,
      %broadcast_in_dim3A_71 = arith.constant 1.000000e+00 : f32
      %broadcast_in_dim3A_72 = vector.broadcast %broadcast_in_dim3A_71 : f32 to vector<16xf32>
      %swap3A_73 = arith.index_cast %scan3A_43 : i32 to index
      %swap3A_74 = arith.constant 64 : index
      %swap3A_75 = tpu.vector_load %arg5[%swap3A_73, %swap3A_74] {strides = array<i32>} : memref<128x128xf32, #tpu.memory_space<vmem>>, vector<1x16xf32>,
      %swap3A_76 = vector.shape_cast %swap3A_75 : vector<1x16xf32> to vector<16xf32>
      %swap3A_77 = vector.shape_cast %broadcast_in_dim3A_72 : vector<16xf32> to vector<1x16xf32>
      tpu.vector_store %arg5[%swap3A_73, %swap3A_74], %swap3A_77 {strides = array<i32>} : memref<128x128xf32, #tpu.memory_space<vmem>>, vector<1x16xf32>,
      %broadcast_in_dim3A_78 = arith.constant 1.000000e+00 : f32
      %broadcast_in_dim3A_79 = vector.broadcast %broadcast_in_dim3A_78 : f32 to vector<16xf32>
      %swap3A_80 = arith.index_cast %scan3A_43 : i32 to index
      %swap3A_81 = arith.constant 80 : index
      %swap3A_82 = tpu.vector_load %arg5[%swap3A_80, %swap3A_81] {strides = array<i32>} : memref<128x128xf32, #tpu.memory_space<vmem>>, vector<1x16xf32>,
      %swap3A_83 = vector.shape_cast %swap3A_82 : vector<1x16xf32> to vector<16xf32>
      %swap3A_84 = vector.shape_cast %broadcast_in_dim3A_79 : vector<16xf32> to vector<1x16xf32>
      tpu.vector_store %arg5[%swap3A_80, %swap3A_81], %swap3A_84 {strides = array<i32>} : memref<128x128xf32, #tpu.memory_space<vmem>>, vector<1x16xf32>,
      %broadcast_in_dim3A_85 = arith.constant 1.000000e+00 : f32
      %broadcast_in_dim3A_86 = vector.broadcast %broadcast_in_dim3A_85 : f32 to vector<16xf32>
      %swap3A_87 = arith.index_cast %scan3A_43 : i32 to index
      %swap3A_88 = arith.constant 96 : index
      %swap3A_89 = tpu.vector_load %arg5[%swap3A_87, %swap3A_88] {strides = array<i32>} : memref<128x128xf32, #tpu.memory_space<vmem>>, vector<1x16xf32>,
      %swap3A_90 = vector.shape_cast %swap3A_89 : vector<1x16xf32> to vector<16xf32>
      %swap3A_91 = vector.shape_cast %broadcast_in_dim3A_86 : vector<16xf32> to vector<1x16xf32>
      tpu.vector_store %arg5[%swap3A_87, %swap3A_88], %swap3A_91 {strides = array<i32>} : memref<128x128xf32, #tpu.memory_space<vmem>>, vector<1x16xf32>,
      %broadcast_in_dim3A_92 = arith.constant 1.000000e+00 : f32
      %broadcast_in_dim3A_93 = vector.broadcast %broadcast_in_dim3A_92 : f32 to vector<16xf32>
      %swap3A_94 = arith.index_cast %scan3A_43 : i32 to index
      %swap3A_95 = arith.constant 112 : index
      %swap3A_96 = tpu.vector_load %arg5[%swap3A_94, %swap3A_95] {strides = array<i32>} : memref<128x128xf32, #tpu.memory_space<vmem>>, vector<1x16xf32>,
      %swap3A_97 = vector.shape_cast %swap3A_96 : vector<1x16xf32> to vector<16xf32>
      %swap3A_98 = vector.shape_cast %broadcast_in_dim3A_93 : vector<16xf32> to vector<1x16xf32>
      tpu.vector_store %arg5[%swap3A_94, %swap3A_95], %swap3A_98 {strides = array<i32>} : memref<128x128xf32, #tpu.memory_space<vmem>>, vector<1x16xf32>,
      %scan3A_99 = arith.constant 0 : i32
      scf.yield %scan3A_99 : i32
    }
    %scan3A_30 = arith.constant 128 : i32
    %barrier3A = arith.constant 0 : index
    tpu.barrier barrier_id(%barrier3A)
    %scan3A_31 = arith.constant 0 : i32
    %scan3A_32 = arith.constant 0 : i32
    %scan3A_33 = arith.constant 79 : i32
    %scan3A_34 = arith.addi %scan3A_32, %scan3A_33 : i32
    %scan3A_35 = arith.constant 1 : i32
    %scan3A_36 = scf.for %scan3A_43 = %scan3A_32 to %scan3A_34 step %scan3A_35 iter_args(%scan3A_44 = %scan3A_31) -> (i32)  : i32 {
      "tpu.region"() ({
        %run_scoped3A = tpu.sem_alloc : memref<!tpu.dma_semaphore, #tpu.memory_space<semaphore_mem>>
        %dma_start3A = arith.constant 0 : i32
        %dma_start3A_46 = tpu.memref_slice %arg4[%scan3A_43, %dma_start3A] : memref<79x128xi32, #tpu.memory_space<vmem>> -> memref<1x128xi32, #tpu.memory_space<vmem>>
        %dma_start3A_47 = tpu.memref_squeeze %dma_start3A_46 : memref<1x128xi32, #tpu.memory_space<vmem>> -> memref<128xi32, #tpu.memory_space<vmem>>
        %dma_start3A_48 = arith.constant 0 : i32
        %dma_start3A_49 = arith.constant 0 : i32
        %dma_start3A_50 = tpu.memref_slice %arg6[%dma_start3A_48, %dma_start3A_49] : memref<10240x128xf32, #tpu.memory_space<vmem_shared>> -> memref<10240x128xf32, #tpu.memory_space<vmem_shared>>
        tpu.enqueue_indirect_dma source(%arg5 : memref<128x128xf32, #tpu.memory_space<vmem>>) target(%dma_start3A_50 : memref<10240x128xf32, #tpu.memory_space<vmem_shared>>) offsets(%dma_start3A_47 : memref<128xi32, #tpu.memory_space<vmem>>) semaphore(%run_scoped3A : memref<!tpu.dma_semaphore, #tpu.memory_space<semaphore_mem>>) {add = true}
        %dma_wait3A = arith.constant 0 : i32
        %dma_wait3A_51 = tpu.memref_slice %arg4[%scan3A_43, %dma_wait3A] : memref<79x128xi32, #tpu.memory_space<vmem>> -> memref<1x128xi32, #tpu.memory_space<vmem>>
        %dma_wait3A_52 = tpu.memref_squeeze %dma_wait3A_51 : memref<1x128xi32, #tpu.memory_space<vmem>> -> memref<128xi32, #tpu.memory_space<vmem>>
        %dma_wait3A_53 = arith.constant 0 : i32
        %dma_wait3A_54 = arith.constant 0 : i32
        %dma_wait3A_55 = tpu.memref_slice %arg6[%dma_wait3A_53, %dma_wait3A_54] : memref<10240x128xf32, #tpu.memory_space<vmem_shared>> -> memref<10240x128xf32, #tpu.memory_space<vmem_shared>>
        tpu.wait_indirect_dma semaphore(%run_scoped3A : memref<!tpu.dma_semaphore, #tpu.memory_space<semaphore_mem>>) src(%arg5 : memref<128x128xf32, #tpu.memory_space<vmem>>) dst(%dma_wait3A_55 : memref<10240x128xf32, #tpu.memory_space<vmem_shared>>)
        tpu.yield
      }) : () -> ()
      %scan3A_45 = arith.constant 0 : i32
      scf.yield %scan3A_45 : i32
    }
    %scan3A_37 = arith.constant 79 : i32
    %barrier3A_38 = arith.constant 0 : index
    tpu.barrier barrier_id(%barrier3A_38)
    %mul3A_39 = arith.constant 640 : i32
    %mul3A_40 = arith.muli %arg1, %mul3A_39 : i32
    %mul3A_41 = arith.constant 640 : i32
    %mul3A_42 = arith.muli %arg1, %mul3A_41 : i32
    "tpu.region"() ({
      %run_scoped3A = tpu.sem_alloc : memref<!tpu.dma_semaphore, #tpu.memory_space<semaphore_mem>>
      %dma_start3A = arith.constant 0 : i32
      %dma_start3A_43 = tpu.memref_slice %arg3[%arg0, %mul3A_42, %dma_start3A] : memref<2x10240x128xf32, #tpu.memory_space<hbm>> -> memref<1x640x128xf32, #tpu.memory_space<hbm>>
      %dma_start3A_44 = tpu.memref_squeeze %dma_start3A_43 : memref<1x640x128xf32, #tpu.memory_space<hbm>> -> memref<640x128xf32, #tpu.memory_space<hbm>>
      %dma_start3A_45 = arith.constant 0 : i32
      %dma_start3A_46 = tpu.memref_slice %arg6[%mul3A_40, %dma_start3A_45] : memref<10240x128xf32, #tpu.memory_space<vmem_shared>> -> memref<640x128xf32, #tpu.memory_space<vmem_shared>>
      tpu.enqueue_dma source(%dma_start3A_46 : memref<640x128xf32, #tpu.memory_space<vmem_shared>>) target(%dma_start3A_44 : memref<640x128xf32, #tpu.memory_space<hbm>>) target_semaphore(%run_scoped3A : memref<!tpu.dma_semaphore, #tpu.memory_space<semaphore_mem>>)
      %dma_wait3A = arith.constant 0 : i32
      %dma_wait3A_47 = tpu.memref_slice %arg3[%arg0, %mul3A_42, %dma_wait3A] : memref<2x10240x128xf32, #tpu.memory_space<hbm>> -> memref<1x640x128xf32, #tpu.memory_space<hbm>>
      %dma_wait3A_48 = tpu.memref_squeeze %dma_wait3A_47 : memref<1x640x128xf32, #tpu.memory_space<hbm>> -> memref<640x128xf32, #tpu.memory_space<hbm>>
      %dma_wait3A_49 = arith.constant 0 : i32
      %dma_wait3A_50 = tpu.memref_slice %arg6[%mul3A_40, %dma_wait3A_49] : memref<10240x128xf32, #tpu.memory_space<vmem_shared>> -> memref<640x128xf32, #tpu.memory_space<vmem_shared>>
      tpu.wait_dma2 semaphore(%run_scoped3A : memref<!tpu.dma_semaphore, #tpu.memory_space<semaphore_mem>>) src(%dma_wait3A_50 : memref<640x128xf32, #tpu.memory_space<vmem_shared>>) dst(%dma_wait3A_48 : memref<640x128xf32, #tpu.memory_space<hbm>>)
      tpu.yield
    }) : () -> ()
    return
  }
}

#map = affine_map<(d0, d1) -> (0, 0)>
#map1 = affine_map<(d0, d1) -> (0, 0, 0, 0)>
#map2 = affine_map<(d0, d1) -> (0, 0, 0)>
module attributes {stable_mosaic.version = 14 : i64} {
  func.func @_prop_body(%arg0: i32, %arg1: i32, %arg2: memref<10240x128xf32, #tpu.memory_space<hbm>>, %arg3: memref<2x16x79x128xi32, #tpu.memory_space<hbm>>, %arg4: memref<2x16x79x128xi32, #tpu.memory_space<hbm>>, %arg5: memref<2x10240x128xf32, #tpu.memory_space<hbm>>, %arg6: memref<79x128xi32, #tpu.memory_space<vmem>>, %arg7: memref<79x128xi32, #tpu.memory_space<vmem>>, %arg8: memref<128x128xf32, #tpu.memory_space<vmem>>, %arg9: memref<10240x128xf32, #tpu.memory_space<vmem_shared>>, %arg10: memref<!tpu.dma_semaphore, #tpu.memory_space<semaphore_mem>>) attributes {dimension_semantics = [#tpu.dimension_semantics<core_parallel>, #tpu.dimension_semantics<subcore_parallel>], iteration_bounds = array<i64: 2, 16>, scalar_prefetch = 0 : i64, scratch_operands = 5 : i64, tpu.core_type = #tpu.core_type<sc_vector_subcore>, window_params = [{transform_indices = #map}, {transform_indices = #map1}, {transform_indices = #map1}, {transform_indices = #map2}]} {
    "tpu.region"() ({
      %run_scoped3A = tpu.sem_alloc : memref<!tpu.dma_semaphore, #tpu.memory_space<semaphore_mem>>
      %dma_start3A = arith.constant 0 : i32
      %dma_start3A_42 = arith.constant 0 : i32
      %dma_start3A_43 = tpu.memref_slice %arg3[%arg0, %arg1, %dma_start3A, %dma_start3A_42] : memref<2x16x79x128xi32, #tpu.memory_space<hbm>> -> memref<1x1x79x128xi32, #tpu.memory_space<hbm>>
      %dma_start3A_44 = tpu.memref_squeeze %dma_start3A_43 : memref<1x1x79x128xi32, #tpu.memory_space<hbm>> -> memref<79x128xi32, #tpu.memory_space<hbm>>
      %dma_start3A_45 = arith.constant 0 : i32
      %dma_start3A_46 = arith.constant 0 : i32
      %dma_start3A_47 = tpu.memref_slice %arg3[%arg0, %arg1, %dma_start3A_45, %dma_start3A_46] : memref<2x16x79x128xi32, #tpu.memory_space<hbm>> -> memref<1x1x79x128xi32, #tpu.memory_space<hbm>>
      %dma_start3A_48 = tpu.memref_squeeze %dma_start3A_47 : memref<1x1x79x128xi32, #tpu.memory_space<hbm>> -> memref<79x128xi32, #tpu.memory_space<hbm>>
      tpu.enqueue_dma source(%dma_start3A_48 : memref<79x128xi32, #tpu.memory_space<hbm>>) target(%arg6 : memref<79x128xi32, #tpu.memory_space<vmem>>) target_semaphore(%run_scoped3A : memref<!tpu.dma_semaphore, #tpu.memory_space<semaphore_mem>>)
      %dma_wait3A = arith.constant 0 : i32
      %dma_wait3A_49 = arith.constant 0 : i32
      %dma_wait3A_50 = tpu.memref_slice %arg3[%arg0, %arg1, %dma_wait3A, %dma_wait3A_49] : memref<2x16x79x128xi32, #tpu.memory_space<hbm>> -> memref<1x1x79x128xi32, #tpu.memory_space<hbm>>
      %dma_wait3A_51 = tpu.memref_squeeze %dma_wait3A_50 : memref<1x1x79x128xi32, #tpu.memory_space<hbm>> -> memref<79x128xi32, #tpu.memory_space<hbm>>
      %dma_wait3A_52 = arith.constant 0 : i32
      %dma_wait3A_53 = arith.constant 0 : i32
      %dma_wait3A_54 = tpu.memref_slice %arg3[%arg0, %arg1, %dma_wait3A_52, %dma_wait3A_53] : memref<2x16x79x128xi32, #tpu.memory_space<hbm>> -> memref<1x1x79x128xi32, #tpu.memory_space<hbm>>
      %dma_wait3A_55 = tpu.memref_squeeze %dma_wait3A_54 : memref<1x1x79x128xi32, #tpu.memory_space<hbm>> -> memref<79x128xi32, #tpu.memory_space<hbm>>
      tpu.wait_dma2 semaphore(%run_scoped3A : memref<!tpu.dma_semaphore, #tpu.memory_space<semaphore_mem>>) src(%dma_wait3A_55 : memref<79x128xi32, #tpu.memory_space<hbm>>) dst(%arg6 : memref<79x128xi32, #tpu.memory_space<vmem>>)
      tpu.yield
    }) : () -> ()
    "tpu.region"() ({
      %run_scoped3A = tpu.sem_alloc : memref<!tpu.dma_semaphore, #tpu.memory_space<semaphore_mem>>
      %dma_start3A = arith.constant 0 : i32
      %dma_start3A_42 = arith.constant 0 : i32
      %dma_start3A_43 = tpu.memref_slice %arg4[%arg0, %arg1, %dma_start3A, %dma_start3A_42] : memref<2x16x79x128xi32, #tpu.memory_space<hbm>> -> memref<1x1x79x128xi32, #tpu.memory_space<hbm>>
      %dma_start3A_44 = tpu.memref_squeeze %dma_start3A_43 : memref<1x1x79x128xi32, #tpu.memory_space<hbm>> -> memref<79x128xi32, #tpu.memory_space<hbm>>
      %dma_start3A_45 = arith.constant 0 : i32
      %dma_start3A_46 = arith.constant 0 : i32
      %dma_start3A_47 = tpu.memref_slice %arg4[%arg0, %arg1, %dma_start3A_45, %dma_start3A_46] : memref<2x16x79x128xi32, #tpu.memory_space<hbm>> -> memref<1x1x79x128xi32, #tpu.memory_space<hbm>>
      %dma_start3A_48 = tpu.memref_squeeze %dma_start3A_47 : memref<1x1x79x128xi32, #tpu.memory_space<hbm>> -> memref<79x128xi32, #tpu.memory_space<hbm>>
      tpu.enqueue_dma source(%dma_start3A_48 : memref<79x128xi32, #tpu.memory_space<hbm>>) target(%arg7 : memref<79x128xi32, #tpu.memory_space<vmem>>) target_semaphore(%run_scoped3A : memref<!tpu.dma_semaphore, #tpu.memory_space<semaphore_mem>>)
      %dma_wait3A = arith.constant 0 : i32
      %dma_wait3A_49 = arith.constant 0 : i32
      %dma_wait3A_50 = tpu.memref_slice %arg4[%arg0, %arg1, %dma_wait3A, %dma_wait3A_49] : memref<2x16x79x128xi32, #tpu.memory_space<hbm>> -> memref<1x1x79x128xi32, #tpu.memory_space<hbm>>
      %dma_wait3A_51 = tpu.memref_squeeze %dma_wait3A_50 : memref<1x1x79x128xi32, #tpu.memory_space<hbm>> -> memref<79x128xi32, #tpu.memory_space<hbm>>
      %dma_wait3A_52 = arith.constant 0 : i32
      %dma_wait3A_53 = arith.constant 0 : i32
      %dma_wait3A_54 = tpu.memref_slice %arg4[%arg0, %arg1, %dma_wait3A_52, %dma_wait3A_53] : memref<2x16x79x128xi32, #tpu.memory_space<hbm>> -> memref<1x1x79x128xi32, #tpu.memory_space<hbm>>
      %dma_wait3A_55 = tpu.memref_squeeze %dma_wait3A_54 : memref<1x1x79x128xi32, #tpu.memory_space<hbm>> -> memref<79x128xi32, #tpu.memory_space<hbm>>
      tpu.wait_dma2 semaphore(%run_scoped3A : memref<!tpu.dma_semaphore, #tpu.memory_space<semaphore_mem>>) src(%dma_wait3A_55 : memref<79x128xi32, #tpu.memory_space<hbm>>) dst(%arg7 : memref<79x128xi32, #tpu.memory_space<vmem>>)
      tpu.yield
    }) : () -> ()
    %scan3A = arith.constant 0 : i32
    %scan3A_0 = arith.constant 0 : i32
    %scan3A_1 = arith.constant 128 : i32
    %scan3A_2 = arith.addi %scan3A_0, %scan3A_1 : i32
    %scan3A_3 = arith.constant 1 : i32
    %scan3A_4 = scf.for %scan3A_42 = %scan3A_0 to %scan3A_2 step %scan3A_3 iter_args(%scan3A_43 = %scan3A) -> (i32)  : i32 {
      %broadcast_in_dim3A = arith.constant 0.000000e+00 : f32
      %broadcast_in_dim3A_44 = vector.broadcast %broadcast_in_dim3A : f32 to vector<16xf32>
      %swap3A = arith.index_cast %scan3A_42 : i32 to index
      %swap3A_45 = arith.constant 0 : index
      %swap3A_46 = tpu.vector_load %arg8[%swap3A, %swap3A_45] {strides = array<i32>} : memref<128x128xf32, #tpu.memory_space<vmem>>, vector<1x16xf32>,
      %swap3A_47 = vector.shape_cast %swap3A_46 : vector<1x16xf32> to vector<16xf32>
      %swap3A_48 = vector.shape_cast %broadcast_in_dim3A_44 : vector<16xf32> to vector<1x16xf32>
      tpu.vector_store %arg8[%swap3A, %swap3A_45], %swap3A_48 {strides = array<i32>} : memref<128x128xf32, #tpu.memory_space<vmem>>, vector<1x16xf32>,
      %broadcast_in_dim3A_49 = arith.constant 0.000000e+00 : f32
      %broadcast_in_dim3A_50 = vector.broadcast %broadcast_in_dim3A_49 : f32 to vector<16xf32>
      %swap3A_51 = arith.index_cast %scan3A_42 : i32 to index
      %swap3A_52 = arith.constant 16 : index
      %swap3A_53 = tpu.vector_load %arg8[%swap3A_51, %swap3A_52] {strides = array<i32>} : memref<128x128xf32, #tpu.memory_space<vmem>>, vector<1x16xf32>,
      %swap3A_54 = vector.shape_cast %swap3A_53 : vector<1x16xf32> to vector<16xf32>
      %swap3A_55 = vector.shape_cast %broadcast_in_dim3A_50 : vector<16xf32> to vector<1x16xf32>
      tpu.vector_store %arg8[%swap3A_51, %swap3A_52], %swap3A_55 {strides = array<i32>} : memref<128x128xf32, #tpu.memory_space<vmem>>, vector<1x16xf32>,
      %broadcast_in_dim3A_56 = arith.constant 0.000000e+00 : f32
      %broadcast_in_dim3A_57 = vector.broadcast %broadcast_in_dim3A_56 : f32 to vector<16xf32>
      %swap3A_58 = arith.index_cast %scan3A_42 : i32 to index
      %swap3A_59 = arith.constant 32 : index
      %swap3A_60 = tpu.vector_load %arg8[%swap3A_58, %swap3A_59] {strides = array<i32>} : memref<128x128xf32, #tpu.memory_space<vmem>>, vector<1x16xf32>,
      %swap3A_61 = vector.shape_cast %swap3A_60 : vector<1x16xf32> to vector<16xf32>
      %swap3A_62 = vector.shape_cast %broadcast_in_dim3A_57 : vector<16xf32> to vector<1x16xf32>
      tpu.vector_store %arg8[%swap3A_58, %swap3A_59], %swap3A_62 {strides = array<i32>} : memref<128x128xf32, #tpu.memory_space<vmem>>, vector<1x16xf32>,
      %broadcast_in_dim3A_63 = arith.constant 0.000000e+00 : f32
      %broadcast_in_dim3A_64 = vector.broadcast %broadcast_in_dim3A_63 : f32 to vector<16xf32>
      %swap3A_65 = arith.index_cast %scan3A_42 : i32 to index
      %swap3A_66 = arith.constant 48 : index
      %swap3A_67 = tpu.vector_load %arg8[%swap3A_65, %swap3A_66] {strides = array<i32>} : memref<128x128xf32, #tpu.memory_space<vmem>>, vector<1x16xf32>,
      %swap3A_68 = vector.shape_cast %swap3A_67 : vector<1x16xf32> to vector<16xf32>
      %swap3A_69 = vector.shape_cast %broadcast_in_dim3A_64 : vector<16xf32> to vector<1x16xf32>
      tpu.vector_store %arg8[%swap3A_65, %swap3A_66], %swap3A_69 {strides = array<i32>} : memref<128x128xf32, #tpu.memory_space<vmem>>, vector<1x16xf32>,
      %broadcast_in_dim3A_70 = arith.constant 0.000000e+00 : f32
      %broadcast_in_dim3A_71 = vector.broadcast %broadcast_in_dim3A_70 : f32 to vector<16xf32>
      %swap3A_72 = arith.index_cast %scan3A_42 : i32 to index
      %swap3A_73 = arith.constant 64 : index
      %swap3A_74 = tpu.vector_load %arg8[%swap3A_72, %swap3A_73] {strides = array<i32>} : memref<128x128xf32, #tpu.memory_space<vmem>>, vector<1x16xf32>,
      %swap3A_75 = vector.shape_cast %swap3A_74 : vector<1x16xf32> to vector<16xf32>
      %swap3A_76 = vector.shape_cast %broadcast_in_dim3A_71 : vector<16xf32> to vector<1x16xf32>
      tpu.vector_store %arg8[%swap3A_72, %swap3A_73], %swap3A_76 {strides = array<i32>} : memref<128x128xf32, #tpu.memory_space<vmem>>, vector<1x16xf32>,
      %broadcast_in_dim3A_77 = arith.constant 0.000000e+00 : f32
      %broadcast_in_dim3A_78 = vector.broadcast %broadcast_in_dim3A_77 : f32 to vector<16xf32>
      %swap3A_79 = arith.index_cast %scan3A_42 : i32 to index
      %swap3A_80 = arith.constant 80 : index
      %swap3A_81 = tpu.vector_load %arg8[%swap3A_79, %swap3A_80] {strides = array<i32>} : memref<128x128xf32, #tpu.memory_space<vmem>>, vector<1x16xf32>,
      %swap3A_82 = vector.shape_cast %swap3A_81 : vector<1x16xf32> to vector<16xf32>
      %swap3A_83 = vector.shape_cast %broadcast_in_dim3A_78 : vector<16xf32> to vector<1x16xf32>
      tpu.vector_store %arg8[%swap3A_79, %swap3A_80], %swap3A_83 {strides = array<i32>} : memref<128x128xf32, #tpu.memory_space<vmem>>, vector<1x16xf32>,
      %broadcast_in_dim3A_84 = arith.constant 0.000000e+00 : f32
      %broadcast_in_dim3A_85 = vector.broadcast %broadcast_in_dim3A_84 : f32 to vector<16xf32>
      %swap3A_86 = arith.index_cast %scan3A_42 : i32 to index
      %swap3A_87 = arith.constant 96 : index
      %swap3A_88 = tpu.vector_load %arg8[%swap3A_86, %swap3A_87] {strides = array<i32>} : memref<128x128xf32, #tpu.memory_space<vmem>>, vector<1x16xf32>,
      %swap3A_89 = vector.shape_cast %swap3A_88 : vector<1x16xf32> to vector<16xf32>
      %swap3A_90 = vector.shape_cast %broadcast_in_dim3A_85 : vector<16xf32> to vector<1x16xf32>
      tpu.vector_store %arg8[%swap3A_86, %swap3A_87], %swap3A_90 {strides = array<i32>} : memref<128x128xf32, #tpu.memory_space<vmem>>, vector<1x16xf32>,
      %broadcast_in_dim3A_91 = arith.constant 0.000000e+00 : f32
      %broadcast_in_dim3A_92 = vector.broadcast %broadcast_in_dim3A_91 : f32 to vector<16xf32>
      %swap3A_93 = arith.index_cast %scan3A_42 : i32 to index
      %swap3A_94 = arith.constant 112 : index
      %swap3A_95 = tpu.vector_load %arg8[%swap3A_93, %swap3A_94] {strides = array<i32>} : memref<128x128xf32, #tpu.memory_space<vmem>>, vector<1x16xf32>,
      %swap3A_96 = vector.shape_cast %swap3A_95 : vector<1x16xf32> to vector<16xf32>
      %swap3A_97 = vector.shape_cast %broadcast_in_dim3A_92 : vector<16xf32> to vector<1x16xf32>
      tpu.vector_store %arg8[%swap3A_93, %swap3A_94], %swap3A_97 {strides = array<i32>} : memref<128x128xf32, #tpu.memory_space<vmem>>, vector<1x16xf32>,
      %scan3A_98 = arith.constant 0 : i32
      scf.yield %scan3A_98 : i32
    }
    %scan3A_5 = arith.constant 128 : i32
    %mul3A = arith.constant 640 : i32
    %mul3A_6 = arith.muli %arg1, %mul3A : i32
    %add3A = arith.constant 0 : i32
    %add3A_7 = arith.addi %mul3A_6, %add3A : i32
    "tpu.region"() ({
      %run_scoped3A = tpu.sem_alloc : memref<!tpu.dma_semaphore, #tpu.memory_space<semaphore_mem>>
      %dma_start3A = arith.constant 0 : i32
      %dma_start3A_42 = tpu.memref_slice %arg9[%add3A_7, %dma_start3A] : memref<10240x128xf32, #tpu.memory_space<vmem_shared>> -> memref<128x128xf32, #tpu.memory_space<vmem_shared>>
      %dma_start3A_43 = arith.constant 0 : i32
      %dma_start3A_44 = tpu.memref_slice %arg9[%add3A_7, %dma_start3A_43] : memref<10240x128xf32, #tpu.memory_space<vmem_shared>> -> memref<128x128xf32, #tpu.memory_space<vmem_shared>>
      tpu.enqueue_dma source(%arg8 : memref<128x128xf32, #tpu.memory_space<vmem>>) target(%dma_start3A_44 : memref<128x128xf32, #tpu.memory_space<vmem_shared>>) target_semaphore(%run_scoped3A : memref<!tpu.dma_semaphore, #tpu.memory_space<semaphore_mem>>)
      %dma_wait3A = arith.constant 0 : i32
      %dma_wait3A_45 = tpu.memref_slice %arg9[%add3A_7, %dma_wait3A] : memref<10240x128xf32, #tpu.memory_space<vmem_shared>> -> memref<128x128xf32, #tpu.memory_space<vmem_shared>>
      %dma_wait3A_46 = arith.constant 0 : i32
      %dma_wait3A_47 = tpu.memref_slice %arg9[%add3A_7, %dma_wait3A_46] : memref<10240x128xf32, #tpu.memory_space<vmem_shared>> -> memref<128x128xf32, #tpu.memory_space<vmem_shared>>
      tpu.wait_dma2 semaphore(%run_scoped3A : memref<!tpu.dma_semaphore, #tpu.memory_space<semaphore_mem>>) src(%arg8 : memref<128x128xf32, #tpu.memory_space<vmem>>) dst(%dma_wait3A_47 : memref<128x128xf32, #tpu.memory_space<vmem_shared>>)
      tpu.yield
    }) : () -> ()
    %mul3A_8 = arith.constant 640 : i32
    %mul3A_9 = arith.muli %arg1, %mul3A_8 : i32
    %add3A_10 = arith.constant 128 : i32
    %add3A_11 = arith.addi %mul3A_9, %add3A_10 : i32
    "tpu.region"() ({
      %run_scoped3A = tpu.sem_alloc : memref<!tpu.dma_semaphore, #tpu.memory_space<semaphore_mem>>
      %dma_start3A = arith.constant 0 : i32
      %dma_start3A_42 = tpu.memref_slice %arg9[%add3A_11, %dma_start3A] : memref<10240x128xf32, #tpu.memory_space<vmem_shared>> -> memref<128x128xf32, #tpu.memory_space<vmem_shared>>
      %dma_start3A_43 = arith.constant 0 : i32
      %dma_start3A_44 = tpu.memref_slice %arg9[%add3A_11, %dma_start3A_43] : memref<10240x128xf32, #tpu.memory_space<vmem_shared>> -> memref<128x128xf32, #tpu.memory_space<vmem_shared>>
      tpu.enqueue_dma source(%arg8 : memref<128x128xf32, #tpu.memory_space<vmem>>) target(%dma_start3A_44 : memref<128x128xf32, #tpu.memory_space<vmem_shared>>) target_semaphore(%run_scoped3A : memref<!tpu.dma_semaphore, #tpu.memory_space<semaphore_mem>>)
      %dma_wait3A = arith.constant 0 : i32
      %dma_wait3A_45 = tpu.memref_slice %arg9[%add3A_11, %dma_wait3A] : memref<10240x128xf32, #tpu.memory_space<vmem_shared>> -> memref<128x128xf32, #tpu.memory_space<vmem_shared>>
      %dma_wait3A_46 = arith.constant 0 : i32
      %dma_wait3A_47 = tpu.memref_slice %arg9[%add3A_11, %dma_wait3A_46] : memref<10240x128xf32, #tpu.memory_space<vmem_shared>> -> memref<128x128xf32, #tpu.memory_space<vmem_shared>>
      tpu.wait_dma2 semaphore(%run_scoped3A : memref<!tpu.dma_semaphore, #tpu.memory_space<semaphore_mem>>) src(%arg8 : memref<128x128xf32, #tpu.memory_space<vmem>>) dst(%dma_wait3A_47 : memref<128x128xf32, #tpu.memory_space<vmem_shared>>)
      tpu.yield
    }) : () -> ()
    %mul3A_12 = arith.constant 640 : i32
    %mul3A_13 = arith.muli %arg1, %mul3A_12 : i32
    %add3A_14 = arith.constant 256 : i32
    %add3A_15 = arith.addi %mul3A_13, %add3A_14 : i32
    "tpu.region"() ({
      %run_scoped3A = tpu.sem_alloc : memref<!tpu.dma_semaphore, #tpu.memory_space<semaphore_mem>>
      %dma_start3A = arith.constant 0 : i32
      %dma_start3A_42 = tpu.memref_slice %arg9[%add3A_15, %dma_start3A] : memref<10240x128xf32, #tpu.memory_space<vmem_shared>> -> memref<128x128xf32, #tpu.memory_space<vmem_shared>>
      %dma_start3A_43 = arith.constant 0 : i32
      %dma_start3A_44 = tpu.memref_slice %arg9[%add3A_15, %dma_start3A_43] : memref<10240x128xf32, #tpu.memory_space<vmem_shared>> -> memref<128x128xf32, #tpu.memory_space<vmem_shared>>
      tpu.enqueue_dma source(%arg8 : memref<128x128xf32, #tpu.memory_space<vmem>>) target(%dma_start3A_44 : memref<128x128xf32, #tpu.memory_space<vmem_shared>>) target_semaphore(%run_scoped3A : memref<!tpu.dma_semaphore, #tpu.memory_space<semaphore_mem>>)
      %dma_wait3A = arith.constant 0 : i32
      %dma_wait3A_45 = tpu.memref_slice %arg9[%add3A_15, %dma_wait3A] : memref<10240x128xf32, #tpu.memory_space<vmem_shared>> -> memref<128x128xf32, #tpu.memory_space<vmem_shared>>
      %dma_wait3A_46 = arith.constant 0 : i32
      %dma_wait3A_47 = tpu.memref_slice %arg9[%add3A_15, %dma_wait3A_46] : memref<10240x128xf32, #tpu.memory_space<vmem_shared>> -> memref<128x128xf32, #tpu.memory_space<vmem_shared>>
      tpu.wait_dma2 semaphore(%run_scoped3A : memref<!tpu.dma_semaphore, #tpu.memory_space<semaphore_mem>>) src(%arg8 : memref<128x128xf32, #tpu.memory_space<vmem>>) dst(%dma_wait3A_47 : memref<128x128xf32, #tpu.memory_space<vmem_shared>>)
      tpu.yield
    }) : () -> ()
    %mul3A_16 = arith.constant 640 : i32
    %mul3A_17 = arith.muli %arg1, %mul3A_16 : i32
    %add3A_18 = arith.constant 384 : i32
    %add3A_19 = arith.addi %mul3A_17, %add3A_18 : i32
    "tpu.region"() ({
      %run_scoped3A = tpu.sem_alloc : memref<!tpu.dma_semaphore, #tpu.memory_space<semaphore_mem>>
      %dma_start3A = arith.constant 0 : i32
      %dma_start3A_42 = tpu.memref_slice %arg9[%add3A_19, %dma_start3A] : memref<10240x128xf32, #tpu.memory_space<vmem_shared>> -> memref<128x128xf32, #tpu.memory_space<vmem_shared>>
      %dma_start3A_43 = arith.constant 0 : i32
      %dma_start3A_44 = tpu.memref_slice %arg9[%add3A_19, %dma_start3A_43] : memref<10240x128xf32, #tpu.memory_space<vmem_shared>> -> memref<128x128xf32, #tpu.memory_space<vmem_shared>>
      tpu.enqueue_dma source(%arg8 : memref<128x128xf32, #tpu.memory_space<vmem>>) target(%dma_start3A_44 : memref<128x128xf32, #tpu.memory_space<vmem_shared>>) target_semaphore(%run_scoped3A : memref<!tpu.dma_semaphore, #tpu.memory_space<semaphore_mem>>)
      %dma_wait3A = arith.constant 0 : i32
      %dma_wait3A_45 = tpu.memref_slice %arg9[%add3A_19, %dma_wait3A] : memref<10240x128xf32, #tpu.memory_space<vmem_shared>> -> memref<128x128xf32, #tpu.memory_space<vmem_shared>>
      %dma_wait3A_46 = arith.constant 0 : i32
      %dma_wait3A_47 = tpu.memref_slice %arg9[%add3A_19, %dma_wait3A_46] : memref<10240x128xf32, #tpu.memory_space<vmem_shared>> -> memref<128x128xf32, #tpu.memory_space<vmem_shared>>
      tpu.wait_dma2 semaphore(%run_scoped3A : memref<!tpu.dma_semaphore, #tpu.memory_space<semaphore_mem>>) src(%arg8 : memref<128x128xf32, #tpu.memory_space<vmem>>) dst(%dma_wait3A_47 : memref<128x128xf32, #tpu.memory_space<vmem_shared>>)
      tpu.yield
    }) : () -> ()
    %mul3A_20 = arith.constant 640 : i32
    %mul3A_21 = arith.muli %arg1, %mul3A_20 : i32
    %add3A_22 = arith.constant 512 : i32
    %add3A_23 = arith.addi %mul3A_21, %add3A_22 : i32
    "tpu.region"() ({
      %run_scoped3A = tpu.sem_alloc : memref<!tpu.dma_semaphore, #tpu.memory_space<semaphore_mem>>
      %dma_start3A = arith.constant 0 : i32
      %dma_start3A_42 = tpu.memref_slice %arg9[%add3A_23, %dma_start3A] : memref<10240x128xf32, #tpu.memory_space<vmem_shared>> -> memref<128x128xf32, #tpu.memory_space<vmem_shared>>
      %dma_start3A_43 = arith.constant 0 : i32
      %dma_start3A_44 = tpu.memref_slice %arg9[%add3A_23, %dma_start3A_43] : memref<10240x128xf32, #tpu.memory_space<vmem_shared>> -> memref<128x128xf32, #tpu.memory_space<vmem_shared>>
      tpu.enqueue_dma source(%arg8 : memref<128x128xf32, #tpu.memory_space<vmem>>) target(%dma_start3A_44 : memref<128x128xf32, #tpu.memory_space<vmem_shared>>) target_semaphore(%run_scoped3A : memref<!tpu.dma_semaphore, #tpu.memory_space<semaphore_mem>>)
      %dma_wait3A = arith.constant 0 : i32
      %dma_wait3A_45 = tpu.memref_slice %arg9[%add3A_23, %dma_wait3A] : memref<10240x128xf32, #tpu.memory_space<vmem_shared>> -> memref<128x128xf32, #tpu.memory_space<vmem_shared>>
      %dma_wait3A_46 = arith.constant 0 : i32
      %dma_wait3A_47 = tpu.memref_slice %arg9[%add3A_23, %dma_wait3A_46] : memref<10240x128xf32, #tpu.memory_space<vmem_shared>> -> memref<128x128xf32, #tpu.memory_space<vmem_shared>>
      tpu.wait_dma2 semaphore(%run_scoped3A : memref<!tpu.dma_semaphore, #tpu.memory_space<semaphore_mem>>) src(%arg8 : memref<128x128xf32, #tpu.memory_space<vmem>>) dst(%dma_wait3A_47 : memref<128x128xf32, #tpu.memory_space<vmem_shared>>)
      tpu.yield
    }) : () -> ()
    %barrier3A = arith.constant 0 : index
    tpu.barrier barrier_id(%barrier3A)
    %eq3A = arith.constant 0 : i32
    %eq3A_24 = arith.cmpi eq, %arg0, %eq3A : i32
    %jit3A = arith.constant 78 : i32
    %jit3A_25 = arith.constant 79 : i32
    %select_n3A = arith.select %eq3A_24, %jit3A, %jit3A_25 : i32
    %while3A = arith.constant 0 : i32
    %while3A_26 = arith.constant 0 : i32
    %while3A_27 = arith.subi %select_n3A, %while3A : i32
    %while3A_28 = arith.addi %while3A, %while3A_27 : i32
    %while3A_29 = arith.constant 1 : i32
    %while3A_30 = arith.divsi %while3A_27, %while3A_29 : i32
    %while3A_31 = arith.muli %while3A_30, %while3A_29 : i32
    %while3A_32 = arith.addi %while3A, %while3A_31 : i32
    %while3A_33 = arith.constant 1 : i32
    %while3A_34 = scf.for %while3A_42 = %while3A to %while3A_32 step %while3A_33 iter_args(%while3A_43 = %while3A_26) -> (i32)  : i32 {
      %dma_start3A = arith.constant 0 : i32
      %dma_start3A_44 = tpu.memref_slice %arg6[%while3A_42, %dma_start3A] : memref<79x128xi32, #tpu.memory_space<vmem>> -> memref<1x128xi32, #tpu.memory_space<vmem>>
      %dma_start3A_45 = tpu.memref_squeeze %dma_start3A_44 : memref<1x128xi32, #tpu.memory_space<vmem>> -> memref<128xi32, #tpu.memory_space<vmem>>
      %dma_start3A_46 = arith.constant 0 : i32
      %dma_start3A_47 = arith.constant 0 : i32
      %dma_start3A_48 = tpu.memref_slice %arg2[%dma_start3A_46, %dma_start3A_47] : memref<10240x128xf32, #tpu.memory_space<hbm>> -> memref<10240x128xf32, #tpu.memory_space<hbm>>
      tpu.enqueue_indirect_dma source(%dma_start3A_48 : memref<10240x128xf32, #tpu.memory_space<hbm>>) target(%arg8 : memref<128x128xf32, #tpu.memory_space<vmem>>) offsets(%dma_start3A_45 : memref<128xi32, #tpu.memory_space<vmem>>) semaphore(%arg10 : memref<!tpu.dma_semaphore, #tpu.memory_space<semaphore_mem>>)
      %dma_wait3A = arith.constant 0 : i32
      %dma_wait3A_49 = tpu.memref_slice %arg6[%while3A_42, %dma_wait3A] : memref<79x128xi32, #tpu.memory_space<vmem>> -> memref<1x128xi32, #tpu.memory_space<vmem>>
      %dma_wait3A_50 = tpu.memref_squeeze %dma_wait3A_49 : memref<1x128xi32, #tpu.memory_space<vmem>> -> memref<128xi32, #tpu.memory_space<vmem>>
      %dma_wait3A_51 = arith.constant 0 : i32
      %dma_wait3A_52 = arith.constant 0 : i32
      %dma_wait3A_53 = tpu.memref_slice %arg2[%dma_wait3A_51, %dma_wait3A_52] : memref<10240x128xf32, #tpu.memory_space<hbm>> -> memref<10240x128xf32, #tpu.memory_space<hbm>>
      tpu.wait_indirect_dma semaphore(%arg10 : memref<!tpu.dma_semaphore, #tpu.memory_space<semaphore_mem>>) src(%dma_wait3A_53 : memref<10240x128xf32, #tpu.memory_space<hbm>>) dst(%arg8 : memref<128x128xf32, #tpu.memory_space<vmem>>)
      "tpu.region"() ({
        %run_scoped3A = tpu.sem_alloc : memref<!tpu.dma_semaphore, #tpu.memory_space<semaphore_mem>>
        %dma_start3A_55 = arith.constant 0 : i32
        %dma_start3A_56 = tpu.memref_slice %arg7[%while3A_42, %dma_start3A_55] : memref<79x128xi32, #tpu.memory_space<vmem>> -> memref<1x128xi32, #tpu.memory_space<vmem>>
        %dma_start3A_57 = tpu.memref_squeeze %dma_start3A_56 : memref<1x128xi32, #tpu.memory_space<vmem>> -> memref<128xi32, #tpu.memory_space<vmem>>
        %dma_start3A_58 = arith.constant 0 : i32
        %dma_start3A_59 = arith.constant 0 : i32
        %dma_start3A_60 = tpu.memref_slice %arg9[%dma_start3A_58, %dma_start3A_59] : memref<10240x128xf32, #tpu.memory_space<vmem_shared>> -> memref<10240x128xf32, #tpu.memory_space<vmem_shared>>
        tpu.enqueue_indirect_dma source(%arg8 : memref<128x128xf32, #tpu.memory_space<vmem>>) target(%dma_start3A_60 : memref<10240x128xf32, #tpu.memory_space<vmem_shared>>) offsets(%dma_start3A_57 : memref<128xi32, #tpu.memory_space<vmem>>) semaphore(%run_scoped3A : memref<!tpu.dma_semaphore, #tpu.memory_space<semaphore_mem>>) {add = true}
        %dma_wait3A_61 = arith.constant 0 : i32
        %dma_wait3A_62 = tpu.memref_slice %arg7[%while3A_42, %dma_wait3A_61] : memref<79x128xi32, #tpu.memory_space<vmem>> -> memref<1x128xi32, #tpu.memory_space<vmem>>
        %dma_wait3A_63 = tpu.memref_squeeze %dma_wait3A_62 : memref<1x128xi32, #tpu.memory_space<vmem>> -> memref<128xi32, #tpu.memory_space<vmem>>
        %dma_wait3A_64 = arith.constant 0 : i32
        %dma_wait3A_65 = arith.constant 0 : i32
        %dma_wait3A_66 = tpu.memref_slice %arg9[%dma_wait3A_64, %dma_wait3A_65] : memref<10240x128xf32, #tpu.memory_space<vmem_shared>> -> memref<10240x128xf32, #tpu.memory_space<vmem_shared>>
        tpu.wait_indirect_dma semaphore(%run_scoped3A : memref<!tpu.dma_semaphore, #tpu.memory_space<semaphore_mem>>) src(%arg8 : memref<128x128xf32, #tpu.memory_space<vmem>>) dst(%dma_wait3A_66 : memref<10240x128xf32, #tpu.memory_space<vmem_shared>>)
        tpu.yield
      }) : () -> ()
      %while3A_54 = arith.constant 0 : i32
      scf.yield %while3A_54 : i32
    }
    %while3A_35 = arith.constant 1 : i32
    %while3A_36 = scf.for %while3A_42 = %while3A_32 to %while3A_28 step %while3A_35 iter_args(%while3A_43 = %while3A_34) -> (i32)  : i32 {
      %dma_start3A = arith.constant 0 : i32
      %dma_start3A_44 = tpu.memref_slice %arg6[%while3A_42, %dma_start3A] : memref<79x128xi32, #tpu.memory_space<vmem>> -> memref<1x128xi32, #tpu.memory_space<vmem>>
      %dma_start3A_45 = tpu.memref_squeeze %dma_start3A_44 : memref<1x128xi32, #tpu.memory_space<vmem>> -> memref<128xi32, #tpu.memory_space<vmem>>
      %dma_start3A_46 = arith.constant 0 : i32
      %dma_start3A_47 = arith.constant 0 : i32
      %dma_start3A_48 = tpu.memref_slice %arg2[%dma_start3A_46, %dma_start3A_47] : memref<10240x128xf32, #tpu.memory_space<hbm>> -> memref<10240x128xf32, #tpu.memory_space<hbm>>
      tpu.enqueue_indirect_dma source(%dma_start3A_48 : memref<10240x128xf32, #tpu.memory_space<hbm>>) target(%arg8 : memref<128x128xf32, #tpu.memory_space<vmem>>) offsets(%dma_start3A_45 : memref<128xi32, #tpu.memory_space<vmem>>) semaphore(%arg10 : memref<!tpu.dma_semaphore, #tpu.memory_space<semaphore_mem>>)
      %dma_wait3A = arith.constant 0 : i32
      %dma_wait3A_49 = tpu.memref_slice %arg6[%while3A_42, %dma_wait3A] : memref<79x128xi32, #tpu.memory_space<vmem>> -> memref<1x128xi32, #tpu.memory_space<vmem>>
      %dma_wait3A_50 = tpu.memref_squeeze %dma_wait3A_49 : memref<1x128xi32, #tpu.memory_space<vmem>> -> memref<128xi32, #tpu.memory_space<vmem>>
      %dma_wait3A_51 = arith.constant 0 : i32
      %dma_wait3A_52 = arith.constant 0 : i32
      %dma_wait3A_53 = tpu.memref_slice %arg2[%dma_wait3A_51, %dma_wait3A_52] : memref<10240x128xf32, #tpu.memory_space<hbm>> -> memref<10240x128xf32, #tpu.memory_space<hbm>>
      tpu.wait_indirect_dma semaphore(%arg10 : memref<!tpu.dma_semaphore, #tpu.memory_space<semaphore_mem>>) src(%dma_wait3A_53 : memref<10240x128xf32, #tpu.memory_space<hbm>>) dst(%arg8 : memref<128x128xf32, #tpu.memory_space<vmem>>)
      "tpu.region"() ({
        %run_scoped3A = tpu.sem_alloc : memref<!tpu.dma_semaphore, #tpu.memory_space<semaphore_mem>>
        %dma_start3A_55 = arith.constant 0 : i32
        %dma_start3A_56 = tpu.memref_slice %arg7[%while3A_42, %dma_start3A_55] : memref<79x128xi32, #tpu.memory_space<vmem>> -> memref<1x128xi32, #tpu.memory_space<vmem>>
        %dma_start3A_57 = tpu.memref_squeeze %dma_start3A_56 : memref<1x128xi32, #tpu.memory_space<vmem>> -> memref<128xi32, #tpu.memory_space<vmem>>
        %dma_start3A_58 = arith.constant 0 : i32
        %dma_start3A_59 = arith.constant 0 : i32
        %dma_start3A_60 = tpu.memref_slice %arg9[%dma_start3A_58, %dma_start3A_59] : memref<10240x128xf32, #tpu.memory_space<vmem_shared>> -> memref<10240x128xf32, #tpu.memory_space<vmem_shared>>
        tpu.enqueue_indirect_dma source(%arg8 : memref<128x128xf32, #tpu.memory_space<vmem>>) target(%dma_start3A_60 : memref<10240x128xf32, #tpu.memory_space<vmem_shared>>) offsets(%dma_start3A_57 : memref<128xi32, #tpu.memory_space<vmem>>) semaphore(%run_scoped3A : memref<!tpu.dma_semaphore, #tpu.memory_space<semaphore_mem>>) {add = true}
        %dma_wait3A_61 = arith.constant 0 : i32
        %dma_wait3A_62 = tpu.memref_slice %arg7[%while3A_42, %dma_wait3A_61] : memref<79x128xi32, #tpu.memory_space<vmem>> -> memref<1x128xi32, #tpu.memory_space<vmem>>
        %dma_wait3A_63 = tpu.memref_squeeze %dma_wait3A_62 : memref<1x128xi32, #tpu.memory_space<vmem>> -> memref<128xi32, #tpu.memory_space<vmem>>
        %dma_wait3A_64 = arith.constant 0 : i32
        %dma_wait3A_65 = arith.constant 0 : i32
        %dma_wait3A_66 = tpu.memref_slice %arg9[%dma_wait3A_64, %dma_wait3A_65] : memref<10240x128xf32, #tpu.memory_space<vmem_shared>> -> memref<10240x128xf32, #tpu.memory_space<vmem_shared>>
        tpu.wait_indirect_dma semaphore(%run_scoped3A : memref<!tpu.dma_semaphore, #tpu.memory_space<semaphore_mem>>) src(%arg8 : memref<128x128xf32, #tpu.memory_space<vmem>>) dst(%dma_wait3A_66 : memref<10240x128xf32, #tpu.memory_space<vmem_shared>>)
        tpu.yield
      }) : () -> ()
      %while3A_54 = arith.constant 0 : i32
      scf.yield %while3A_54 : i32
    }
    %barrier3A_37 = arith.constant 0 : index
    tpu.barrier barrier_id(%barrier3A_37)
    %mul3A_38 = arith.constant 640 : i32
    %mul3A_39 = arith.muli %arg1, %mul3A_38 : i32
    %mul3A_40 = arith.constant 640 : i32
    %mul3A_41 = arith.muli %arg1, %mul3A_40 : i32
    "tpu.region"() ({
      %run_scoped3A = tpu.sem_alloc : memref<!tpu.dma_semaphore, #tpu.memory_space<semaphore_mem>>
      %dma_start3A = arith.constant 0 : i32
      %dma_start3A_42 = tpu.memref_slice %arg5[%arg0, %mul3A_41, %dma_start3A] : memref<2x10240x128xf32, #tpu.memory_space<hbm>> -> memref<1x640x128xf32, #tpu.memory_space<hbm>>
      %dma_start3A_43 = tpu.memref_squeeze %dma_start3A_42 : memref<1x640x128xf32, #tpu.memory_space<hbm>> -> memref<640x128xf32, #tpu.memory_space<hbm>>
      %dma_start3A_44 = arith.constant 0 : i32
      %dma_start3A_45 = tpu.memref_slice %arg9[%mul3A_39, %dma_start3A_44] : memref<10240x128xf32, #tpu.memory_space<vmem_shared>> -> memref<640x128xf32, #tpu.memory_space<vmem_shared>>
      tpu.enqueue_dma source(%dma_start3A_45 : memref<640x128xf32, #tpu.memory_space<vmem_shared>>) target(%dma_start3A_43 : memref<640x128xf32, #tpu.memory_space<hbm>>) target_semaphore(%run_scoped3A : memref<!tpu.dma_semaphore, #tpu.memory_space<semaphore_mem>>)
      %dma_wait3A = arith.constant 0 : i32
      %dma_wait3A_46 = tpu.memref_slice %arg5[%arg0, %mul3A_41, %dma_wait3A] : memref<2x10240x128xf32, #tpu.memory_space<hbm>> -> memref<1x640x128xf32, #tpu.memory_space<hbm>>
      %dma_wait3A_47 = tpu.memref_squeeze %dma_wait3A_46 : memref<1x640x128xf32, #tpu.memory_space<hbm>> -> memref<640x128xf32, #tpu.memory_space<hbm>>
      %dma_wait3A_48 = arith.constant 0 : i32
      %dma_wait3A_49 = tpu.memref_slice %arg9[%mul3A_39, %dma_wait3A_48] : memref<10240x128xf32, #tpu.memory_space<vmem_shared>> -> memref<640x128xf32, #tpu.memory_space<vmem_shared>>
      tpu.wait_dma2 semaphore(%run_scoped3A : memref<!tpu.dma_semaphore, #tpu.memory_space<semaphore_mem>>) src(%dma_wait3A_49 : memref<640x128xf32, #tpu.memory_space<vmem_shared>>) dst(%dma_wait3A_47 : memref<640x128xf32, #tpu.memory_space<hbm>>)
      tpu.yield
    }) : () -> ()
    return
  }
}

#map = affine_map<(d0, d1) -> (0, 0)>
#map1 = affine_map<(d0, d1) -> (0, 0, 0, 0)>
#map2 = affine_map<(d0, d1) -> (0, 0, 0)>
module attributes {stable_mosaic.version = 14 : i64} {
  func.func @_prop_body(%arg0: i32, %arg1: i32, %arg2: memref<10240x128xf32, #tpu.memory_space<hbm>>, %arg3: memref<2x16x79x128xi32, #tpu.memory_space<hbm>>, %arg4: memref<2x16x79x128xi32, #tpu.memory_space<hbm>>, %arg5: memref<2x10240x128xf32, #tpu.memory_space<hbm>>, %arg6: memref<79x128xi32, #tpu.memory_space<vmem>>, %arg7: memref<79x128xi32, #tpu.memory_space<vmem>>, %arg8: memref<128x128xf32, #tpu.memory_space<vmem>>, %arg9: memref<10240x128xf32, #tpu.memory_space<vmem_shared>>, %arg10: memref<!tpu.dma_semaphore, #tpu.memory_space<semaphore_mem>>) attributes {dimension_semantics = [#tpu.dimension_semantics<core_parallel>, #tpu.dimension_semantics<subcore_parallel>], iteration_bounds = array<i64: 2, 16>, scalar_prefetch = 0 : i64, scratch_operands = 5 : i64, tpu.core_type = #tpu.core_type<sc_vector_subcore>, window_params = [{transform_indices = #map}, {transform_indices = #map1}, {transform_indices = #map1}, {transform_indices = #map2}]} {
    "tpu.region"() ({
      %run_scoped3A = tpu.sem_alloc : memref<!tpu.dma_semaphore, #tpu.memory_space<semaphore_mem>>
      %dma_start3A = arith.constant 0 : i32
      %dma_start3A_42 = arith.constant 0 : i32
      %dma_start3A_43 = tpu.memref_slice %arg3[%arg0, %arg1, %dma_start3A, %dma_start3A_42] : memref<2x16x79x128xi32, #tpu.memory_space<hbm>> -> memref<1x1x79x128xi32, #tpu.memory_space<hbm>>
      %dma_start3A_44 = tpu.memref_squeeze %dma_start3A_43 : memref<1x1x79x128xi32, #tpu.memory_space<hbm>> -> memref<79x128xi32, #tpu.memory_space<hbm>>
      %dma_start3A_45 = arith.constant 0 : i32
      %dma_start3A_46 = arith.constant 0 : i32
      %dma_start3A_47 = tpu.memref_slice %arg3[%arg0, %arg1, %dma_start3A_45, %dma_start3A_46] : memref<2x16x79x128xi32, #tpu.memory_space<hbm>> -> memref<1x1x79x128xi32, #tpu.memory_space<hbm>>
      %dma_start3A_48 = tpu.memref_squeeze %dma_start3A_47 : memref<1x1x79x128xi32, #tpu.memory_space<hbm>> -> memref<79x128xi32, #tpu.memory_space<hbm>>
      tpu.enqueue_dma source(%dma_start3A_48 : memref<79x128xi32, #tpu.memory_space<hbm>>) target(%arg6 : memref<79x128xi32, #tpu.memory_space<vmem>>) target_semaphore(%run_scoped3A : memref<!tpu.dma_semaphore, #tpu.memory_space<semaphore_mem>>)
      %dma_wait3A = arith.constant 0 : i32
      %dma_wait3A_49 = arith.constant 0 : i32
      %dma_wait3A_50 = tpu.memref_slice %arg3[%arg0, %arg1, %dma_wait3A, %dma_wait3A_49] : memref<2x16x79x128xi32, #tpu.memory_space<hbm>> -> memref<1x1x79x128xi32, #tpu.memory_space<hbm>>
      %dma_wait3A_51 = tpu.memref_squeeze %dma_wait3A_50 : memref<1x1x79x128xi32, #tpu.memory_space<hbm>> -> memref<79x128xi32, #tpu.memory_space<hbm>>
      %dma_wait3A_52 = arith.constant 0 : i32
      %dma_wait3A_53 = arith.constant 0 : i32
      %dma_wait3A_54 = tpu.memref_slice %arg3[%arg0, %arg1, %dma_wait3A_52, %dma_wait3A_53] : memref<2x16x79x128xi32, #tpu.memory_space<hbm>> -> memref<1x1x79x128xi32, #tpu.memory_space<hbm>>
      %dma_wait3A_55 = tpu.memref_squeeze %dma_wait3A_54 : memref<1x1x79x128xi32, #tpu.memory_space<hbm>> -> memref<79x128xi32, #tpu.memory_space<hbm>>
      tpu.wait_dma2 semaphore(%run_scoped3A : memref<!tpu.dma_semaphore, #tpu.memory_space<semaphore_mem>>) src(%dma_wait3A_55 : memref<79x128xi32, #tpu.memory_space<hbm>>) dst(%arg6 : memref<79x128xi32, #tpu.memory_space<vmem>>)
      tpu.yield
    }) : () -> ()
    "tpu.region"() ({
      %run_scoped3A = tpu.sem_alloc : memref<!tpu.dma_semaphore, #tpu.memory_space<semaphore_mem>>
      %dma_start3A = arith.constant 0 : i32
      %dma_start3A_42 = arith.constant 0 : i32
      %dma_start3A_43 = tpu.memref_slice %arg4[%arg0, %arg1, %dma_start3A, %dma_start3A_42] : memref<2x16x79x128xi32, #tpu.memory_space<hbm>> -> memref<1x1x79x128xi32, #tpu.memory_space<hbm>>
      %dma_start3A_44 = tpu.memref_squeeze %dma_start3A_43 : memref<1x1x79x128xi32, #tpu.memory_space<hbm>> -> memref<79x128xi32, #tpu.memory_space<hbm>>
      %dma_start3A_45 = arith.constant 0 : i32
      %dma_start3A_46 = arith.constant 0 : i32
      %dma_start3A_47 = tpu.memref_slice %arg4[%arg0, %arg1, %dma_start3A_45, %dma_start3A_46] : memref<2x16x79x128xi32, #tpu.memory_space<hbm>> -> memref<1x1x79x128xi32, #tpu.memory_space<hbm>>
      %dma_start3A_48 = tpu.memref_squeeze %dma_start3A_47 : memref<1x1x79x128xi32, #tpu.memory_space<hbm>> -> memref<79x128xi32, #tpu.memory_space<hbm>>
      tpu.enqueue_dma source(%dma_start3A_48 : memref<79x128xi32, #tpu.memory_space<hbm>>) target(%arg7 : memref<79x128xi32, #tpu.memory_space<vmem>>) target_semaphore(%run_scoped3A : memref<!tpu.dma_semaphore, #tpu.memory_space<semaphore_mem>>)
      %dma_wait3A = arith.constant 0 : i32
      %dma_wait3A_49 = arith.constant 0 : i32
      %dma_wait3A_50 = tpu.memref_slice %arg4[%arg0, %arg1, %dma_wait3A, %dma_wait3A_49] : memref<2x16x79x128xi32, #tpu.memory_space<hbm>> -> memref<1x1x79x128xi32, #tpu.memory_space<hbm>>
      %dma_wait3A_51 = tpu.memref_squeeze %dma_wait3A_50 : memref<1x1x79x128xi32, #tpu.memory_space<hbm>> -> memref<79x128xi32, #tpu.memory_space<hbm>>
      %dma_wait3A_52 = arith.constant 0 : i32
      %dma_wait3A_53 = arith.constant 0 : i32
      %dma_wait3A_54 = tpu.memref_slice %arg4[%arg0, %arg1, %dma_wait3A_52, %dma_wait3A_53] : memref<2x16x79x128xi32, #tpu.memory_space<hbm>> -> memref<1x1x79x128xi32, #tpu.memory_space<hbm>>
      %dma_wait3A_55 = tpu.memref_squeeze %dma_wait3A_54 : memref<1x1x79x128xi32, #tpu.memory_space<hbm>> -> memref<79x128xi32, #tpu.memory_space<hbm>>
      tpu.wait_dma2 semaphore(%run_scoped3A : memref<!tpu.dma_semaphore, #tpu.memory_space<semaphore_mem>>) src(%dma_wait3A_55 : memref<79x128xi32, #tpu.memory_space<hbm>>) dst(%arg7 : memref<79x128xi32, #tpu.memory_space<vmem>>)
      tpu.yield
    }) : () -> ()
    %scan3A = arith.constant 0 : i32
    %scan3A_0 = arith.constant 0 : i32
    %scan3A_1 = arith.constant 128 : i32
    %scan3A_2 = arith.addi %scan3A_0, %scan3A_1 : i32
    %scan3A_3 = arith.constant 1 : i32
    %scan3A_4 = scf.for %scan3A_42 = %scan3A_0 to %scan3A_2 step %scan3A_3 iter_args(%scan3A_43 = %scan3A) -> (i32)  : i32 {
      %broadcast_in_dim3A = arith.constant 0.000000e+00 : f32
      %broadcast_in_dim3A_44 = vector.broadcast %broadcast_in_dim3A : f32 to vector<16xf32>
      %swap3A = arith.index_cast %scan3A_42 : i32 to index
      %swap3A_45 = arith.constant 0 : index
      %swap3A_46 = tpu.vector_load %arg8[%swap3A, %swap3A_45] {strides = array<i32>} : memref<128x128xf32, #tpu.memory_space<vmem>>, vector<1x16xf32>,
      %swap3A_47 = vector.shape_cast %swap3A_46 : vector<1x16xf32> to vector<16xf32>
      %swap3A_48 = vector.shape_cast %broadcast_in_dim3A_44 : vector<16xf32> to vector<1x16xf32>
      tpu.vector_store %arg8[%swap3A, %swap3A_45], %swap3A_48 {strides = array<i32>} : memref<128x128xf32, #tpu.memory_space<vmem>>, vector<1x16xf32>,
      %broadcast_in_dim3A_49 = arith.constant 0.000000e+00 : f32
      %broadcast_in_dim3A_50 = vector.broadcast %broadcast_in_dim3A_49 : f32 to vector<16xf32>
      %swap3A_51 = arith.index_cast %scan3A_42 : i32 to index
      %swap3A_52 = arith.constant 16 : index
      %swap3A_53 = tpu.vector_load %arg8[%swap3A_51, %swap3A_52] {strides = array<i32>} : memref<128x128xf32, #tpu.memory_space<vmem>>, vector<1x16xf32>,
      %swap3A_54 = vector.shape_cast %swap3A_53 : vector<1x16xf32> to vector<16xf32>
      %swap3A_55 = vector.shape_cast %broadcast_in_dim3A_50 : vector<16xf32> to vector<1x16xf32>
      tpu.vector_store %arg8[%swap3A_51, %swap3A_52], %swap3A_55 {strides = array<i32>} : memref<128x128xf32, #tpu.memory_space<vmem>>, vector<1x16xf32>,
      %broadcast_in_dim3A_56 = arith.constant 0.000000e+00 : f32
      %broadcast_in_dim3A_57 = vector.broadcast %broadcast_in_dim3A_56 : f32 to vector<16xf32>
      %swap3A_58 = arith.index_cast %scan3A_42 : i32 to index
      %swap3A_59 = arith.constant 32 : index
      %swap3A_60 = tpu.vector_load %arg8[%swap3A_58, %swap3A_59] {strides = array<i32>} : memref<128x128xf32, #tpu.memory_space<vmem>>, vector<1x16xf32>,
      %swap3A_61 = vector.shape_cast %swap3A_60 : vector<1x16xf32> to vector<16xf32>
      %swap3A_62 = vector.shape_cast %broadcast_in_dim3A_57 : vector<16xf32> to vector<1x16xf32>
      tpu.vector_store %arg8[%swap3A_58, %swap3A_59], %swap3A_62 {strides = array<i32>} : memref<128x128xf32, #tpu.memory_space<vmem>>, vector<1x16xf32>,
      %broadcast_in_dim3A_63 = arith.constant 0.000000e+00 : f32
      %broadcast_in_dim3A_64 = vector.broadcast %broadcast_in_dim3A_63 : f32 to vector<16xf32>
      %swap3A_65 = arith.index_cast %scan3A_42 : i32 to index
      %swap3A_66 = arith.constant 48 : index
      %swap3A_67 = tpu.vector_load %arg8[%swap3A_65, %swap3A_66] {strides = array<i32>} : memref<128x128xf32, #tpu.memory_space<vmem>>, vector<1x16xf32>,
      %swap3A_68 = vector.shape_cast %swap3A_67 : vector<1x16xf32> to vector<16xf32>
      %swap3A_69 = vector.shape_cast %broadcast_in_dim3A_64 : vector<16xf32> to vector<1x16xf32>
      tpu.vector_store %arg8[%swap3A_65, %swap3A_66], %swap3A_69 {strides = array<i32>} : memref<128x128xf32, #tpu.memory_space<vmem>>, vector<1x16xf32>,
      %broadcast_in_dim3A_70 = arith.constant 0.000000e+00 : f32
      %broadcast_in_dim3A_71 = vector.broadcast %broadcast_in_dim3A_70 : f32 to vector<16xf32>
      %swap3A_72 = arith.index_cast %scan3A_42 : i32 to index
      %swap3A_73 = arith.constant 64 : index
      %swap3A_74 = tpu.vector_load %arg8[%swap3A_72, %swap3A_73] {strides = array<i32>} : memref<128x128xf32, #tpu.memory_space<vmem>>, vector<1x16xf32>,
      %swap3A_75 = vector.shape_cast %swap3A_74 : vector<1x16xf32> to vector<16xf32>
      %swap3A_76 = vector.shape_cast %broadcast_in_dim3A_71 : vector<16xf32> to vector<1x16xf32>
      tpu.vector_store %arg8[%swap3A_72, %swap3A_73], %swap3A_76 {strides = array<i32>} : memref<128x128xf32, #tpu.memory_space<vmem>>, vector<1x16xf32>,
      %broadcast_in_dim3A_77 = arith.constant 0.000000e+00 : f32
      %broadcast_in_dim3A_78 = vector.broadcast %broadcast_in_dim3A_77 : f32 to vector<16xf32>
      %swap3A_79 = arith.index_cast %scan3A_42 : i32 to index
      %swap3A_80 = arith.constant 80 : index
      %swap3A_81 = tpu.vector_load %arg8[%swap3A_79, %swap3A_80] {strides = array<i32>} : memref<128x128xf32, #tpu.memory_space<vmem>>, vector<1x16xf32>,
      %swap3A_82 = vector.shape_cast %swap3A_81 : vector<1x16xf32> to vector<16xf32>
      %swap3A_83 = vector.shape_cast %broadcast_in_dim3A_78 : vector<16xf32> to vector<1x16xf32>
      tpu.vector_store %arg8[%swap3A_79, %swap3A_80], %swap3A_83 {strides = array<i32>} : memref<128x128xf32, #tpu.memory_space<vmem>>, vector<1x16xf32>,
      %broadcast_in_dim3A_84 = arith.constant 0.000000e+00 : f32
      %broadcast_in_dim3A_85 = vector.broadcast %broadcast_in_dim3A_84 : f32 to vector<16xf32>
      %swap3A_86 = arith.index_cast %scan3A_42 : i32 to index
      %swap3A_87 = arith.constant 96 : index
      %swap3A_88 = tpu.vector_load %arg8[%swap3A_86, %swap3A_87] {strides = array<i32>} : memref<128x128xf32, #tpu.memory_space<vmem>>, vector<1x16xf32>,
      %swap3A_89 = vector.shape_cast %swap3A_88 : vector<1x16xf32> to vector<16xf32>
      %swap3A_90 = vector.shape_cast %broadcast_in_dim3A_85 : vector<16xf32> to vector<1x16xf32>
      tpu.vector_store %arg8[%swap3A_86, %swap3A_87], %swap3A_90 {strides = array<i32>} : memref<128x128xf32, #tpu.memory_space<vmem>>, vector<1x16xf32>,
      %broadcast_in_dim3A_91 = arith.constant 0.000000e+00 : f32
      %broadcast_in_dim3A_92 = vector.broadcast %broadcast_in_dim3A_91 : f32 to vector<16xf32>
      %swap3A_93 = arith.index_cast %scan3A_42 : i32 to index
      %swap3A_94 = arith.constant 112 : index
      %swap3A_95 = tpu.vector_load %arg8[%swap3A_93, %swap3A_94] {strides = array<i32>} : memref<128x128xf32, #tpu.memory_space<vmem>>, vector<1x16xf32>,
      %swap3A_96 = vector.shape_cast %swap3A_95 : vector<1x16xf32> to vector<16xf32>
      %swap3A_97 = vector.shape_cast %broadcast_in_dim3A_92 : vector<16xf32> to vector<1x16xf32>
      tpu.vector_store %arg8[%swap3A_93, %swap3A_94], %swap3A_97 {strides = array<i32>} : memref<128x128xf32, #tpu.memory_space<vmem>>, vector<1x16xf32>,
      %scan3A_98 = arith.constant 0 : i32
      scf.yield %scan3A_98 : i32
    }
    %scan3A_5 = arith.constant 128 : i32
    %mul3A = arith.constant 640 : i32
    %mul3A_6 = arith.muli %arg1, %mul3A : i32
    %add3A = arith.constant 0 : i32
    %add3A_7 = arith.addi %mul3A_6, %add3A : i32
    "tpu.region"() ({
      %run_scoped3A = tpu.sem_alloc : memref<!tpu.dma_semaphore, #tpu.memory_space<semaphore_mem>>
      %dma_start3A = arith.constant 0 : i32
      %dma_start3A_42 = tpu.memref_slice %arg9[%add3A_7, %dma_start3A] : memref<10240x128xf32, #tpu.memory_space<vmem_shared>> -> memref<128x128xf32, #tpu.memory_space<vmem_shared>>
      %dma_start3A_43 = arith.constant 0 : i32
      %dma_start3A_44 = tpu.memref_slice %arg9[%add3A_7, %dma_start3A_43] : memref<10240x128xf32, #tpu.memory_space<vmem_shared>> -> memref<128x128xf32, #tpu.memory_space<vmem_shared>>
      tpu.enqueue_dma source(%arg8 : memref<128x128xf32, #tpu.memory_space<vmem>>) target(%dma_start3A_44 : memref<128x128xf32, #tpu.memory_space<vmem_shared>>) target_semaphore(%run_scoped3A : memref<!tpu.dma_semaphore, #tpu.memory_space<semaphore_mem>>)
      %dma_wait3A = arith.constant 0 : i32
      %dma_wait3A_45 = tpu.memref_slice %arg9[%add3A_7, %dma_wait3A] : memref<10240x128xf32, #tpu.memory_space<vmem_shared>> -> memref<128x128xf32, #tpu.memory_space<vmem_shared>>
      %dma_wait3A_46 = arith.constant 0 : i32
      %dma_wait3A_47 = tpu.memref_slice %arg9[%add3A_7, %dma_wait3A_46] : memref<10240x128xf32, #tpu.memory_space<vmem_shared>> -> memref<128x128xf32, #tpu.memory_space<vmem_shared>>
      tpu.wait_dma2 semaphore(%run_scoped3A : memref<!tpu.dma_semaphore, #tpu.memory_space<semaphore_mem>>) src(%arg8 : memref<128x128xf32, #tpu.memory_space<vmem>>) dst(%dma_wait3A_47 : memref<128x128xf32, #tpu.memory_space<vmem_shared>>)
      tpu.yield
    }) : () -> ()
    %mul3A_8 = arith.constant 640 : i32
    %mul3A_9 = arith.muli %arg1, %mul3A_8 : i32
    %add3A_10 = arith.constant 128 : i32
    %add3A_11 = arith.addi %mul3A_9, %add3A_10 : i32
    "tpu.region"() ({
      %run_scoped3A = tpu.sem_alloc : memref<!tpu.dma_semaphore, #tpu.memory_space<semaphore_mem>>
      %dma_start3A = arith.constant 0 : i32
      %dma_start3A_42 = tpu.memref_slice %arg9[%add3A_11, %dma_start3A] : memref<10240x128xf32, #tpu.memory_space<vmem_shared>> -> memref<128x128xf32, #tpu.memory_space<vmem_shared>>
      %dma_start3A_43 = arith.constant 0 : i32
      %dma_start3A_44 = tpu.memref_slice %arg9[%add3A_11, %dma_start3A_43] : memref<10240x128xf32, #tpu.memory_space<vmem_shared>> -> memref<128x128xf32, #tpu.memory_space<vmem_shared>>
      tpu.enqueue_dma source(%arg8 : memref<128x128xf32, #tpu.memory_space<vmem>>) target(%dma_start3A_44 : memref<128x128xf32, #tpu.memory_space<vmem_shared>>) target_semaphore(%run_scoped3A : memref<!tpu.dma_semaphore, #tpu.memory_space<semaphore_mem>>)
      %dma_wait3A = arith.constant 0 : i32
      %dma_wait3A_45 = tpu.memref_slice %arg9[%add3A_11, %dma_wait3A] : memref<10240x128xf32, #tpu.memory_space<vmem_shared>> -> memref<128x128xf32, #tpu.memory_space<vmem_shared>>
      %dma_wait3A_46 = arith.constant 0 : i32
      %dma_wait3A_47 = tpu.memref_slice %arg9[%add3A_11, %dma_wait3A_46] : memref<10240x128xf32, #tpu.memory_space<vmem_shared>> -> memref<128x128xf32, #tpu.memory_space<vmem_shared>>
      tpu.wait_dma2 semaphore(%run_scoped3A : memref<!tpu.dma_semaphore, #tpu.memory_space<semaphore_mem>>) src(%arg8 : memref<128x128xf32, #tpu.memory_space<vmem>>) dst(%dma_wait3A_47 : memref<128x128xf32, #tpu.memory_space<vmem_shared>>)
      tpu.yield
    }) : () -> ()
    %mul3A_12 = arith.constant 640 : i32
    %mul3A_13 = arith.muli %arg1, %mul3A_12 : i32
    %add3A_14 = arith.constant 256 : i32
    %add3A_15 = arith.addi %mul3A_13, %add3A_14 : i32
    "tpu.region"() ({
      %run_scoped3A = tpu.sem_alloc : memref<!tpu.dma_semaphore, #tpu.memory_space<semaphore_mem>>
      %dma_start3A = arith.constant 0 : i32
      %dma_start3A_42 = tpu.memref_slice %arg9[%add3A_15, %dma_start3A] : memref<10240x128xf32, #tpu.memory_space<vmem_shared>> -> memref<128x128xf32, #tpu.memory_space<vmem_shared>>
      %dma_start3A_43 = arith.constant 0 : i32
      %dma_start3A_44 = tpu.memref_slice %arg9[%add3A_15, %dma_start3A_43] : memref<10240x128xf32, #tpu.memory_space<vmem_shared>> -> memref<128x128xf32, #tpu.memory_space<vmem_shared>>
      tpu.enqueue_dma source(%arg8 : memref<128x128xf32, #tpu.memory_space<vmem>>) target(%dma_start3A_44 : memref<128x128xf32, #tpu.memory_space<vmem_shared>>) target_semaphore(%run_scoped3A : memref<!tpu.dma_semaphore, #tpu.memory_space<semaphore_mem>>)
      %dma_wait3A = arith.constant 0 : i32
      %dma_wait3A_45 = tpu.memref_slice %arg9[%add3A_15, %dma_wait3A] : memref<10240x128xf32, #tpu.memory_space<vmem_shared>> -> memref<128x128xf32, #tpu.memory_space<vmem_shared>>
      %dma_wait3A_46 = arith.constant 0 : i32
      %dma_wait3A_47 = tpu.memref_slice %arg9[%add3A_15, %dma_wait3A_46] : memref<10240x128xf32, #tpu.memory_space<vmem_shared>> -> memref<128x128xf32, #tpu.memory_space<vmem_shared>>
      tpu.wait_dma2 semaphore(%run_scoped3A : memref<!tpu.dma_semaphore, #tpu.memory_space<semaphore_mem>>) src(%arg8 : memref<128x128xf32, #tpu.memory_space<vmem>>) dst(%dma_wait3A_47 : memref<128x128xf32, #tpu.memory_space<vmem_shared>>)
      tpu.yield
    }) : () -> ()
    %mul3A_16 = arith.constant 640 : i32
    %mul3A_17 = arith.muli %arg1, %mul3A_16 : i32
    %add3A_18 = arith.constant 384 : i32
    %add3A_19 = arith.addi %mul3A_17, %add3A_18 : i32
    "tpu.region"() ({
      %run_scoped3A = tpu.sem_alloc : memref<!tpu.dma_semaphore, #tpu.memory_space<semaphore_mem>>
      %dma_start3A = arith.constant 0 : i32
      %dma_start3A_42 = tpu.memref_slice %arg9[%add3A_19, %dma_start3A] : memref<10240x128xf32, #tpu.memory_space<vmem_shared>> -> memref<128x128xf32, #tpu.memory_space<vmem_shared>>
      %dma_start3A_43 = arith.constant 0 : i32
      %dma_start3A_44 = tpu.memref_slice %arg9[%add3A_19, %dma_start3A_43] : memref<10240x128xf32, #tpu.memory_space<vmem_shared>> -> memref<128x128xf32, #tpu.memory_space<vmem_shared>>
      tpu.enqueue_dma source(%arg8 : memref<128x128xf32, #tpu.memory_space<vmem>>) target(%dma_start3A_44 : memref<128x128xf32, #tpu.memory_space<vmem_shared>>) target_semaphore(%run_scoped3A : memref<!tpu.dma_semaphore, #tpu.memory_space<semaphore_mem>>)
      %dma_wait3A = arith.constant 0 : i32
      %dma_wait3A_45 = tpu.memref_slice %arg9[%add3A_19, %dma_wait3A] : memref<10240x128xf32, #tpu.memory_space<vmem_shared>> -> memref<128x128xf32, #tpu.memory_space<vmem_shared>>
      %dma_wait3A_46 = arith.constant 0 : i32
      %dma_wait3A_47 = tpu.memref_slice %arg9[%add3A_19, %dma_wait3A_46] : memref<10240x128xf32, #tpu.memory_space<vmem_shared>> -> memref<128x128xf32, #tpu.memory_space<vmem_shared>>
      tpu.wait_dma2 semaphore(%run_scoped3A : memref<!tpu.dma_semaphore, #tpu.memory_space<semaphore_mem>>) src(%arg8 : memref<128x128xf32, #tpu.memory_space<vmem>>) dst(%dma_wait3A_47 : memref<128x128xf32, #tpu.memory_space<vmem_shared>>)
      tpu.yield
    }) : () -> ()
    %mul3A_20 = arith.constant 640 : i32
    %mul3A_21 = arith.muli %arg1, %mul3A_20 : i32
    %add3A_22 = arith.constant 512 : i32
    %add3A_23 = arith.addi %mul3A_21, %add3A_22 : i32
    "tpu.region"() ({
      %run_scoped3A = tpu.sem_alloc : memref<!tpu.dma_semaphore, #tpu.memory_space<semaphore_mem>>
      %dma_start3A = arith.constant 0 : i32
      %dma_start3A_42 = tpu.memref_slice %arg9[%add3A_23, %dma_start3A] : memref<10240x128xf32, #tpu.memory_space<vmem_shared>> -> memref<128x128xf32, #tpu.memory_space<vmem_shared>>
      %dma_start3A_43 = arith.constant 0 : i32
      %dma_start3A_44 = tpu.memref_slice %arg9[%add3A_23, %dma_start3A_43] : memref<10240x128xf32, #tpu.memory_space<vmem_shared>> -> memref<128x128xf32, #tpu.memory_space<vmem_shared>>
      tpu.enqueue_dma source(%arg8 : memref<128x128xf32, #tpu.memory_space<vmem>>) target(%dma_start3A_44 : memref<128x128xf32, #tpu.memory_space<vmem_shared>>) target_semaphore(%run_scoped3A : memref<!tpu.dma_semaphore, #tpu.memory_space<semaphore_mem>>)
      %dma_wait3A = arith.constant 0 : i32
      %dma_wait3A_45 = tpu.memref_slice %arg9[%add3A_23, %dma_wait3A] : memref<10240x128xf32, #tpu.memory_space<vmem_shared>> -> memref<128x128xf32, #tpu.memory_space<vmem_shared>>
      %dma_wait3A_46 = arith.constant 0 : i32
      %dma_wait3A_47 = tpu.memref_slice %arg9[%add3A_23, %dma_wait3A_46] : memref<10240x128xf32, #tpu.memory_space<vmem_shared>> -> memref<128x128xf32, #tpu.memory_space<vmem_shared>>
      tpu.wait_dma2 semaphore(%run_scoped3A : memref<!tpu.dma_semaphore, #tpu.memory_space<semaphore_mem>>) src(%arg8 : memref<128x128xf32, #tpu.memory_space<vmem>>) dst(%dma_wait3A_47 : memref<128x128xf32, #tpu.memory_space<vmem_shared>>)
      tpu.yield
    }) : () -> ()
    %barrier3A = arith.constant 0 : index
    tpu.barrier barrier_id(%barrier3A)
    %eq3A = arith.constant 0 : i32
    %eq3A_24 = arith.cmpi eq, %arg0, %eq3A : i32
    %jit3A = arith.constant 78 : i32
    %jit3A_25 = arith.constant 79 : i32
    %select_n3A = arith.select %eq3A_24, %jit3A, %jit3A_25 : i32
    %while3A = arith.constant 0 : i32
    %while3A_26 = arith.constant 0 : i32
    %while3A_27 = arith.subi %select_n3A, %while3A : i32
    %while3A_28 = arith.addi %while3A, %while3A_27 : i32
    %while3A_29 = arith.constant 1 : i32
    %while3A_30 = arith.divsi %while3A_27, %while3A_29 : i32
    %while3A_31 = arith.muli %while3A_30, %while3A_29 : i32
    %while3A_32 = arith.addi %while3A, %while3A_31 : i32
    %while3A_33 = arith.constant 1 : i32
    %while3A_34 = scf.for %while3A_42 = %while3A to %while3A_32 step %while3A_33 iter_args(%while3A_43 = %while3A_26) -> (i32)  : i32 {
      %dma_start3A = arith.constant 0 : i32
      %dma_start3A_44 = tpu.memref_slice %arg6[%while3A_42, %dma_start3A] : memref<79x128xi32, #tpu.memory_space<vmem>> -> memref<1x128xi32, #tpu.memory_space<vmem>>
      %dma_start3A_45 = tpu.memref_squeeze %dma_start3A_44 : memref<1x128xi32, #tpu.memory_space<vmem>> -> memref<128xi32, #tpu.memory_space<vmem>>
      %dma_start3A_46 = arith.constant 0 : i32
      %dma_start3A_47 = arith.constant 0 : i32
      %dma_start3A_48 = tpu.memref_slice %arg2[%dma_start3A_46, %dma_start3A_47] : memref<10240x128xf32, #tpu.memory_space<hbm>> -> memref<10240x128xf32, #tpu.memory_space<hbm>>
      tpu.enqueue_indirect_dma source(%dma_start3A_48 : memref<10240x128xf32, #tpu.memory_space<hbm>>) target(%arg8 : memref<128x128xf32, #tpu.memory_space<vmem>>) offsets(%dma_start3A_45 : memref<128xi32, #tpu.memory_space<vmem>>) semaphore(%arg10 : memref<!tpu.dma_semaphore, #tpu.memory_space<semaphore_mem>>)
      %dma_wait3A = arith.constant 0 : i32
      %dma_wait3A_49 = tpu.memref_slice %arg6[%while3A_42, %dma_wait3A] : memref<79x128xi32, #tpu.memory_space<vmem>> -> memref<1x128xi32, #tpu.memory_space<vmem>>
      %dma_wait3A_50 = tpu.memref_squeeze %dma_wait3A_49 : memref<1x128xi32, #tpu.memory_space<vmem>> -> memref<128xi32, #tpu.memory_space<vmem>>
      %dma_wait3A_51 = arith.constant 0 : i32
      %dma_wait3A_52 = arith.constant 0 : i32
      %dma_wait3A_53 = tpu.memref_slice %arg2[%dma_wait3A_51, %dma_wait3A_52] : memref<10240x128xf32, #tpu.memory_space<hbm>> -> memref<10240x128xf32, #tpu.memory_space<hbm>>
      tpu.wait_indirect_dma semaphore(%arg10 : memref<!tpu.dma_semaphore, #tpu.memory_space<semaphore_mem>>) src(%dma_wait3A_53 : memref<10240x128xf32, #tpu.memory_space<hbm>>) dst(%arg8 : memref<128x128xf32, #tpu.memory_space<vmem>>)
      "tpu.region"() ({
        %run_scoped3A = tpu.sem_alloc : memref<!tpu.dma_semaphore, #tpu.memory_space<semaphore_mem>>
        %dma_start3A_55 = arith.constant 0 : i32
        %dma_start3A_56 = tpu.memref_slice %arg7[%while3A_42, %dma_start3A_55] : memref<79x128xi32, #tpu.memory_space<vmem>> -> memref<1x128xi32, #tpu.memory_space<vmem>>
        %dma_start3A_57 = tpu.memref_squeeze %dma_start3A_56 : memref<1x128xi32, #tpu.memory_space<vmem>> -> memref<128xi32, #tpu.memory_space<vmem>>
        %dma_start3A_58 = arith.constant 0 : i32
        %dma_start3A_59 = arith.constant 0 : i32
        %dma_start3A_60 = tpu.memref_slice %arg9[%dma_start3A_58, %dma_start3A_59] : memref<10240x128xf32, #tpu.memory_space<vmem_shared>> -> memref<10240x128xf32, #tpu.memory_space<vmem_shared>>
        tpu.enqueue_indirect_dma source(%arg8 : memref<128x128xf32, #tpu.memory_space<vmem>>) target(%dma_start3A_60 : memref<10240x128xf32, #tpu.memory_space<vmem_shared>>) offsets(%dma_start3A_57 : memref<128xi32, #tpu.memory_space<vmem>>) semaphore(%run_scoped3A : memref<!tpu.dma_semaphore, #tpu.memory_space<semaphore_mem>>) {add = true}
        %dma_wait3A_61 = arith.constant 0 : i32
        %dma_wait3A_62 = tpu.memref_slice %arg7[%while3A_42, %dma_wait3A_61] : memref<79x128xi32, #tpu.memory_space<vmem>> -> memref<1x128xi32, #tpu.memory_space<vmem>>
        %dma_wait3A_63 = tpu.memref_squeeze %dma_wait3A_62 : memref<1x128xi32, #tpu.memory_space<vmem>> -> memref<128xi32, #tpu.memory_space<vmem>>
        %dma_wait3A_64 = arith.constant 0 : i32
        %dma_wait3A_65 = arith.constant 0 : i32
        %dma_wait3A_66 = tpu.memref_slice %arg9[%dma_wait3A_64, %dma_wait3A_65] : memref<10240x128xf32, #tpu.memory_space<vmem_shared>> -> memref<10240x128xf32, #tpu.memory_space<vmem_shared>>
        tpu.wait_indirect_dma semaphore(%run_scoped3A : memref<!tpu.dma_semaphore, #tpu.memory_space<semaphore_mem>>) src(%arg8 : memref<128x128xf32, #tpu.memory_space<vmem>>) dst(%dma_wait3A_66 : memref<10240x128xf32, #tpu.memory_space<vmem_shared>>)
        tpu.yield
      }) : () -> ()
      %while3A_54 = arith.constant 0 : i32
      scf.yield %while3A_54 : i32
    }
    %while3A_35 = arith.constant 1 : i32
    %while3A_36 = scf.for %while3A_42 = %while3A_32 to %while3A_28 step %while3A_35 iter_args(%while3A_43 = %while3A_34) -> (i32)  : i32 {
      %dma_start3A = arith.constant 0 : i32
      %dma_start3A_44 = tpu.memref_slice %arg6[%while3A_42, %dma_start3A] : memref<79x128xi32, #tpu.memory_space<vmem>> -> memref<1x128xi32, #tpu.memory_space<vmem>>
      %dma_start3A_45 = tpu.memref_squeeze %dma_start3A_44 : memref<1x128xi32, #tpu.memory_space<vmem>> -> memref<128xi32, #tpu.memory_space<vmem>>
      %dma_start3A_46 = arith.constant 0 : i32
      %dma_start3A_47 = arith.constant 0 : i32
      %dma_start3A_48 = tpu.memref_slice %arg2[%dma_start3A_46, %dma_start3A_47] : memref<10240x128xf32, #tpu.memory_space<hbm>> -> memref<10240x128xf32, #tpu.memory_space<hbm>>
      tpu.enqueue_indirect_dma source(%dma_start3A_48 : memref<10240x128xf32, #tpu.memory_space<hbm>>) target(%arg8 : memref<128x128xf32, #tpu.memory_space<vmem>>) offsets(%dma_start3A_45 : memref<128xi32, #tpu.memory_space<vmem>>) semaphore(%arg10 : memref<!tpu.dma_semaphore, #tpu.memory_space<semaphore_mem>>)
      %dma_wait3A = arith.constant 0 : i32
      %dma_wait3A_49 = tpu.memref_slice %arg6[%while3A_42, %dma_wait3A] : memref<79x128xi32, #tpu.memory_space<vmem>> -> memref<1x128xi32, #tpu.memory_space<vmem>>
      %dma_wait3A_50 = tpu.memref_squeeze %dma_wait3A_49 : memref<1x128xi32, #tpu.memory_space<vmem>> -> memref<128xi32, #tpu.memory_space<vmem>>
      %dma_wait3A_51 = arith.constant 0 : i32
      %dma_wait3A_52 = arith.constant 0 : i32
      %dma_wait3A_53 = tpu.memref_slice %arg2[%dma_wait3A_51, %dma_wait3A_52] : memref<10240x128xf32, #tpu.memory_space<hbm>> -> memref<10240x128xf32, #tpu.memory_space<hbm>>
      tpu.wait_indirect_dma semaphore(%arg10 : memref<!tpu.dma_semaphore, #tpu.memory_space<semaphore_mem>>) src(%dma_wait3A_53 : memref<10240x128xf32, #tpu.memory_space<hbm>>) dst(%arg8 : memref<128x128xf32, #tpu.memory_space<vmem>>)
      "tpu.region"() ({
        %run_scoped3A = tpu.sem_alloc : memref<!tpu.dma_semaphore, #tpu.memory_space<semaphore_mem>>
        %dma_start3A_55 = arith.constant 0 : i32
        %dma_start3A_56 = tpu.memref_slice %arg7[%while3A_42, %dma_start3A_55] : memref<79x128xi32, #tpu.memory_space<vmem>> -> memref<1x128xi32, #tpu.memory_space<vmem>>
        %dma_start3A_57 = tpu.memref_squeeze %dma_start3A_56 : memref<1x128xi32, #tpu.memory_space<vmem>> -> memref<128xi32, #tpu.memory_space<vmem>>
        %dma_start3A_58 = arith.constant 0 : i32
        %dma_start3A_59 = arith.constant 0 : i32
        %dma_start3A_60 = tpu.memref_slice %arg9[%dma_start3A_58, %dma_start3A_59] : memref<10240x128xf32, #tpu.memory_space<vmem_shared>> -> memref<10240x128xf32, #tpu.memory_space<vmem_shared>>
        tpu.enqueue_indirect_dma source(%arg8 : memref<128x128xf32, #tpu.memory_space<vmem>>) target(%dma_start3A_60 : memref<10240x128xf32, #tpu.memory_space<vmem_shared>>) offsets(%dma_start3A_57 : memref<128xi32, #tpu.memory_space<vmem>>) semaphore(%run_scoped3A : memref<!tpu.dma_semaphore, #tpu.memory_space<semaphore_mem>>) {add = true}
        %dma_wait3A_61 = arith.constant 0 : i32
        %dma_wait3A_62 = tpu.memref_slice %arg7[%while3A_42, %dma_wait3A_61] : memref<79x128xi32, #tpu.memory_space<vmem>> -> memref<1x128xi32, #tpu.memory_space<vmem>>
        %dma_wait3A_63 = tpu.memref_squeeze %dma_wait3A_62 : memref<1x128xi32, #tpu.memory_space<vmem>> -> memref<128xi32, #tpu.memory_space<vmem>>
        %dma_wait3A_64 = arith.constant 0 : i32
        %dma_wait3A_65 = arith.constant 0 : i32
        %dma_wait3A_66 = tpu.memref_slice %arg9[%dma_wait3A_64, %dma_wait3A_65] : memref<10240x128xf32, #tpu.memory_space<vmem_shared>> -> memref<10240x128xf32, #tpu.memory_space<vmem_shared>>
        tpu.wait_indirect_dma semaphore(%run_scoped3A : memref<!tpu.dma_semaphore, #tpu.memory_space<semaphore_mem>>) src(%arg8 : memref<128x128xf32, #tpu.memory_space<vmem>>) dst(%dma_wait3A_66 : memref<10240x128xf32, #tpu.memory_space<vmem_shared>>)
        tpu.yield
      }) : () -> ()
      %while3A_54 = arith.constant 0 : i32
      scf.yield %while3A_54 : i32
    }
    %barrier3A_37 = arith.constant 0 : index
    tpu.barrier barrier_id(%barrier3A_37)
    %mul3A_38 = arith.constant 640 : i32
    %mul3A_39 = arith.muli %arg1, %mul3A_38 : i32
    %mul3A_40 = arith.constant 640 : i32
    %mul3A_41 = arith.muli %arg1, %mul3A_40 : i32
    "tpu.region"() ({
      %run_scoped3A = tpu.sem_alloc : memref<!tpu.dma_semaphore, #tpu.memory_space<semaphore_mem>>
      %dma_start3A = arith.constant 0 : i32
      %dma_start3A_42 = tpu.memref_slice %arg5[%arg0, %mul3A_41, %dma_start3A] : memref<2x10240x128xf32, #tpu.memory_space<hbm>> -> memref<1x640x128xf32, #tpu.memory_space<hbm>>
      %dma_start3A_43 = tpu.memref_squeeze %dma_start3A_42 : memref<1x640x128xf32, #tpu.memory_space<hbm>> -> memref<640x128xf32, #tpu.memory_space<hbm>>
      %dma_start3A_44 = arith.constant 0 : i32
      %dma_start3A_45 = tpu.memref_slice %arg9[%mul3A_39, %dma_start3A_44] : memref<10240x128xf32, #tpu.memory_space<vmem_shared>> -> memref<640x128xf32, #tpu.memory_space<vmem_shared>>
      tpu.enqueue_dma source(%dma_start3A_45 : memref<640x128xf32, #tpu.memory_space<vmem_shared>>) target(%dma_start3A_43 : memref<640x128xf32, #tpu.memory_space<hbm>>) target_semaphore(%run_scoped3A : memref<!tpu.dma_semaphore, #tpu.memory_space<semaphore_mem>>)
      %dma_wait3A = arith.constant 0 : i32
      %dma_wait3A_46 = tpu.memref_slice %arg5[%arg0, %mul3A_41, %dma_wait3A] : memref<2x10240x128xf32, #tpu.memory_space<hbm>> -> memref<1x640x128xf32, #tpu.memory_space<hbm>>
      %dma_wait3A_47 = tpu.memref_squeeze %dma_wait3A_46 : memref<1x640x128xf32, #tpu.memory_space<hbm>> -> memref<640x128xf32, #tpu.memory_space<hbm>>
      %dma_wait3A_48 = arith.constant 0 : i32
      %dma_wait3A_49 = tpu.memref_slice %arg9[%mul3A_39, %dma_wait3A_48] : memref<10240x128xf32, #tpu.memory_space<vmem_shared>> -> memref<640x128xf32, #tpu.memory_space<vmem_shared>>
      tpu.wait_dma2 semaphore(%run_scoped3A : memref<!tpu.dma_semaphore, #tpu.memory_space<semaphore_mem>>) src(%dma_wait3A_49 : memref<640x128xf32, #tpu.memory_space<vmem_shared>>) dst(%dma_wait3A_47 : memref<640x128xf32, #tpu.memory_space<hbm>>)
      tpu.yield
    }) : () -> ()
    return
  }
}

#map = affine_map<(d0, d1) -> (0, 0)>
#map1 = affine_map<(d0, d1) -> (0, 0, 0, 0)>
#map2 = affine_map<(d0, d1) -> (0, 0, 0)>
module attributes {stable_mosaic.version = 14 : i64} {
  func.func @_prop_body(%arg0: i32, %arg1: i32, %arg2: memref<10240x128xf32, #tpu.memory_space<hbm>>, %arg3: memref<2x16x79x128xi32, #tpu.memory_space<hbm>>, %arg4: memref<2x16x79x128xi32, #tpu.memory_space<hbm>>, %arg5: memref<2x10240x128xf32, #tpu.memory_space<hbm>>, %arg6: memref<79x128xi32, #tpu.memory_space<vmem>>, %arg7: memref<79x128xi32, #tpu.memory_space<vmem>>, %arg8: memref<128x128xf32, #tpu.memory_space<vmem>>, %arg9: memref<10240x128xf32, #tpu.memory_space<vmem_shared>>, %arg10: memref<!tpu.dma_semaphore, #tpu.memory_space<semaphore_mem>>) attributes {dimension_semantics = [#tpu.dimension_semantics<core_parallel>, #tpu.dimension_semantics<subcore_parallel>], iteration_bounds = array<i64: 2, 16>, scalar_prefetch = 0 : i64, scratch_operands = 5 : i64, tpu.core_type = #tpu.core_type<sc_vector_subcore>, window_params = [{transform_indices = #map}, {transform_indices = #map1}, {transform_indices = #map1}, {transform_indices = #map2}]} {
    "tpu.region"() ({
      %run_scoped3A = tpu.sem_alloc : memref<!tpu.dma_semaphore, #tpu.memory_space<semaphore_mem>>
      %dma_start3A = arith.constant 0 : i32
      %dma_start3A_42 = arith.constant 0 : i32
      %dma_start3A_43 = tpu.memref_slice %arg3[%arg0, %arg1, %dma_start3A, %dma_start3A_42] : memref<2x16x79x128xi32, #tpu.memory_space<hbm>> -> memref<1x1x79x128xi32, #tpu.memory_space<hbm>>
      %dma_start3A_44 = tpu.memref_squeeze %dma_start3A_43 : memref<1x1x79x128xi32, #tpu.memory_space<hbm>> -> memref<79x128xi32, #tpu.memory_space<hbm>>
      %dma_start3A_45 = arith.constant 0 : i32
      %dma_start3A_46 = arith.constant 0 : i32
      %dma_start3A_47 = tpu.memref_slice %arg3[%arg0, %arg1, %dma_start3A_45, %dma_start3A_46] : memref<2x16x79x128xi32, #tpu.memory_space<hbm>> -> memref<1x1x79x128xi32, #tpu.memory_space<hbm>>
      %dma_start3A_48 = tpu.memref_squeeze %dma_start3A_47 : memref<1x1x79x128xi32, #tpu.memory_space<hbm>> -> memref<79x128xi32, #tpu.memory_space<hbm>>
      tpu.enqueue_dma source(%dma_start3A_48 : memref<79x128xi32, #tpu.memory_space<hbm>>) target(%arg6 : memref<79x128xi32, #tpu.memory_space<vmem>>) target_semaphore(%run_scoped3A : memref<!tpu.dma_semaphore, #tpu.memory_space<semaphore_mem>>)
      %dma_wait3A = arith.constant 0 : i32
      %dma_wait3A_49 = arith.constant 0 : i32
      %dma_wait3A_50 = tpu.memref_slice %arg3[%arg0, %arg1, %dma_wait3A, %dma_wait3A_49] : memref<2x16x79x128xi32, #tpu.memory_space<hbm>> -> memref<1x1x79x128xi32, #tpu.memory_space<hbm>>
      %dma_wait3A_51 = tpu.memref_squeeze %dma_wait3A_50 : memref<1x1x79x128xi32, #tpu.memory_space<hbm>> -> memref<79x128xi32, #tpu.memory_space<hbm>>
      %dma_wait3A_52 = arith.constant 0 : i32
      %dma_wait3A_53 = arith.constant 0 : i32
      %dma_wait3A_54 = tpu.memref_slice %arg3[%arg0, %arg1, %dma_wait3A_52, %dma_wait3A_53] : memref<2x16x79x128xi32, #tpu.memory_space<hbm>> -> memref<1x1x79x128xi32, #tpu.memory_space<hbm>>
      %dma_wait3A_55 = tpu.memref_squeeze %dma_wait3A_54 : memref<1x1x79x128xi32, #tpu.memory_space<hbm>> -> memref<79x128xi32, #tpu.memory_space<hbm>>
      tpu.wait_dma2 semaphore(%run_scoped3A : memref<!tpu.dma_semaphore, #tpu.memory_space<semaphore_mem>>) src(%dma_wait3A_55 : memref<79x128xi32, #tpu.memory_space<hbm>>) dst(%arg6 : memref<79x128xi32, #tpu.memory_space<vmem>>)
      tpu.yield
    }) : () -> ()
    "tpu.region"() ({
      %run_scoped3A = tpu.sem_alloc : memref<!tpu.dma_semaphore, #tpu.memory_space<semaphore_mem>>
      %dma_start3A = arith.constant 0 : i32
      %dma_start3A_42 = arith.constant 0 : i32
      %dma_start3A_43 = tpu.memref_slice %arg4[%arg0, %arg1, %dma_start3A, %dma_start3A_42] : memref<2x16x79x128xi32, #tpu.memory_space<hbm>> -> memref<1x1x79x128xi32, #tpu.memory_space<hbm>>
      %dma_start3A_44 = tpu.memref_squeeze %dma_start3A_43 : memref<1x1x79x128xi32, #tpu.memory_space<hbm>> -> memref<79x128xi32, #tpu.memory_space<hbm>>
      %dma_start3A_45 = arith.constant 0 : i32
      %dma_start3A_46 = arith.constant 0 : i32
      %dma_start3A_47 = tpu.memref_slice %arg4[%arg0, %arg1, %dma_start3A_45, %dma_start3A_46] : memref<2x16x79x128xi32, #tpu.memory_space<hbm>> -> memref<1x1x79x128xi32, #tpu.memory_space<hbm>>
      %dma_start3A_48 = tpu.memref_squeeze %dma_start3A_47 : memref<1x1x79x128xi32, #tpu.memory_space<hbm>> -> memref<79x128xi32, #tpu.memory_space<hbm>>
      tpu.enqueue_dma source(%dma_start3A_48 : memref<79x128xi32, #tpu.memory_space<hbm>>) target(%arg7 : memref<79x128xi32, #tpu.memory_space<vmem>>) target_semaphore(%run_scoped3A : memref<!tpu.dma_semaphore, #tpu.memory_space<semaphore_mem>>)
      %dma_wait3A = arith.constant 0 : i32
      %dma_wait3A_49 = arith.constant 0 : i32
      %dma_wait3A_50 = tpu.memref_slice %arg4[%arg0, %arg1, %dma_wait3A, %dma_wait3A_49] : memref<2x16x79x128xi32, #tpu.memory_space<hbm>> -> memref<1x1x79x128xi32, #tpu.memory_space<hbm>>
      %dma_wait3A_51 = tpu.memref_squeeze %dma_wait3A_50 : memref<1x1x79x128xi32, #tpu.memory_space<hbm>> -> memref<79x128xi32, #tpu.memory_space<hbm>>
      %dma_wait3A_52 = arith.constant 0 : i32
      %dma_wait3A_53 = arith.constant 0 : i32
      %dma_wait3A_54 = tpu.memref_slice %arg4[%arg0, %arg1, %dma_wait3A_52, %dma_wait3A_53] : memref<2x16x79x128xi32, #tpu.memory_space<hbm>> -> memref<1x1x79x128xi32, #tpu.memory_space<hbm>>
      %dma_wait3A_55 = tpu.memref_squeeze %dma_wait3A_54 : memref<1x1x79x128xi32, #tpu.memory_space<hbm>> -> memref<79x128xi32, #tpu.memory_space<hbm>>
      tpu.wait_dma2 semaphore(%run_scoped3A : memref<!tpu.dma_semaphore, #tpu.memory_space<semaphore_mem>>) src(%dma_wait3A_55 : memref<79x128xi32, #tpu.memory_space<hbm>>) dst(%arg7 : memref<79x128xi32, #tpu.memory_space<vmem>>)
      tpu.yield
    }) : () -> ()
    %scan3A = arith.constant 0 : i32
    %scan3A_0 = arith.constant 0 : i32
    %scan3A_1 = arith.constant 128 : i32
    %scan3A_2 = arith.addi %scan3A_0, %scan3A_1 : i32
    %scan3A_3 = arith.constant 1 : i32
    %scan3A_4 = scf.for %scan3A_42 = %scan3A_0 to %scan3A_2 step %scan3A_3 iter_args(%scan3A_43 = %scan3A) -> (i32)  : i32 {
      %broadcast_in_dim3A = arith.constant 0.000000e+00 : f32
      %broadcast_in_dim3A_44 = vector.broadcast %broadcast_in_dim3A : f32 to vector<16xf32>
      %swap3A = arith.index_cast %scan3A_42 : i32 to index
      %swap3A_45 = arith.constant 0 : index
      %swap3A_46 = tpu.vector_load %arg8[%swap3A, %swap3A_45] {strides = array<i32>} : memref<128x128xf32, #tpu.memory_space<vmem>>, vector<1x16xf32>,
      %swap3A_47 = vector.shape_cast %swap3A_46 : vector<1x16xf32> to vector<16xf32>
      %swap3A_48 = vector.shape_cast %broadcast_in_dim3A_44 : vector<16xf32> to vector<1x16xf32>
      tpu.vector_store %arg8[%swap3A, %swap3A_45], %swap3A_48 {strides = array<i32>} : memref<128x128xf32, #tpu.memory_space<vmem>>, vector<1x16xf32>,
      %broadcast_in_dim3A_49 = arith.constant 0.000000e+00 : f32
      %broadcast_in_dim3A_50 = vector.broadcast %broadcast_in_dim3A_49 : f32 to vector<16xf32>
      %swap3A_51 = arith.index_cast %scan3A_42 : i32 to index
      %swap3A_52 = arith.constant 16 : index
      %swap3A_53 = tpu.vector_load %arg8[%swap3A_51, %swap3A_52] {strides = array<i32>} : memref<128x128xf32, #tpu.memory_space<vmem>>, vector<1x16xf32>,
      %swap3A_54 = vector.shape_cast %swap3A_53 : vector<1x16xf32> to vector<16xf32>
      %swap3A_55 = vector.shape_cast %broadcast_in_dim3A_50 : vector<16xf32> to vector<1x16xf32>
      tpu.vector_store %arg8[%swap3A_51, %swap3A_52], %swap3A_55 {strides = array<i32>} : memref<128x128xf32, #tpu.memory_space<vmem>>, vector<1x16xf32>,
      %broadcast_in_dim3A_56 = arith.constant 0.000000e+00 : f32
      %broadcast_in_dim3A_57 = vector.broadcast %broadcast_in_dim3A_56 : f32 to vector<16xf32>
      %swap3A_58 = arith.index_cast %scan3A_42 : i32 to index
      %swap3A_59 = arith.constant 32 : index
      %swap3A_60 = tpu.vector_load %arg8[%swap3A_58, %swap3A_59] {strides = array<i32>} : memref<128x128xf32, #tpu.memory_space<vmem>>, vector<1x16xf32>,
      %swap3A_61 = vector.shape_cast %swap3A_60 : vector<1x16xf32> to vector<16xf32>
      %swap3A_62 = vector.shape_cast %broadcast_in_dim3A_57 : vector<16xf32> to vector<1x16xf32>
      tpu.vector_store %arg8[%swap3A_58, %swap3A_59], %swap3A_62 {strides = array<i32>} : memref<128x128xf32, #tpu.memory_space<vmem>>, vector<1x16xf32>,
      %broadcast_in_dim3A_63 = arith.constant 0.000000e+00 : f32
      %broadcast_in_dim3A_64 = vector.broadcast %broadcast_in_dim3A_63 : f32 to vector<16xf32>
      %swap3A_65 = arith.index_cast %scan3A_42 : i32 to index
      %swap3A_66 = arith.constant 48 : index
      %swap3A_67 = tpu.vector_load %arg8[%swap3A_65, %swap3A_66] {strides = array<i32>} : memref<128x128xf32, #tpu.memory_space<vmem>>, vector<1x16xf32>,
      %swap3A_68 = vector.shape_cast %swap3A_67 : vector<1x16xf32> to vector<16xf32>
      %swap3A_69 = vector.shape_cast %broadcast_in_dim3A_64 : vector<16xf32> to vector<1x16xf32>
      tpu.vector_store %arg8[%swap3A_65, %swap3A_66], %swap3A_69 {strides = array<i32>} : memref<128x128xf32, #tpu.memory_space<vmem>>, vector<1x16xf32>,
      %broadcast_in_dim3A_70 = arith.constant 0.000000e+00 : f32
      %broadcast_in_dim3A_71 = vector.broadcast %broadcast_in_dim3A_70 : f32 to vector<16xf32>
      %swap3A_72 = arith.index_cast %scan3A_42 : i32 to index
      %swap3A_73 = arith.constant 64 : index
      %swap3A_74 = tpu.vector_load %arg8[%swap3A_72, %swap3A_73] {strides = array<i32>} : memref<128x128xf32, #tpu.memory_space<vmem>>, vector<1x16xf32>,
      %swap3A_75 = vector.shape_cast %swap3A_74 : vector<1x16xf32> to vector<16xf32>
      %swap3A_76 = vector.shape_cast %broadcast_in_dim3A_71 : vector<16xf32> to vector<1x16xf32>
      tpu.vector_store %arg8[%swap3A_72, %swap3A_73], %swap3A_76 {strides = array<i32>} : memref<128x128xf32, #tpu.memory_space<vmem>>, vector<1x16xf32>,
      %broadcast_in_dim3A_77 = arith.constant 0.000000e+00 : f32
      %broadcast_in_dim3A_78 = vector.broadcast %broadcast_in_dim3A_77 : f32 to vector<16xf32>
      %swap3A_79 = arith.index_cast %scan3A_42 : i32 to index
      %swap3A_80 = arith.constant 80 : index
      %swap3A_81 = tpu.vector_load %arg8[%swap3A_79, %swap3A_80] {strides = array<i32>} : memref<128x128xf32, #tpu.memory_space<vmem>>, vector<1x16xf32>,
      %swap3A_82 = vector.shape_cast %swap3A_81 : vector<1x16xf32> to vector<16xf32>
      %swap3A_83 = vector.shape_cast %broadcast_in_dim3A_78 : vector<16xf32> to vector<1x16xf32>
      tpu.vector_store %arg8[%swap3A_79, %swap3A_80], %swap3A_83 {strides = array<i32>} : memref<128x128xf32, #tpu.memory_space<vmem>>, vector<1x16xf32>,
      %broadcast_in_dim3A_84 = arith.constant 0.000000e+00 : f32
      %broadcast_in_dim3A_85 = vector.broadcast %broadcast_in_dim3A_84 : f32 to vector<16xf32>
      %swap3A_86 = arith.index_cast %scan3A_42 : i32 to index
      %swap3A_87 = arith.constant 96 : index
      %swap3A_88 = tpu.vector_load %arg8[%swap3A_86, %swap3A_87] {strides = array<i32>} : memref<128x128xf32, #tpu.memory_space<vmem>>, vector<1x16xf32>,
      %swap3A_89 = vector.shape_cast %swap3A_88 : vector<1x16xf32> to vector<16xf32>
      %swap3A_90 = vector.shape_cast %broadcast_in_dim3A_85 : vector<16xf32> to vector<1x16xf32>
      tpu.vector_store %arg8[%swap3A_86, %swap3A_87], %swap3A_90 {strides = array<i32>} : memref<128x128xf32, #tpu.memory_space<vmem>>, vector<1x16xf32>,
      %broadcast_in_dim3A_91 = arith.constant 0.000000e+00 : f32
      %broadcast_in_dim3A_92 = vector.broadcast %broadcast_in_dim3A_91 : f32 to vector<16xf32>
      %swap3A_93 = arith.index_cast %scan3A_42 : i32 to index
      %swap3A_94 = arith.constant 112 : index
      %swap3A_95 = tpu.vector_load %arg8[%swap3A_93, %swap3A_94] {strides = array<i32>} : memref<128x128xf32, #tpu.memory_space<vmem>>, vector<1x16xf32>,
      %swap3A_96 = vector.shape_cast %swap3A_95 : vector<1x16xf32> to vector<16xf32>
      %swap3A_97 = vector.shape_cast %broadcast_in_dim3A_92 : vector<16xf32> to vector<1x16xf32>
      tpu.vector_store %arg8[%swap3A_93, %swap3A_94], %swap3A_97 {strides = array<i32>} : memref<128x128xf32, #tpu.memory_space<vmem>>, vector<1x16xf32>,
      %scan3A_98 = arith.constant 0 : i32
      scf.yield %scan3A_98 : i32
    }
    %scan3A_5 = arith.constant 128 : i32
    %mul3A = arith.constant 640 : i32
    %mul3A_6 = arith.muli %arg1, %mul3A : i32
    %add3A = arith.constant 0 : i32
    %add3A_7 = arith.addi %mul3A_6, %add3A : i32
    "tpu.region"() ({
      %run_scoped3A = tpu.sem_alloc : memref<!tpu.dma_semaphore, #tpu.memory_space<semaphore_mem>>
      %dma_start3A = arith.constant 0 : i32
      %dma_start3A_42 = tpu.memref_slice %arg9[%add3A_7, %dma_start3A] : memref<10240x128xf32, #tpu.memory_space<vmem_shared>> -> memref<128x128xf32, #tpu.memory_space<vmem_shared>>
      %dma_start3A_43 = arith.constant 0 : i32
      %dma_start3A_44 = tpu.memref_slice %arg9[%add3A_7, %dma_start3A_43] : memref<10240x128xf32, #tpu.memory_space<vmem_shared>> -> memref<128x128xf32, #tpu.memory_space<vmem_shared>>
      tpu.enqueue_dma source(%arg8 : memref<128x128xf32, #tpu.memory_space<vmem>>) target(%dma_start3A_44 : memref<128x128xf32, #tpu.memory_space<vmem_shared>>) target_semaphore(%run_scoped3A : memref<!tpu.dma_semaphore, #tpu.memory_space<semaphore_mem>>)
      %dma_wait3A = arith.constant 0 : i32
      %dma_wait3A_45 = tpu.memref_slice %arg9[%add3A_7, %dma_wait3A] : memref<10240x128xf32, #tpu.memory_space<vmem_shared>> -> memref<128x128xf32, #tpu.memory_space<vmem_shared>>
      %dma_wait3A_46 = arith.constant 0 : i32
      %dma_wait3A_47 = tpu.memref_slice %arg9[%add3A_7, %dma_wait3A_46] : memref<10240x128xf32, #tpu.memory_space<vmem_shared>> -> memref<128x128xf32, #tpu.memory_space<vmem_shared>>
      tpu.wait_dma2 semaphore(%run_scoped3A : memref<!tpu.dma_semaphore, #tpu.memory_space<semaphore_mem>>) src(%arg8 : memref<128x128xf32, #tpu.memory_space<vmem>>) dst(%dma_wait3A_47 : memref<128x128xf32, #tpu.memory_space<vmem_shared>>)
      tpu.yield
    }) : () -> ()
    %mul3A_8 = arith.constant 640 : i32
    %mul3A_9 = arith.muli %arg1, %mul3A_8 : i32
    %add3A_10 = arith.constant 128 : i32
    %add3A_11 = arith.addi %mul3A_9, %add3A_10 : i32
    "tpu.region"() ({
      %run_scoped3A = tpu.sem_alloc : memref<!tpu.dma_semaphore, #tpu.memory_space<semaphore_mem>>
      %dma_start3A = arith.constant 0 : i32
      %dma_start3A_42 = tpu.memref_slice %arg9[%add3A_11, %dma_start3A] : memref<10240x128xf32, #tpu.memory_space<vmem_shared>> -> memref<128x128xf32, #tpu.memory_space<vmem_shared>>
      %dma_start3A_43 = arith.constant 0 : i32
      %dma_start3A_44 = tpu.memref_slice %arg9[%add3A_11, %dma_start3A_43] : memref<10240x128xf32, #tpu.memory_space<vmem_shared>> -> memref<128x128xf32, #tpu.memory_space<vmem_shared>>
      tpu.enqueue_dma source(%arg8 : memref<128x128xf32, #tpu.memory_space<vmem>>) target(%dma_start3A_44 : memref<128x128xf32, #tpu.memory_space<vmem_shared>>) target_semaphore(%run_scoped3A : memref<!tpu.dma_semaphore, #tpu.memory_space<semaphore_mem>>)
      %dma_wait3A = arith.constant 0 : i32
      %dma_wait3A_45 = tpu.memref_slice %arg9[%add3A_11, %dma_wait3A] : memref<10240x128xf32, #tpu.memory_space<vmem_shared>> -> memref<128x128xf32, #tpu.memory_space<vmem_shared>>
      %dma_wait3A_46 = arith.constant 0 : i32
      %dma_wait3A_47 = tpu.memref_slice %arg9[%add3A_11, %dma_wait3A_46] : memref<10240x128xf32, #tpu.memory_space<vmem_shared>> -> memref<128x128xf32, #tpu.memory_space<vmem_shared>>
      tpu.wait_dma2 semaphore(%run_scoped3A : memref<!tpu.dma_semaphore, #tpu.memory_space<semaphore_mem>>) src(%arg8 : memref<128x128xf32, #tpu.memory_space<vmem>>) dst(%dma_wait3A_47 : memref<128x128xf32, #tpu.memory_space<vmem_shared>>)
      tpu.yield
    }) : () -> ()
    %mul3A_12 = arith.constant 640 : i32
    %mul3A_13 = arith.muli %arg1, %mul3A_12 : i32
    %add3A_14 = arith.constant 256 : i32
    %add3A_15 = arith.addi %mul3A_13, %add3A_14 : i32
    "tpu.region"() ({
      %run_scoped3A = tpu.sem_alloc : memref<!tpu.dma_semaphore, #tpu.memory_space<semaphore_mem>>
      %dma_start3A = arith.constant 0 : i32
      %dma_start3A_42 = tpu.memref_slice %arg9[%add3A_15, %dma_start3A] : memref<10240x128xf32, #tpu.memory_space<vmem_shared>> -> memref<128x128xf32, #tpu.memory_space<vmem_shared>>
      %dma_start3A_43 = arith.constant 0 : i32
      %dma_start3A_44 = tpu.memref_slice %arg9[%add3A_15, %dma_start3A_43] : memref<10240x128xf32, #tpu.memory_space<vmem_shared>> -> memref<128x128xf32, #tpu.memory_space<vmem_shared>>
      tpu.enqueue_dma source(%arg8 : memref<128x128xf32, #tpu.memory_space<vmem>>) target(%dma_start3A_44 : memref<128x128xf32, #tpu.memory_space<vmem_shared>>) target_semaphore(%run_scoped3A : memref<!tpu.dma_semaphore, #tpu.memory_space<semaphore_mem>>)
      %dma_wait3A = arith.constant 0 : i32
      %dma_wait3A_45 = tpu.memref_slice %arg9[%add3A_15, %dma_wait3A] : memref<10240x128xf32, #tpu.memory_space<vmem_shared>> -> memref<128x128xf32, #tpu.memory_space<vmem_shared>>
      %dma_wait3A_46 = arith.constant 0 : i32
      %dma_wait3A_47 = tpu.memref_slice %arg9[%add3A_15, %dma_wait3A_46] : memref<10240x128xf32, #tpu.memory_space<vmem_shared>> -> memref<128x128xf32, #tpu.memory_space<vmem_shared>>
      tpu.wait_dma2 semaphore(%run_scoped3A : memref<!tpu.dma_semaphore, #tpu.memory_space<semaphore_mem>>) src(%arg8 : memref<128x128xf32, #tpu.memory_space<vmem>>) dst(%dma_wait3A_47 : memref<128x128xf32, #tpu.memory_space<vmem_shared>>)
      tpu.yield
    }) : () -> ()
    %mul3A_16 = arith.constant 640 : i32
    %mul3A_17 = arith.muli %arg1, %mul3A_16 : i32
    %add3A_18 = arith.constant 384 : i32
    %add3A_19 = arith.addi %mul3A_17, %add3A_18 : i32
    "tpu.region"() ({
      %run_scoped3A = tpu.sem_alloc : memref<!tpu.dma_semaphore, #tpu.memory_space<semaphore_mem>>
      %dma_start3A = arith.constant 0 : i32
      %dma_start3A_42 = tpu.memref_slice %arg9[%add3A_19, %dma_start3A] : memref<10240x128xf32, #tpu.memory_space<vmem_shared>> -> memref<128x128xf32, #tpu.memory_space<vmem_shared>>
      %dma_start3A_43 = arith.constant 0 : i32
      %dma_start3A_44 = tpu.memref_slice %arg9[%add3A_19, %dma_start3A_43] : memref<10240x128xf32, #tpu.memory_space<vmem_shared>> -> memref<128x128xf32, #tpu.memory_space<vmem_shared>>
      tpu.enqueue_dma source(%arg8 : memref<128x128xf32, #tpu.memory_space<vmem>>) target(%dma_start3A_44 : memref<128x128xf32, #tpu.memory_space<vmem_shared>>) target_semaphore(%run_scoped3A : memref<!tpu.dma_semaphore, #tpu.memory_space<semaphore_mem>>)
      %dma_wait3A = arith.constant 0 : i32
      %dma_wait3A_45 = tpu.memref_slice %arg9[%add3A_19, %dma_wait3A] : memref<10240x128xf32, #tpu.memory_space<vmem_shared>> -> memref<128x128xf32, #tpu.memory_space<vmem_shared>>
      %dma_wait3A_46 = arith.constant 0 : i32
      %dma_wait3A_47 = tpu.memref_slice %arg9[%add3A_19, %dma_wait3A_46] : memref<10240x128xf32, #tpu.memory_space<vmem_shared>> -> memref<128x128xf32, #tpu.memory_space<vmem_shared>>
      tpu.wait_dma2 semaphore(%run_scoped3A : memref<!tpu.dma_semaphore, #tpu.memory_space<semaphore_mem>>) src(%arg8 : memref<128x128xf32, #tpu.memory_space<vmem>>) dst(%dma_wait3A_47 : memref<128x128xf32, #tpu.memory_space<vmem_shared>>)
      tpu.yield
    }) : () -> ()
    %mul3A_20 = arith.constant 640 : i32
    %mul3A_21 = arith.muli %arg1, %mul3A_20 : i32
    %add3A_22 = arith.constant 512 : i32
    %add3A_23 = arith.addi %mul3A_21, %add3A_22 : i32
    "tpu.region"() ({
      %run_scoped3A = tpu.sem_alloc : memref<!tpu.dma_semaphore, #tpu.memory_space<semaphore_mem>>
      %dma_start3A = arith.constant 0 : i32
      %dma_start3A_42 = tpu.memref_slice %arg9[%add3A_23, %dma_start3A] : memref<10240x128xf32, #tpu.memory_space<vmem_shared>> -> memref<128x128xf32, #tpu.memory_space<vmem_shared>>
      %dma_start3A_43 = arith.constant 0 : i32
      %dma_start3A_44 = tpu.memref_slice %arg9[%add3A_23, %dma_start3A_43] : memref<10240x128xf32, #tpu.memory_space<vmem_shared>> -> memref<128x128xf32, #tpu.memory_space<vmem_shared>>
      tpu.enqueue_dma source(%arg8 : memref<128x128xf32, #tpu.memory_space<vmem>>) target(%dma_start3A_44 : memref<128x128xf32, #tpu.memory_space<vmem_shared>>) target_semaphore(%run_scoped3A : memref<!tpu.dma_semaphore, #tpu.memory_space<semaphore_mem>>)
      %dma_wait3A = arith.constant 0 : i32
      %dma_wait3A_45 = tpu.memref_slice %arg9[%add3A_23, %dma_wait3A] : memref<10240x128xf32, #tpu.memory_space<vmem_shared>> -> memref<128x128xf32, #tpu.memory_space<vmem_shared>>
      %dma_wait3A_46 = arith.constant 0 : i32
      %dma_wait3A_47 = tpu.memref_slice %arg9[%add3A_23, %dma_wait3A_46] : memref<10240x128xf32, #tpu.memory_space<vmem_shared>> -> memref<128x128xf32, #tpu.memory_space<vmem_shared>>
      tpu.wait_dma2 semaphore(%run_scoped3A : memref<!tpu.dma_semaphore, #tpu.memory_space<semaphore_mem>>) src(%arg8 : memref<128x128xf32, #tpu.memory_space<vmem>>) dst(%dma_wait3A_47 : memref<128x128xf32, #tpu.memory_space<vmem_shared>>)
      tpu.yield
    }) : () -> ()
    %barrier3A = arith.constant 0 : index
    tpu.barrier barrier_id(%barrier3A)
    %eq3A = arith.constant 0 : i32
    %eq3A_24 = arith.cmpi eq, %arg0, %eq3A : i32
    %jit3A = arith.constant 78 : i32
    %jit3A_25 = arith.constant 79 : i32
    %select_n3A = arith.select %eq3A_24, %jit3A, %jit3A_25 : i32
    %while3A = arith.constant 0 : i32
    %while3A_26 = arith.constant 0 : i32
    %while3A_27 = arith.subi %select_n3A, %while3A : i32
    %while3A_28 = arith.addi %while3A, %while3A_27 : i32
    %while3A_29 = arith.constant 1 : i32
    %while3A_30 = arith.divsi %while3A_27, %while3A_29 : i32
    %while3A_31 = arith.muli %while3A_30, %while3A_29 : i32
    %while3A_32 = arith.addi %while3A, %while3A_31 : i32
    %while3A_33 = arith.constant 1 : i32
    %while3A_34 = scf.for %while3A_42 = %while3A to %while3A_32 step %while3A_33 iter_args(%while3A_43 = %while3A_26) -> (i32)  : i32 {
      %dma_start3A = arith.constant 0 : i32
      %dma_start3A_44 = tpu.memref_slice %arg6[%while3A_42, %dma_start3A] : memref<79x128xi32, #tpu.memory_space<vmem>> -> memref<1x128xi32, #tpu.memory_space<vmem>>
      %dma_start3A_45 = tpu.memref_squeeze %dma_start3A_44 : memref<1x128xi32, #tpu.memory_space<vmem>> -> memref<128xi32, #tpu.memory_space<vmem>>
      %dma_start3A_46 = arith.constant 0 : i32
      %dma_start3A_47 = arith.constant 0 : i32
      %dma_start3A_48 = tpu.memref_slice %arg2[%dma_start3A_46, %dma_start3A_47] : memref<10240x128xf32, #tpu.memory_space<hbm>> -> memref<10240x128xf32, #tpu.memory_space<hbm>>
      tpu.enqueue_indirect_dma source(%dma_start3A_48 : memref<10240x128xf32, #tpu.memory_space<hbm>>) target(%arg8 : memref<128x128xf32, #tpu.memory_space<vmem>>) offsets(%dma_start3A_45 : memref<128xi32, #tpu.memory_space<vmem>>) semaphore(%arg10 : memref<!tpu.dma_semaphore, #tpu.memory_space<semaphore_mem>>)
      %dma_wait3A = arith.constant 0 : i32
      %dma_wait3A_49 = tpu.memref_slice %arg6[%while3A_42, %dma_wait3A] : memref<79x128xi32, #tpu.memory_space<vmem>> -> memref<1x128xi32, #tpu.memory_space<vmem>>
      %dma_wait3A_50 = tpu.memref_squeeze %dma_wait3A_49 : memref<1x128xi32, #tpu.memory_space<vmem>> -> memref<128xi32, #tpu.memory_space<vmem>>
      %dma_wait3A_51 = arith.constant 0 : i32
      %dma_wait3A_52 = arith.constant 0 : i32
      %dma_wait3A_53 = tpu.memref_slice %arg2[%dma_wait3A_51, %dma_wait3A_52] : memref<10240x128xf32, #tpu.memory_space<hbm>> -> memref<10240x128xf32, #tpu.memory_space<hbm>>
      tpu.wait_indirect_dma semaphore(%arg10 : memref<!tpu.dma_semaphore, #tpu.memory_space<semaphore_mem>>) src(%dma_wait3A_53 : memref<10240x128xf32, #tpu.memory_space<hbm>>) dst(%arg8 : memref<128x128xf32, #tpu.memory_space<vmem>>)
      "tpu.region"() ({
        %run_scoped3A = tpu.sem_alloc : memref<!tpu.dma_semaphore, #tpu.memory_space<semaphore_mem>>
        %dma_start3A_55 = arith.constant 0 : i32
        %dma_start3A_56 = tpu.memref_slice %arg7[%while3A_42, %dma_start3A_55] : memref<79x128xi32, #tpu.memory_space<vmem>> -> memref<1x128xi32, #tpu.memory_space<vmem>>
        %dma_start3A_57 = tpu.memref_squeeze %dma_start3A_56 : memref<1x128xi32, #tpu.memory_space<vmem>> -> memref<128xi32, #tpu.memory_space<vmem>>
        %dma_start3A_58 = arith.constant 0 : i32
        %dma_start3A_59 = arith.constant 0 : i32
        %dma_start3A_60 = tpu.memref_slice %arg9[%dma_start3A_58, %dma_start3A_59] : memref<10240x128xf32, #tpu.memory_space<vmem_shared>> -> memref<10240x128xf32, #tpu.memory_space<vmem_shared>>
        tpu.enqueue_indirect_dma source(%arg8 : memref<128x128xf32, #tpu.memory_space<vmem>>) target(%dma_start3A_60 : memref<10240x128xf32, #tpu.memory_space<vmem_shared>>) offsets(%dma_start3A_57 : memref<128xi32, #tpu.memory_space<vmem>>) semaphore(%run_scoped3A : memref<!tpu.dma_semaphore, #tpu.memory_space<semaphore_mem>>) {add = true}
        %dma_wait3A_61 = arith.constant 0 : i32
        %dma_wait3A_62 = tpu.memref_slice %arg7[%while3A_42, %dma_wait3A_61] : memref<79x128xi32, #tpu.memory_space<vmem>> -> memref<1x128xi32, #tpu.memory_space<vmem>>
        %dma_wait3A_63 = tpu.memref_squeeze %dma_wait3A_62 : memref<1x128xi32, #tpu.memory_space<vmem>> -> memref<128xi32, #tpu.memory_space<vmem>>
        %dma_wait3A_64 = arith.constant 0 : i32
        %dma_wait3A_65 = arith.constant 0 : i32
        %dma_wait3A_66 = tpu.memref_slice %arg9[%dma_wait3A_64, %dma_wait3A_65] : memref<10240x128xf32, #tpu.memory_space<vmem_shared>> -> memref<10240x128xf32, #tpu.memory_space<vmem_shared>>
        tpu.wait_indirect_dma semaphore(%run_scoped3A : memref<!tpu.dma_semaphore, #tpu.memory_space<semaphore_mem>>) src(%arg8 : memref<128x128xf32, #tpu.memory_space<vmem>>) dst(%dma_wait3A_66 : memref<10240x128xf32, #tpu.memory_space<vmem_shared>>)
        tpu.yield
      }) : () -> ()
      %while3A_54 = arith.constant 0 : i32
      scf.yield %while3A_54 : i32
    }
    %while3A_35 = arith.constant 1 : i32
    %while3A_36 = scf.for %while3A_42 = %while3A_32 to %while3A_28 step %while3A_35 iter_args(%while3A_43 = %while3A_34) -> (i32)  : i32 {
      %dma_start3A = arith.constant 0 : i32
      %dma_start3A_44 = tpu.memref_slice %arg6[%while3A_42, %dma_start3A] : memref<79x128xi32, #tpu.memory_space<vmem>> -> memref<1x128xi32, #tpu.memory_space<vmem>>
      %dma_start3A_45 = tpu.memref_squeeze %dma_start3A_44 : memref<1x128xi32, #tpu.memory_space<vmem>> -> memref<128xi32, #tpu.memory_space<vmem>>
      %dma_start3A_46 = arith.constant 0 : i32
      %dma_start3A_47 = arith.constant 0 : i32
      %dma_start3A_48 = tpu.memref_slice %arg2[%dma_start3A_46, %dma_start3A_47] : memref<10240x128xf32, #tpu.memory_space<hbm>> -> memref<10240x128xf32, #tpu.memory_space<hbm>>
      tpu.enqueue_indirect_dma source(%dma_start3A_48 : memref<10240x128xf32, #tpu.memory_space<hbm>>) target(%arg8 : memref<128x128xf32, #tpu.memory_space<vmem>>) offsets(%dma_start3A_45 : memref<128xi32, #tpu.memory_space<vmem>>) semaphore(%arg10 : memref<!tpu.dma_semaphore, #tpu.memory_space<semaphore_mem>>)
      %dma_wait3A = arith.constant 0 : i32
      %dma_wait3A_49 = tpu.memref_slice %arg6[%while3A_42, %dma_wait3A] : memref<79x128xi32, #tpu.memory_space<vmem>> -> memref<1x128xi32, #tpu.memory_space<vmem>>
      %dma_wait3A_50 = tpu.memref_squeeze %dma_wait3A_49 : memref<1x128xi32, #tpu.memory_space<vmem>> -> memref<128xi32, #tpu.memory_space<vmem>>
      %dma_wait3A_51 = arith.constant 0 : i32
      %dma_wait3A_52 = arith.constant 0 : i32
      %dma_wait3A_53 = tpu.memref_slice %arg2[%dma_wait3A_51, %dma_wait3A_52] : memref<10240x128xf32, #tpu.memory_space<hbm>> -> memref<10240x128xf32, #tpu.memory_space<hbm>>
      tpu.wait_indirect_dma semaphore(%arg10 : memref<!tpu.dma_semaphore, #tpu.memory_space<semaphore_mem>>) src(%dma_wait3A_53 : memref<10240x128xf32, #tpu.memory_space<hbm>>) dst(%arg8 : memref<128x128xf32, #tpu.memory_space<vmem>>)
      "tpu.region"() ({
        %run_scoped3A = tpu.sem_alloc : memref<!tpu.dma_semaphore, #tpu.memory_space<semaphore_mem>>
        %dma_start3A_55 = arith.constant 0 : i32
        %dma_start3A_56 = tpu.memref_slice %arg7[%while3A_42, %dma_start3A_55] : memref<79x128xi32, #tpu.memory_space<vmem>> -> memref<1x128xi32, #tpu.memory_space<vmem>>
        %dma_start3A_57 = tpu.memref_squeeze %dma_start3A_56 : memref<1x128xi32, #tpu.memory_space<vmem>> -> memref<128xi32, #tpu.memory_space<vmem>>
        %dma_start3A_58 = arith.constant 0 : i32
        %dma_start3A_59 = arith.constant 0 : i32
        %dma_start3A_60 = tpu.memref_slice %arg9[%dma_start3A_58, %dma_start3A_59] : memref<10240x128xf32, #tpu.memory_space<vmem_shared>> -> memref<10240x128xf32, #tpu.memory_space<vmem_shared>>
        tpu.enqueue_indirect_dma source(%arg8 : memref<128x128xf32, #tpu.memory_space<vmem>>) target(%dma_start3A_60 : memref<10240x128xf32, #tpu.memory_space<vmem_shared>>) offsets(%dma_start3A_57 : memref<128xi32, #tpu.memory_space<vmem>>) semaphore(%run_scoped3A : memref<!tpu.dma_semaphore, #tpu.memory_space<semaphore_mem>>) {add = true}
        %dma_wait3A_61 = arith.constant 0 : i32
        %dma_wait3A_62 = tpu.memref_slice %arg7[%while3A_42, %dma_wait3A_61] : memref<79x128xi32, #tpu.memory_space<vmem>> -> memref<1x128xi32, #tpu.memory_space<vmem>>
        %dma_wait3A_63 = tpu.memref_squeeze %dma_wait3A_62 : memref<1x128xi32, #tpu.memory_space<vmem>> -> memref<128xi32, #tpu.memory_space<vmem>>
        %dma_wait3A_64 = arith.constant 0 : i32
        %dma_wait3A_65 = arith.constant 0 : i32
        %dma_wait3A_66 = tpu.memref_slice %arg9[%dma_wait3A_64, %dma_wait3A_65] : memref<10240x128xf32, #tpu.memory_space<vmem_shared>> -> memref<10240x128xf32, #tpu.memory_space<vmem_shared>>
        tpu.wait_indirect_dma semaphore(%run_scoped3A : memref<!tpu.dma_semaphore, #tpu.memory_space<semaphore_mem>>) src(%arg8 : memref<128x128xf32, #tpu.memory_space<vmem>>) dst(%dma_wait3A_66 : memref<10240x128xf32, #tpu.memory_space<vmem_shared>>)
        tpu.yield
      }) : () -> ()
      %while3A_54 = arith.constant 0 : i32
      scf.yield %while3A_54 : i32
    }
    %barrier3A_37 = arith.constant 0 : index
    tpu.barrier barrier_id(%barrier3A_37)
    %mul3A_38 = arith.constant 640 : i32
    %mul3A_39 = arith.muli %arg1, %mul3A_38 : i32
    %mul3A_40 = arith.constant 640 : i32
    %mul3A_41 = arith.muli %arg1, %mul3A_40 : i32
    "tpu.region"() ({
      %run_scoped3A = tpu.sem_alloc : memref<!tpu.dma_semaphore, #tpu.memory_space<semaphore_mem>>
      %dma_start3A = arith.constant 0 : i32
      %dma_start3A_42 = tpu.memref_slice %arg5[%arg0, %mul3A_41, %dma_start3A] : memref<2x10240x128xf32, #tpu.memory_space<hbm>> -> memref<1x640x128xf32, #tpu.memory_space<hbm>>
      %dma_start3A_43 = tpu.memref_squeeze %dma_start3A_42 : memref<1x640x128xf32, #tpu.memory_space<hbm>> -> memref<640x128xf32, #tpu.memory_space<hbm>>
      %dma_start3A_44 = arith.constant 0 : i32
      %dma_start3A_45 = tpu.memref_slice %arg9[%mul3A_39, %dma_start3A_44] : memref<10240x128xf32, #tpu.memory_space<vmem_shared>> -> memref<640x128xf32, #tpu.memory_space<vmem_shared>>
      tpu.enqueue_dma source(%dma_start3A_45 : memref<640x128xf32, #tpu.memory_space<vmem_shared>>) target(%dma_start3A_43 : memref<640x128xf32, #tpu.memory_space<hbm>>) target_semaphore(%run_scoped3A : memref<!tpu.dma_semaphore, #tpu.memory_space<semaphore_mem>>)
      %dma_wait3A = arith.constant 0 : i32
      %dma_wait3A_46 = tpu.memref_slice %arg5[%arg0, %mul3A_41, %dma_wait3A] : memref<2x10240x128xf32, #tpu.memory_space<hbm>> -> memref<1x640x128xf32, #tpu.memory_space<hbm>>
      %dma_wait3A_47 = tpu.memref_squeeze %dma_wait3A_46 : memref<1x640x128xf32, #tpu.memory_space<hbm>> -> memref<640x128xf32, #tpu.memory_space<hbm>>
      %dma_wait3A_48 = arith.constant 0 : i32
      %dma_wait3A_49 = tpu.memref_slice %arg9[%mul3A_39, %dma_wait3A_48] : memref<10240x128xf32, #tpu.memory_space<vmem_shared>> -> memref<640x128xf32, #tpu.memory_space<vmem_shared>>
      tpu.wait_dma2 semaphore(%run_scoped3A : memref<!tpu.dma_semaphore, #tpu.memory_space<semaphore_mem>>) src(%dma_wait3A_49 : memref<640x128xf32, #tpu.memory_space<vmem_shared>>) dst(%dma_wait3A_47 : memref<640x128xf32, #tpu.memory_space<hbm>>)
      tpu.yield
    }) : () -> ()
    return
  }
}

module attributes {stable_mosaic.version = 14 : i64} {
  func.func @_pre_body(%arg0: i32, %arg1: memref<1024x128xf32, #tpu.memory_space<vmem>>, %arg2: memref<128x128xf32, #tpu.memory_space<vmem>>, %arg3: memref<1024x128xf32, #tpu.memory_space<vmem>>, %arg4: memref<1024x128xf32, #tpu.memory_space<vmem>>, %arg5: memref<1024x128xf32, #tpu.memory_space<vmem>>, %arg6: memref<1024x16xf32, #tpu.memory_space<vmem>>) attributes {dimension_semantics = [#tpu.dimension_semantics<arbitrary>], iteration_bounds = array<i64: 10>, scalar_prefetch = 0 : i64, scratch_operands = 0 : i64, tpu.core_type = #tpu.core_type<tc>, window_params = [{transform_indices = @transform_0, window_bounds = array<i64: 1024, 128>}, {pipeline_mode = #tpu.pipeline_mode<synchronous>, transform_indices = @transform_1, window_bounds = array<i64: 128, 128>}, {transform_indices = @transform_2, window_bounds = array<i64: 1024, 128>}, {transform_indices = @transform_3, window_bounds = array<i64: 1024, 128>}, {transform_indices = @transform_4, window_bounds = array<i64: 1024, 128>}, {transform_indices = @transform_5, window_bounds = array<i64: 1024, 16>}]} {
    %get3A = arith.constant 0 : index
    %get3A_0 = arith.constant 0 : index
    %get3A_1 = vector.load %arg3[%get3A, %get3A_0] : memref<1024x128xf32, #tpu.memory_space<vmem>>, vector<1024x1xf32>
    %get3A_2 = arith.constant 0 : index
    %get3A_3 = arith.constant 0 : index
    %get3A_4 = vector.load %arg4[%get3A_2, %get3A_3] : memref<1024x128xf32, #tpu.memory_space<vmem>>, vector<1024x1xf32>
    %add3A = arith.addf %get3A_1, %get3A_4 : vector<1024x1xf32>
    %add3A_5 = arith.constant 1.000000e+00 : f32
    %add3A_6 = vector.broadcast %add3A_5 : f32 to vector<1024x1xf32>
    %add3A_7 = arith.addf %add3A, %add3A_6 : vector<1024x1xf32>
    %rsqrt3A = math.rsqrt %add3A_7 : vector<1024x1xf32>
    %get3A_8 = arith.constant 0 : index
    %get3A_9 = arith.constant 0 : index
    %get3A_10 = vector.load %arg1[%get3A_8, %get3A_9] : memref<1024x128xf32, #tpu.memory_space<vmem>>, vector<1024x128xf32>
    %get3A_11 = arith.constant 0 : index
    %get3A_12 = arith.constant 0 : index
    %get3A_13 = vector.load %arg2[%get3A_11, %get3A_12] : memref<128x128xf32, #tpu.memory_space<vmem>>, vector<128x128xf32>
    %dot_general3A = arith.constant dense<0.000000e+00> : vector<1024x128xf32>
    %dot_general3A_14 = tpu.matmul %get3A_10, %get3A_13, %dot_general3A {dimension_numbers = #tpu.dot_dimension_numbers<[1], [0], [0], [1], [0, 0, 1, 1], [], []>, transpose_lhs_hint = false} : vector<1024x128xf32>, vector<128x128xf32>, vector<1024x128xf32> -> vector<1024x128xf32>
    %mul3A = vector.broadcast %rsqrt3A : vector<1024x1xf32> to vector<1024x128xf32>
    %mul3A_15 = arith.mulf %dot_general3A_14, %mul3A : vector<1024x128xf32>
    %swap3A = arith.constant 0 : index
    %swap3A_16 = arith.constant 0 : index
    %swap3A_17 = vector.load %arg5[%swap3A, %swap3A_16] : memref<1024x128xf32, #tpu.memory_space<vmem>>, vector<1024x128xf32>
    tpu.vector_store %arg5[%swap3A, %swap3A_16], %mul3A_15 {strides = array<i32>} : memref<1024x128xf32, #tpu.memory_space<vmem>>, vector<1024x128xf32>,
    %broadcast_in_dim3A = vector.shape_cast %rsqrt3A : vector<1024x1xf32> to vector<1024x1xf32>
    %broadcast_in_dim3A_18 = vector.broadcast %broadcast_in_dim3A : vector<1024x1xf32> to vector<1024x16xf32>
    %swap3A_19 = arith.constant 0 : index
    %swap3A_20 = arith.constant 0 : index
    %swap3A_21 = vector.load %arg6[%swap3A_19, %swap3A_20] : memref<1024x16xf32, #tpu.memory_space<vmem>>, vector<1024x16xf32>
    tpu.vector_store %arg6[%swap3A_19, %swap3A_20], %broadcast_in_dim3A_18 {strides = array<i32>} : memref<1024x16xf32, #tpu.memory_space<vmem>>, vector<1024x16xf32>,
    return
  }
  func.func @transform_0(%arg0: i32) -> (i32, i32) {
    %c0_i32 = arith.constant 0 : i32
    %c0_i32_0 = arith.constant 0 : i32
    return %arg0, %c0_i32 : i32, i32
  }
  func.func @transform_1(%arg0: i32) -> (i32, i32) {
    %c0_i32 = arith.constant 0 : i32
    %c0_i32_0 = arith.constant 0 : i32
    %c0_i32_1 = arith.constant 0 : i32
    return %c0_i32, %c0_i32_0 : i32, i32
  }
  func.func @transform_2(%arg0: i32) -> (i32, i32) {
    %c0_i32 = arith.constant 0 : i32
    %c0_i32_0 = arith.constant 0 : i32
    return %arg0, %c0_i32 : i32, i32
  }
  func.func @transform_3(%arg0: i32) -> (i32, i32) {
    %c0_i32 = arith.constant 0 : i32
    %c0_i32_0 = arith.constant 0 : i32
    return %arg0, %c0_i32 : i32, i32
  }
  func.func @transform_4(%arg0: i32) -> (i32, i32) {
    %c0_i32 = arith.constant 0 : i32
    %c0_i32_0 = arith.constant 0 : i32
    return %arg0, %c0_i32 : i32, i32
  }
  func.func @transform_5(%arg0: i32) -> (i32, i32) {
    %c0_i32 = arith.constant 0 : i32
    %c0_i32_0 = arith.constant 0 : i32
    return %arg0, %c0_i32 : i32, i32
  }
}

module attributes {stable_mosaic.version = 14 : i64} {
  func.func @_mid_body(%arg0: i32, %arg1: memref<1024x128xf32, #tpu.memory_space<vmem>>, %arg2: memref<1024x128xf32, #tpu.memory_space<vmem>>, %arg3: memref<1024x128xf32, #tpu.memory_space<vmem>>, %arg4: memref<1024x16xf32, #tpu.memory_space<vmem>>, %arg5: memref<1x128xf32, #tpu.memory_space<vmem>>, %arg6: memref<1x128xf32, #tpu.memory_space<vmem>>, %arg7: memref<1x128xf32, #tpu.memory_space<vmem>>, %arg8: memref<128x128xf32, #tpu.memory_space<vmem>>, %arg9: memref<1024x128xf32, #tpu.memory_space<vmem>>) attributes {dimension_semantics = [#tpu.dimension_semantics<arbitrary>], iteration_bounds = array<i64: 10>, scalar_prefetch = 0 : i64, scratch_operands = 0 : i64, tpu.core_type = #tpu.core_type<tc>, window_params = [{transform_indices = @transform_0, window_bounds = array<i64: 1024, 128>}, {transform_indices = @transform_1, window_bounds = array<i64: 1024, 128>}, {transform_indices = @transform_2, window_bounds = array<i64: 1024, 128>}, {transform_indices = @transform_3, window_bounds = array<i64: 1024, 16>}, {pipeline_mode = #tpu.pipeline_mode<synchronous>, transform_indices = @transform_4, window_bounds = array<i64: 1, 128>}, {pipeline_mode = #tpu.pipeline_mode<synchronous>, transform_indices = @transform_5, window_bounds = array<i64: 1, 128>}, {pipeline_mode = #tpu.pipeline_mode<synchronous>, transform_indices = @transform_6, window_bounds = array<i64: 1, 128>}, {pipeline_mode = #tpu.pipeline_mode<synchronous>, transform_indices = @transform_7, window_bounds = array<i64: 128, 128>}, {transform_indices = @transform_8, window_bounds = array<i64: 1024, 128>}]} {
    %get3A = arith.constant 0 : index
    %get3A_0 = arith.constant 0 : index
    %get3A_1 = vector.load %arg4[%get3A, %get3A_0] : memref<1024x16xf32, #tpu.memory_space<vmem>>, vector<1024x1xf32>
    %get3A_2 = arith.constant 0 : index
    %get3A_3 = arith.constant 0 : index
    %get3A_4 = vector.load %arg1[%get3A_2, %get3A_3] : memref<1024x128xf32, #tpu.memory_space<vmem>>, vector<1024x128xf32>
    %get3A_5 = arith.constant 0 : index
    %get3A_6 = arith.constant 0 : index
    %get3A_7 = vector.load %arg2[%get3A_5, %get3A_6] : memref<1024x128xf32, #tpu.memory_space<vmem>>, vector<1024x128xf32>
    %add3A = arith.addf %get3A_4, %get3A_7 : vector<1024x128xf32>
    %get3A_8 = arith.constant 0 : index
    %get3A_9 = arith.constant 0 : index
    %get3A_10 = vector.load %arg3[%get3A_8, %get3A_9] : memref<1024x128xf32, #tpu.memory_space<vmem>>, vector<1024x128xf32>
    %add3A_11 = arith.addf %add3A, %get3A_10 : vector<1024x128xf32>
    %mul3A = vector.broadcast %get3A_1 : vector<1024x1xf32> to vector<1024x128xf32>
    %mul3A_12 = arith.mulf %add3A_11, %mul3A : vector<1024x128xf32>
    %get3A_13 = arith.constant 0 : index
    %get3A_14 = arith.constant 0 : index
    %get3A_15 = vector.load %arg5[%get3A_13, %get3A_14] : memref<1x128xf32, #tpu.memory_space<vmem>>, vector<1x128xf32>
    %add3A_16 = vector.broadcast %get3A_15 : vector<1x128xf32> to vector<1024x128xf32>
    %add3A_17 = arith.addf %mul3A_12, %add3A_16 : vector<1024x128xf32>
    %mul3A_18 = arith.constant 0.999994993 : f32
    %mul3A_19 = vector.broadcast %mul3A_18 : f32 to vector<1024x128xf32>
    %mul3A_20 = arith.mulf %add3A_17, %mul3A_19 : vector<1024x128xf32>
    %get3A_21 = arith.constant 0 : index
    %get3A_22 = arith.constant 0 : index
    %get3A_23 = vector.load %arg6[%get3A_21, %get3A_22] : memref<1x128xf32, #tpu.memory_space<vmem>>, vector<1x128xf32>
    %mul3A_24 = vector.broadcast %get3A_23 : vector<1x128xf32> to vector<1024x128xf32>
    %mul3A_25 = arith.mulf %mul3A_20, %mul3A_24 : vector<1024x128xf32>
    %get3A_26 = arith.constant 0 : index
    %get3A_27 = arith.constant 0 : index
    %get3A_28 = vector.load %arg7[%get3A_26, %get3A_27] : memref<1x128xf32, #tpu.memory_space<vmem>>, vector<1x128xf32>
    %add3A_29 = vector.broadcast %get3A_28 : vector<1x128xf32> to vector<1024x128xf32>
    %add3A_30 = arith.addf %mul3A_25, %add3A_29 : vector<1024x128xf32>
    %max3A = arith.constant 0.000000e+00 : f32
    %max3A_31 = vector.broadcast %max3A : f32 to vector<1024x128xf32>
    %max3A_32 = arith.maximumf %add3A_30, %max3A_31 : vector<1024x128xf32>
    %get3A_33 = arith.constant 0 : index
    %get3A_34 = arith.constant 0 : index
    %get3A_35 = vector.load %arg8[%get3A_33, %get3A_34] : memref<128x128xf32, #tpu.memory_space<vmem>>, vector<128x128xf32>
    %dot_general3A = arith.constant dense<0.000000e+00> : vector<1024x128xf32>
    %dot_general3A_36 = tpu.matmul %max3A_32, %get3A_35, %dot_general3A {dimension_numbers = #tpu.dot_dimension_numbers<[1], [0], [0], [1], [0, 0, 1, 1], [], []>, transpose_lhs_hint = false} : vector<1024x128xf32>, vector<128x128xf32>, vector<1024x128xf32> -> vector<1024x128xf32>
    %mul3A_37 = vector.broadcast %get3A_1 : vector<1024x1xf32> to vector<1024x128xf32>
    %mul3A_38 = arith.mulf %dot_general3A_36, %mul3A_37 : vector<1024x128xf32>
    %swap3A = arith.constant 0 : index
    %swap3A_39 = arith.constant 0 : index
    %swap3A_40 = vector.load %arg9[%swap3A, %swap3A_39] : memref<1024x128xf32, #tpu.memory_space<vmem>>, vector<1024x128xf32>
    tpu.vector_store %arg9[%swap3A, %swap3A_39], %mul3A_38 {strides = array<i32>} : memref<1024x128xf32, #tpu.memory_space<vmem>>, vector<1024x128xf32>,
    return
  }
  func.func @transform_0(%arg0: i32) -> (i32, i32) {
    %c0_i32 = arith.constant 0 : i32
    %c0_i32_0 = arith.constant 0 : i32
    return %arg0, %c0_i32 : i32, i32
  }
  func.func @transform_1(%arg0: i32) -> (i32, i32) {
    %c0_i32 = arith.constant 0 : i32
    %c0_i32_0 = arith.constant 0 : i32
    return %arg0, %c0_i32 : i32, i32
  }
  func.func @transform_2(%arg0: i32) -> (i32, i32) {
    %c0_i32 = arith.constant 0 : i32
    %c0_i32_0 = arith.constant 0 : i32
    return %arg0, %c0_i32 : i32, i32
  }
  func.func @transform_3(%arg0: i32) -> (i32, i32) {
    %c0_i32 = arith.constant 0 : i32
    %c0_i32_0 = arith.constant 0 : i32
    return %arg0, %c0_i32 : i32, i32
  }
  func.func @transform_4(%arg0: i32) -> (i32, i32) {
    %c0_i32 = arith.constant 0 : i32
    %c0_i32_0 = arith.constant 0 : i32
    %c0_i32_1 = arith.constant 0 : i32
    return %c0_i32, %c0_i32_0 : i32, i32
  }
  func.func @transform_5(%arg0: i32) -> (i32, i32) {
    %c0_i32 = arith.constant 0 : i32
    %c0_i32_0 = arith.constant 0 : i32
    %c0_i32_1 = arith.constant 0 : i32
    return %c0_i32, %c0_i32_0 : i32, i32
  }
  func.func @transform_6(%arg0: i32) -> (i32, i32) {
    %c0_i32 = arith.constant 0 : i32
    %c0_i32_0 = arith.constant 0 : i32
    %c0_i32_1 = arith.constant 0 : i32
    return %c0_i32, %c0_i32_0 : i32, i32
  }
  func.func @transform_7(%arg0: i32) -> (i32, i32) {
    %c0_i32 = arith.constant 0 : i32
    %c0_i32_0 = arith.constant 0 : i32
    %c0_i32_1 = arith.constant 0 : i32
    return %c0_i32, %c0_i32_0 : i32, i32
  }
  func.func @transform_8(%arg0: i32) -> (i32, i32) {
    %c0_i32 = arith.constant 0 : i32
    %c0_i32_0 = arith.constant 0 : i32
    return %arg0, %c0_i32 : i32, i32
  }
}

module attributes {stable_mosaic.version = 14 : i64} {
  func.func @_post_body(%arg0: i32, %arg1: memref<1000x128xf32, #tpu.memory_space<vmem>>, %arg2: memref<1000x128xf32, #tpu.memory_space<vmem>>, %arg3: memref<1000x128xf32, #tpu.memory_space<vmem>>, %arg4: memref<1000x16xf32, #tpu.memory_space<vmem>>, %arg5: memref<1x128xf32, #tpu.memory_space<vmem>>, %arg6: memref<1x128xf32, #tpu.memory_space<vmem>>, %arg7: memref<1x128xf32, #tpu.memory_space<vmem>>, %arg8: memref<1000x128xf32, #tpu.memory_space<vmem>>, %arg9: memref<1x128xf32, #tpu.memory_space<vmem>>) attributes {dimension_semantics = [#tpu.dimension_semantics<arbitrary>], iteration_bounds = array<i64: 10>, scalar_prefetch = 0 : i64, scratch_operands = 0 : i64, tpu.core_type = #tpu.core_type<tc>, window_params = [{transform_indices = @transform_0, window_bounds = array<i64: 1000, 128>}, {transform_indices = @transform_1, window_bounds = array<i64: 1000, 128>}, {transform_indices = @transform_2, window_bounds = array<i64: 1000, 128>}, {transform_indices = @transform_3, window_bounds = array<i64: 1000, 16>}, {pipeline_mode = #tpu.pipeline_mode<synchronous>, transform_indices = @transform_4, window_bounds = array<i64: 1, 128>}, {pipeline_mode = #tpu.pipeline_mode<synchronous>, transform_indices = @transform_5, window_bounds = array<i64: 1, 128>}, {pipeline_mode = #tpu.pipeline_mode<synchronous>, transform_indices = @transform_6, window_bounds = array<i64: 1, 128>}, {transform_indices = @transform_7, window_bounds = array<i64: 1000, 128>}, {pipeline_mode = #tpu.pipeline_mode<synchronous>, transform_indices = @transform_8, window_bounds = array<i64: 1, 128>}]} {
    %get3A = arith.constant 0 : index
    %get3A_0 = arith.constant 0 : index
    %get3A_1 = vector.load %arg4[%get3A, %get3A_0] : memref<1000x16xf32, #tpu.memory_space<vmem>>, vector<1000x1xf32>
    %get3A_2 = arith.constant 0 : index
    %get3A_3 = arith.constant 0 : index
    %get3A_4 = vector.load %arg1[%get3A_2, %get3A_3] : memref<1000x128xf32, #tpu.memory_space<vmem>>, vector<1000x128xf32>
    %get3A_5 = arith.constant 0 : index
    %get3A_6 = arith.constant 0 : index
    %get3A_7 = vector.load %arg2[%get3A_5, %get3A_6] : memref<1000x128xf32, #tpu.memory_space<vmem>>, vector<1000x128xf32>
    %add3A = arith.addf %get3A_4, %get3A_7 : vector<1000x128xf32>
    %get3A_8 = arith.constant 0 : index
    %get3A_9 = arith.constant 0 : index
    %get3A_10 = vector.load %arg3[%get3A_8, %get3A_9] : memref<1000x128xf32, #tpu.memory_space<vmem>>, vector<1000x128xf32>
    %add3A_11 = arith.addf %add3A, %get3A_10 : vector<1000x128xf32>
    %mul3A = vector.broadcast %get3A_1 : vector<1000x1xf32> to vector<1000x128xf32>
    %mul3A_12 = arith.mulf %add3A_11, %mul3A : vector<1000x128xf32>
    %get3A_13 = arith.constant 0 : index
    %get3A_14 = arith.constant 0 : index
    %get3A_15 = vector.load %arg5[%get3A_13, %get3A_14] : memref<1x128xf32, #tpu.memory_space<vmem>>, vector<1x128xf32>
    %add3A_16 = vector.broadcast %get3A_15 : vector<1x128xf32> to vector<1000x128xf32>
    %add3A_17 = arith.addf %mul3A_12, %add3A_16 : vector<1000x128xf32>
    %reduce_sum3A = arith.constant dense<0.000000e+00> : vector<1000xf32>
    %reduce_sum3A_18 = vector.multi_reduction <add>, %add3A_17, %reduce_sum3A [1] : vector<1000x128xf32> to vector<1000xf32>
    %broadcast_in_dim3A = vector.shape_cast %reduce_sum3A_18 : vector<1000xf32> to vector<1000x1xf32>
    %div3A = arith.constant 1.280000e+02 : f32
    %div3A_19 = vector.broadcast %div3A : f32 to vector<1000x1xf32>
    %div3A_20 = arith.divf %broadcast_in_dim3A, %div3A_19 : vector<1000x1xf32>
    %sub3A = vector.broadcast %div3A_20 : vector<1000x1xf32> to vector<1000x128xf32>
    %sub3A_21 = arith.subf %add3A_17, %sub3A : vector<1000x128xf32>
    %integer_pow3A = arith.mulf %sub3A_21, %sub3A_21 : vector<1000x128xf32>
    %reduce_sum3A_22 = arith.constant dense<0.000000e+00> : vector<1000xf32>
    %reduce_sum3A_23 = vector.multi_reduction <add>, %integer_pow3A, %reduce_sum3A_22 [1] : vector<1000x128xf32> to vector<1000xf32>
    %broadcast_in_dim3A_24 = vector.shape_cast %reduce_sum3A_23 : vector<1000xf32> to vector<1000x1xf32>
    %div3A_25 = arith.constant 1.280000e+02 : f32
    %div3A_26 = vector.broadcast %div3A_25 : f32 to vector<1000x1xf32>
    %div3A_27 = arith.divf %broadcast_in_dim3A_24, %div3A_26 : vector<1000x1xf32>
    %sub3A_28 = vector.broadcast %div3A_20 : vector<1000x1xf32> to vector<1000x128xf32>
    %sub3A_29 = arith.subf %add3A_17, %sub3A_28 : vector<1000x128xf32>
    %add3A_30 = arith.constant 9.99999974E-6 : f32
    %add3A_31 = vector.broadcast %add3A_30 : f32 to vector<1000x1xf32>
    %add3A_32 = arith.addf %div3A_27, %add3A_31 : vector<1000x1xf32>
    %rsqrt3A = math.rsqrt %add3A_32 : vector<1000x1xf32>
    %mul3A_33 = vector.broadcast %rsqrt3A : vector<1000x1xf32> to vector<1000x128xf32>
    %mul3A_34 = arith.mulf %sub3A_29, %mul3A_33 : vector<1000x128xf32>
    %get3A_35 = arith.constant 0 : index
    %get3A_36 = arith.constant 0 : index
    %get3A_37 = vector.load %arg6[%get3A_35, %get3A_36] : memref<1x128xf32, #tpu.memory_space<vmem>>, vector<1x128xf32>
    %mul3A_38 = vector.broadcast %get3A_37 : vector<1x128xf32> to vector<1000x128xf32>
    %mul3A_39 = arith.mulf %mul3A_34, %mul3A_38 : vector<1000x128xf32>
    %get3A_40 = arith.constant 0 : index
    %get3A_41 = arith.constant 0 : index
    %get3A_42 = vector.load %arg7[%get3A_40, %get3A_41] : memref<1x128xf32, #tpu.memory_space<vmem>>, vector<1x128xf32>
    %add3A_43 = vector.broadcast %get3A_42 : vector<1x128xf32> to vector<1000x128xf32>
    %add3A_44 = arith.addf %mul3A_39, %add3A_43 : vector<1000x128xf32>
    %swap3A = arith.constant 0 : index
    %swap3A_45 = arith.constant 0 : index
    %swap3A_46 = vector.load %arg8[%swap3A, %swap3A_45] : memref<1000x128xf32, #tpu.memory_space<vmem>>, vector<1000x128xf32>
    tpu.vector_store %arg8[%swap3A, %swap3A_45], %add3A_44 {strides = array<i32>} : memref<1000x128xf32, #tpu.memory_space<vmem>>, vector<1000x128xf32>,
    %reduce_sum3A_47 = arith.constant dense<0.000000e+00> : vector<128xf32>
    %reduce_sum3A_48 = vector.multi_reduction <add>, %add3A_44, %reduce_sum3A_47 [0] : vector<1000x128xf32> to vector<128xf32>
    %broadcast_in_dim3A_49 = vector.shape_cast %reduce_sum3A_48 : vector<128xf32> to vector<1x128xf32>
    %eq3A = arith.constant 0 : i32
    %eq3A_50 = arith.cmpi eq, %arg0, %eq3A : i32
    %convert_element_type3A = arith.extui %eq3A_50 : i1 to i32
    %cond3A = arith.constant 0 : i32
    %cond3A_51 = arith.cmpi ne, %convert_element_type3A, %cond3A : i32
    scf.if %cond3A_51 {
      %broadcast_in_dim3A_64 = arith.constant 0.000000e+00 : f32
      %broadcast_in_dim3A_65 = vector.broadcast %broadcast_in_dim3A_64 : f32 to vector<1x128xf32>
      %swap3A_66 = arith.constant 0 : index
      %swap3A_67 = arith.constant 0 : index
      %swap3A_68 = vector.load %arg9[%swap3A_66, %swap3A_67] : memref<1x128xf32, #tpu.memory_space<vmem>>, vector<1x128xf32>
      tpu.vector_store %arg9[%swap3A_66, %swap3A_67], %broadcast_in_dim3A_65 {strides = array<i32>} : memref<1x128xf32, #tpu.memory_space<vmem>>, vector<1x128xf32>,
    } else {
    }
    %get3A_52 = arith.constant 0 : index
    %get3A_53 = arith.constant 0 : index
    %get3A_54 = vector.load %arg9[%get3A_52, %get3A_53] : memref<1x128xf32, #tpu.memory_space<vmem>>, vector<1x128xf32>
    %add3A_55 = arith.addf %get3A_54, %broadcast_in_dim3A_49 : vector<1x128xf32>
    %swap3A_56 = arith.constant 0 : index
    %swap3A_57 = arith.constant 0 : index
    %swap3A_58 = vector.load %arg9[%swap3A_56, %swap3A_57] : memref<1x128xf32, #tpu.memory_space<vmem>>, vector<1x128xf32>
    tpu.vector_store %arg9[%swap3A_56, %swap3A_57], %add3A_55 {strides = array<i32>} : memref<1x128xf32, #tpu.memory_space<vmem>>, vector<1x128xf32>,
    %eq3A_59 = arith.constant 9 : i32
    %eq3A_60 = arith.cmpi eq, %arg0, %eq3A_59 : i32
    %convert_element_type3A_61 = arith.extui %eq3A_60 : i1 to i32
    %cond3A_62 = arith.constant 0 : i32
    %cond3A_63 = arith.cmpi ne, %convert_element_type3A_61, %cond3A_62 : i32
    scf.if %cond3A_63 {
      %get3A_64 = arith.constant 0 : index
      %get3A_65 = arith.constant 0 : index
      %get3A_66 = vector.load %arg9[%get3A_64, %get3A_65] : memref<1x128xf32, #tpu.memory_space<vmem>>, vector<1x128xf32>
      %mul3A_67 = arith.constant 9.99999974E-5 : f32
      %mul3A_68 = vector.broadcast %mul3A_67 : f32 to vector<1x128xf32>
      %mul3A_69 = arith.mulf %get3A_66, %mul3A_68 : vector<1x128xf32>
      %swap3A_70 = arith.constant 0 : index
      %swap3A_71 = arith.constant 0 : index
      %swap3A_72 = vector.load %arg9[%swap3A_70, %swap3A_71] : memref<1x128xf32, #tpu.memory_space<vmem>>, vector<1x128xf32>
      tpu.vector_store %arg9[%swap3A_70, %swap3A_71], %mul3A_69 {strides = array<i32>} : memref<1x128xf32, #tpu.memory_space<vmem>>, vector<1x128xf32>,
    } else {
    }
    return
  }
  func.func @transform_0(%arg0: i32) -> (i32, i32) {
    %c0_i32 = arith.constant 0 : i32
    %c0_i32_0 = arith.constant 0 : i32
    return %arg0, %c0_i32 : i32, i32
  }
  func.func @transform_1(%arg0: i32) -> (i32, i32) {
    %c0_i32 = arith.constant 0 : i32
    %c0_i32_0 = arith.constant 0 : i32
    return %arg0, %c0_i32 : i32, i32
  }
  func.func @transform_2(%arg0: i32) -> (i32, i32) {
    %c0_i32 = arith.constant 0 : i32
    %c0_i32_0 = arith.constant 0 : i32
    return %arg0, %c0_i32 : i32, i32
  }
  func.func @transform_3(%arg0: i32) -> (i32, i32) {
    %c0_i32 = arith.constant 0 : i32
    %c0_i32_0 = arith.constant 0 : i32
    return %arg0, %c0_i32 : i32, i32
  }
  func.func @transform_4(%arg0: i32) -> (i32, i32) {
    %c0_i32 = arith.constant 0 : i32
    %c0_i32_0 = arith.constant 0 : i32
    %c0_i32_1 = arith.constant 0 : i32
    return %c0_i32, %c0_i32_0 : i32, i32
  }
  func.func @transform_5(%arg0: i32) -> (i32, i32) {
    %c0_i32 = arith.constant 0 : i32
    %c0_i32_0 = arith.constant 0 : i32
    %c0_i32_1 = arith.constant 0 : i32
    return %c0_i32, %c0_i32_0 : i32, i32
  }
  func.func @transform_6(%arg0: i32) -> (i32, i32) {
    %c0_i32 = arith.constant 0 : i32
    %c0_i32_0 = arith.constant 0 : i32
    %c0_i32_1 = arith.constant 0 : i32
    return %c0_i32, %c0_i32_0 : i32, i32
  }
  func.func @transform_7(%arg0: i32) -> (i32, i32) {
    %c0_i32 = arith.constant 0 : i32
    %c0_i32_0 = arith.constant 0 : i32
    return %arg0, %c0_i32 : i32, i32
  }
  func.func @transform_8(%arg0: i32) -> (i32, i32) {
    %c0_i32 = arith.constant 0 : i32
    %c0_i32_0 = arith.constant 0 : i32
    %c0_i32_1 = arith.constant 0 : i32
    return %c0_i32, %c0_i32_0 : i32, i32
  }
}

</mosaic_0001>

<sc_bundles>
// kernel: kernel.10.cloned.1.call-start
scs
__scs_entry_jumppad:
0x0: {  	(pc) =	sbr.rel $0x88, $3  }
0x1: {  	(tag) =	ssettag $0x0;
	lr =	simm.s32 $0x1  }
0x2: {  	[smem:$0x3F93] =	sst lr;
	_ =	strace $0xD0000000  }
0x3: {  	_ = 	snop  }
0x4: {  	_ = 	snop  }
0x5: {  	_ = 	snop  }
0x6: {  	_ = 	snop  }
0x7: {  	_ = 	snop  }
__scs_overlays_trampoline_lowered:
0x8: {  	[smem:$0x3FA2] =	sst s0  }
0x9: {  	[smem:$0x3FA3] =	sst s1  }
0xa: {  	[smem:$0x3FA4] =	sst s2  }
0xb: {  	[smem:$0x3FA5] =	sst s3  }
0xc: {  	[smem:$0x3FA6] =	sst s4  }
0xd: {  	[smem:$0x3FA7] =	sst s5  }
0xe: {  	[smem:$0x3FA8] =	sst s6  }
0xf: {  	[smem:$0x3FA9] =	sst s7  }
0x10: {  	[smem:$0x3FAA] =	sst s8  }
0x11: {  	[smem:$0x3FAB] =	sst s9;
	s0 =	simm.s32 @!p0 $0x0  }
0x12: {  	s1 =	sld [smem:$0x3F91];
	s0 =	simm.s32 @p0 $0x1  }
0x13: {  	[smem:$0x3FAC] =	sst s0;
	s0 =	simm.s32 @!p1 $0x0  }
0x14: {  	s2 =	sld [smem:$0x3F90];
	s0 =	simm.s32 @p1 $0x1  }
0x15: {  	[smem:$0x3FAD] =	sst s0;
	s0 =	simm.s32 @!p2 $0x0  }
0x16: {  	s3 =	sld [smem:$0x3FDB];
	s0 =	simm.s32 @p2 $0x1  }
0x17: {  	s4 =	simm.s32 $0x1BF5;
	[smem:$0x3FAF] =	sst s0  }
0x18: {  	s0 =	sld [smem:$0x3F92];
	_ =	swait.ge [sflag:s4], $0x0  }
0x19: {  	s7 =	sld [smem:$0x3F93]  }
0x1a: {  	s8 =	sadd.s32 $0xFFFFE003, lr  }
0x1b: {  	s9 =	sadd.s32 $0xFFFFFEF7, lr;
	s5 =	simm.s32 $0xFFFFFFFF;
	p2 =	slt.u32 s8, $0xFFFFF086  }
0x1c: {  	p1 =	slt.u32 s9, $0xF7A;
	s5 =	simm.s32 @!p2 $0x0  }
0x1d: {  	s5 =	simm.s32 @p1 $0x1;
	p0 =	seq.s32 s7, s2  }
0x1e: {  	s7 =	smul.u32 @!p0 $0xF7A, s2;
	p2 =	seq.s32 @!p0 s5, $0x0  }
0x1f: {  	s9 =	smul.u32 $0xF7A, s1;
	s8 =	simm.s32 @!p0 $0x1BF5;
	p2 =	por !p2, p0  }
0x20: {  	[sflag:s8] =	ssyncset.s32 @!p0 $0xFFFFF086;
	s6 =	sadd.s32 @!p0 s3, s7;
	s7 =	simm.s32 @!p0 $0x108  }
0x21: {  	s3 =	sadd.s32 s3, s9;
	s6 =	sadd.s32 @!p0 $0x88, s6;
	s7 =	simm.s32 @p2 $0x1082  }
0x22: {  	[simem:s7], [sflag:s8] =	dma.local @!p0 [hbm:s6], $0xF7A  }
0x23: {  	s9 =	sor.u32 $0xD0000000, s2;
	s6 =	simm.s32 $0x108;
	_ =	swait.ge @!p0 [sflag:s8], $0x0  }
0x24: {  	s3 =	sadd.s32 $0x88, s3;
	s6 =	simm.s32 @!p1 $0x1082;
	[sflag:s4] =	ssyncset.s32 $0xFFFFF086  }
0x25: {  	[simem:s6], [sflag:s4] =	dma.local [hbm:s3], $0xF7A  }
0x26: {  	[smem:$0x3F93] =	sst s1;
	(tag) =	ssettag s2;
	_ =	strace s9  }
0x27: {  	s1 =	sld [smem:$0x3FA3]  }
0x28: {  	s2 =	sld [smem:$0x3FA4]  }
0x29: {  	s4 =	sld [smem:$0x3FA6]  }
0x2a: {  	p0 =	seq.s32 s5, $0x0;
	s5 =	sld [smem:$0x3FA7]  }
0x2b: {  	s6 =	sld [smem:$0x3FA8]  }
0x2c: {  	s7 =	sld [smem:$0x3FA9]  }
0x2d: {  	s3 =	simm.s32 $0x108;
	s8 =	sld [smem:$0x3FAA]  }
0x2e: {  	s3 =	simm.s32 @!p0 $0x1082;
	s9 =	sld [smem:$0x3FAB]  }
0x2f: {  	lr =	sadd.s32 s0, s3;
	s0 =	sld [smem:$0x3FA2]  }
0x30: {  	s3 =	sld [smem:$0x3FA5]  }
0x31: {  	[smem:$0x3FAE] =	sst s10  }
0x32: {  	s10 =	sld [smem:$0x3FAC];
	_ =	sdelay $0x3  }
0x33: {  	p0 =	seq.s32 s10, $0x1;
	s10 =	sld [smem:$0x3FAE];
	_ =	sdelay $0x3  }
0x34: {  	[smem:$0x3FAE] =	sst s10  }
0x35: {  	s10 =	sld [smem:$0x3FAD];
	_ =	sdelay $0x3  }
0x36: {  	p1 =	seq.s32 s10, $0x1;
	s10 =	sld [smem:$0x3FAE];
	_ =	sdelay $0x3  }
0x37: {  	[smem:$0x3FAE] =	sst s10  }
0x38: {  	s10 =	sld [smem:$0x3FAF]  }
0x39: {  	_ = 	snop;
	(pc) =	sbr.ind lr, $3  }
0x3a: {  	_ = 	snop  }
0x3b: {  	_ = 	snop  }
0x3c: {  	p2 =	seq.s32 s10, $0x1;
	s10 =	sld [smem:$0x3FAE]  }
0x3d: {  	_ =	shalt  }
0x3e: {  	_ =	shalt  }
0x3f: {  	_ =	shalt  }
0x40: {  	_ =	shalt  }
0x41: {  	_ =	shalt  }
0x42: {  	_ =	shalt  }
0x43: {  	_ =	shalt  }
0x44: {  	_ =	shalt  }
0x45: {  	_ =	shalt  }
0x46: {  	_ =	shalt  }
0x47: {  	_ =	shalt  }
0x48: {  	_ =	shalt  }
0x49: {  	_ =	shalt  }
0x4a: {  	_ =	shalt  }
0x4b: {  	_ =	shalt  }
0x4c: {  	_ =	shalt  }
0x4d: {  	_ =	shalt  }
0x4e: {  	_ =	shalt  }
0x4f: {  	_ =	shalt  }
0x50: {  	_ =	shalt  }
0x51: {  	_ =	shalt  }
0x52: {  	_ =	shalt  }
0x53: {  	_ =	shalt  }
0x54: {  	_ =	shalt  }
0x55: {  	_ =	shalt  }
0x56: {  	_ =	shalt  }
0x57: {  	_ =	shalt  }
0x58: {  	_ =	shalt  }
0x59: {  	_ =	shalt  }
0x5a: {  	_ =	shalt  }
0x5b: {  	_ =	shalt  }
0x5c: {  	_ =	shalt  }
0x5d: {  	_ =	shalt  }
0x5e: {  	_ =	shalt  }
0x5f: {  	_ =	shalt  }
0x60: {  	_ =	shalt  }
0x61: {  	_ =	shalt  }
0x62: {  	_ =	shalt  }
0x63: {  	_ =	shalt  }
0x64: {  	_ =	shalt  }
0x65: {  	_ =	shalt  }
0x66: {  	_ =	shalt  }
0x67: {  	_ =	shalt  }
0x68: {  	_ =	shalt  }
0x69: {  	_ =	shalt  }
0x6a: {  	_ =	shalt  }
0x6b: {  	_ =	shalt  }
0x6c: {  	_ =	shalt  }
0x6d: {  	_ =	shalt  }
0x6e: {  	_ =	shalt  }
0x6f: {  	_ =	shalt  }
0x70: {  	_ =	shalt  }
0x71: {  	_ =	shalt  }
0x72: {  	_ =	shalt  }
0x73: {  	_ =	shalt  }
0x74: {  	_ =	shalt  }
0x75: {  	_ =	shalt  }
0x76: {  	_ =	shalt  }
0x77: {  	_ =	shalt  }
0x78: {  	_ =	shalt  }
0x79: {  	_ =	shalt  }
0x7a: {  	_ =	shalt  }
0x7b: {  	_ =	shalt  }
0x7c: {  	_ =	shalt  }
0x7d: {  	_ =	shalt  }
0x7e: {  	_ =	shalt  }
0x7f: {  	_ =	shalt  }
0x80: {  	_ =	shalt  }
0x81: {  	_ =	shalt  }
0x82: {  	_ =	shalt  }
0x83: {  	_ =	shalt  }
0x84: {  	_ =	shalt  }
0x85: {  	_ =	shalt  }
0x86: {  	_ =	shalt  }
0x87: {  	_ =	shalt  }
.Lfunc_end0:
.L_simem_size_0:
called_computation_lowered:
.L_overlay_start_0:
0x88: {  	s2 =	sld [smem:$0x3FD9]  }
0x89: {  	s3 =	sld [smem:$0x3FFE];
	_ =	sdelay $0x1  }
0x8a: {  	s1 =	srdreg.scid  }
0x8b: {  	s0 =	sand.u32 $0x1, s1  }
0x8c: {  	s14 =	sshll.u32 s0, $0xA;
	s2 =	sadd.s32 s3, s2  }
0x8d: {  	s2 =	sadd.s32 s2, s14  }
0x8e: {  	[smem:$0x3FBA] =	sst s2  }
0x8f: {  	_ = 	snop  }
0x90: {  	s2 =	sld [smem:$0x3FD0];
	_ =	sdelay $0x2  }
0x91: {  	s15 =	simm.s32 $0xA;
	s4 =	simm.s32 $0x10  }
0x92: {  	[smem:s4], [sflag:s15] =	dma.local [hbm:s2], $0x1  }
0x93: {  	_ =	swait.eq [sflag:s15], $0x1  }
0x94: {  	[sflag:s15] =	ssyncset.done $0x0  }
0x95: {  	[sflag:s15] =	ssyncadd.s32 $0xFFFFFFFF  }
0x96: {  	s16 =	sld [smem:$0x10];
	(tm) =	ssettm $0x1  }
0x97: {  	s17 =	sld [smem:$0x3FFB];
	_ =	sdelay $0x3  }
0x98: {  	_ =	strace s17  }
0x99: {  	s3 =	sld [smem:$0x3FFC];
	_ =	sdelay $0x3  }
0x9a: {  	_ =	strace s3  }
0x9b: {  	s3 =	sld [smem:$0x3FFD];
	_ =	sdelay $0x3  }
0x9c: {  	_ =	strace s3  }
0x9d: {  	_ =	strace $0x8FFFFFFF  }
0x9e: {  	s18 =	sld [smem:$0x3FDB];
	_ =	sdelay $0x1  }
0x9f: {  	s19 =	simm.s32 $_scs_section_size  }
0xa0: {  	s5 =	simm.s32 $_size__tile_overlayer_lowered;
	s6 =	simm.s32 $_tile_overlayer_lowered  }
0xa1: {  	s22 =	simm.s32 $0x1BFF;
	s21 =	sshll.u32 s6, $0x1;
	s3 =	sadd.s32 s19, s18  }
0xa2: {  	s7 =	simm.s32 $0x0;
	s20 =	sshll.u32 s5, $0x1;
	s5 =	sadd.s32 s21, s3  }
0xa3: {  	[timem:s7], [sflag:s22] =	dma.local [hbm:s5], s20  }
0xa4: {  	_ =	swait.ge [sflag:s22], s20  }
0xa5: {  	s4 =	ssub.s32 $0x0, s20;
	[sflag:s22] =	ssyncset.done $0x0  }
0xa6: {  	[sflag:s22] =	ssyncadd.s32 s4;
	_ =	sdelay $0x1  }
0xa7: {  	s23 =	simm.s32 $0x1B8B  }
0xa8: {  	_ =	swait.ge [sflag:s23], $0x1  }
0xa9: {  	[sflag:s23] =	ssyncset.done $0x0  }
0xaa: {  	s25 =	simm.s32 $0x1B8E;
	s24 =	sld [smem:$0x3FFE];
	[sflag:s23] =	ssyncadd.s32 $0xFFFFFFFF  }
0xab: {  	s26 =	simm.s32 $execute0_lowered;
	[smem:$0x3FD2] =	sst s25  }
0xac: {  	s5 =	sshll.u32 s26, $0x1;
	_ =	strace $0x80000046;
	[dreg:$0x1] =	wrdreg $0xFFFFFFFF  }
0xad: {  	s28 =	simm.s32 $_size_execute0_lowered;
	s3 =	sadd.s32 s3, s5;
	[dreg:$0x0] =	wrdreg $0x0  }
0xae: {  	s5 =	sshll.u32 s28, $0x1;
	[dreg:$0x2] =	wrdreg s3  }
0xaf: {  	[dreg:$0x3] =	wrdreg s5  }
0xb0: {  	[dreg:$0x4] =	wrdreg $0xC0  }
0xb1: {  	_ =	task [dreg:s7], $0x5FFFF  }
0xb2: {  	[dreg:$0x1] =	wrdreg $0xFFFFFFFF  }
0xb3: {  	[dreg:$0x0] =	wrdreg $0x60  }
0xb4: {  	[dreg:$0x2] =	wrdreg s16  }
0xb5: {  	[dreg:$0x3] =	wrdreg s24  }
0xb6: {  	[dreg:$0x4] =	wrdreg $0x68000  }
0xb7: {  	[dreg:$0x5] =	wrdreg $0x9  }
0xb8: {  	_ =	task.clear_ibuf [dreg:s7], $0x6FFFF;
	_ =	strace $0x90000046  }
0xb9: {  	s29 =	simm.s32 $0x9;
	_ =	strace $0x80000048  }
0xba: {  	_ =	swait.ge [sflag:s29], $0x1  }
0xbb: {  	[sflag:s29] =	ssyncadd.s32 $0xFFFFFFFF  }
0xbc: {  	_ =	strace $0x90000048  }
0xbd: {  	_ =	sfence  }
0xbe: {  	s30 =	sld [smem:$0x0];
	_ =	sdelay $0x2  }
0xbf: {  	s31 =	sshll.u32 s1, $0xD;
	s1 =	sshrl.u32 s1, $0x2  }
0xc0: {  	s3 =	sand.u32 $0x4000, s31;
	s1 =	sadd.s32 s1, s30  }
0xc1: {  	s0 =	sor.u32 s3, s0;
	s1 =	sshll.u32 s1, $0x11  }
0xc2: {  	s0 =	sor.u32 s1, s0  }
0xc3: {  	s0 =	sadd.s32 $0x8F2B, s0  }
0xc4: {  	[sflag:s0] =	ssyncadd.remote.s32 $0x1  }
0xc5: {  	_ =	sfence.sel $0xFFFF  }
0xc6: {  	[dreg:$0x0] =	wrdreg $0xFFFFFFFF;
	(pc) =	sbr.abs _section_cstart, $3  }
0xc7: {  	[dreg:$0x1] =	wrdreg $0xFFFFFFFF  }
0xc8: {  	_ =	task.clear_ibuf [dreg:s7], $0x2FFFF;
	_ =	strace $0x9FFFFFFF  }
0xc9: {  	(tm) =	ssettm $0x7FFFFFFF  }
tec
execute0_lowered:
.L_overlay_start_1:
0x0: {  	(tag) =	ssettag $0x1  }
0x1: {  	s5 =	rddreg [dreg:$0x0]  }
0x2: {  	s0 =	srdreg.scid;
	s4 =	rddreg [dreg:$0x1]  }
0x3: {  	s2 =	rddreg [dreg:$0x2];
	s6 =	sand.u32 $0x1, s0  }
0x4: {  	s0 =	stileid.u32;
	s7 =	smul.u32 $0x140000, s6  }
0x5: {  	s1 =	rddreg [dreg:$0x3];
	s8 =	smul.u32 $0x14000, s0  }
0x6: {  	s3 =	simm.s32 $0x0;
	s13 =	simm.s32 $0x2800;
	s9 =	smul.u32 $0x28000, s6  }
0x7: {  	s14 =	simm.s32 $0x80;
	s17 =	simm.s32 $0x0;
	s28 =	smul.u32 $0x2800, s0  }
0x8: {  	[smem:$0x7FF] =	sst s3;
	s10 =	smul.u32 $0x50000, s0;
	s6 =	ssub.s32 $0x2, s6  }
0x9: {  	_ =	strace $0x80000047;
	s15 =	sshll.u32 s0, $0x6;
	s31 =	sshrl.u32 s6, $0x1  }
0xa: {  	s15 =	sor.u32 $0x1C01, s15;
	s7 =	sadd.s32 s8, s7;
	s29 =	sadd.s32 s28, s9  }
0xb: {  	s30 =	sshrl.u32 s10, $0x2;
	s12 =	ssub.s32 s6, s31;
	s7 =	sshrl.u32 s7, $0x3  }
0xc: {  	s9 =	sshrl.u32 s29, $0x3;
	s11 =	sadd.s32 s7, s4;
	s4 =	sadd.s32 s30, s2  }
0xd: {  	s5 =	sadd.s32 s5, s9;
	s6 =	sadd.s32 $0x4000, s4;
	s7 =	sadd.s32 $0x8000, s4  }
0xe: {  	s8 =	sadd.s32 $0xC000, s4;
	s9 =	sadd.s32 $0x10000, s4;
	s10 =	sadd.s32 $0x4C00, s11  }
0xf: {  	v0 =	vimm.f32 $0.0e+00;
	v1 =	vimm.f32 $1.000000000e+00;
	s11 =	smax.u32 s12, $0x1;
	s12 =	simm.s32 $0x1;
	s16 =	sshrl.u32 s4, $0x3  }
.LBB2_1:
0x10: {  	[tilespmem:s3], [sflag:$0x1] =	stream.linear.gather [hbm4b:s5+s3], $0x2780, $0x38;
	[tilespmem:$0x1A800] =	vst v63  }
0x11: {  	_ =	swait.ge [sflag:s12], $0x2780  }
0x12: {  	[sflag:s12] =	ssyncset.done $0x0  }
0x13: {  	s18 =	simm.s32 $0x0;
	s19 =	simm.s32 $0x200;
	[sflag:s12] =	ssyncadd.s32 $0xFFFFD880  }
.LBB2_2:
0x14: {  	p0 =	sne.s32 s19, $0xFE00;
	[tilespmem:s18+$0x2870] =	vst v0  }
0x15: {  	[tilespmem:s18+$0x2800] =	vst v0  }
0x16: {  	[tilespmem:s18+$0x2810] =	vst v0  }
.Ltmp0:
0x17: {  	[tilespmem:s18+$0x2820] =	vst v0;
	(pc) =	sbr.rel @p0 .LBB2_2-.Ltmp0, $4  }
0x18: {  	[tilespmem:s18+$0x2830] =	vst v0  }
0x19: {  	[tilespmem:s18+$0x2840] =	vst v0  }
0x1a: {  	[tilespmem:s18+$0x2850] =	vst v0  }
0x1b: {  	[tilespmem:s18+$0x2860] =	vst v0;
	s18 =	sshra.s32 s19, $0x2;
	s19 =	sadd.s32 $0x200, s19  }
0x1c: {  	[tilespmem:s18+$0x2870] =	vst v0  }
0x1d: {  	[tilespmem:s18+$0x2800] =	vst v0  }
0x1e: {  	[tilespmem:s18+$0x2810] =	vst v0  }
0x1f: {  	[tilespmem:s18+$0x2820] =	vst v0  }
0x20: {  	[tilespmem:s18+$0x2830] =	vst v0  }
0x21: {  	[tilespmem:s18+$0x2840] =	vst v0  }
0x22: {  	[tilespmem:s18+$0x2850] =	vst v0  }
0x23: {  	[tilespmem:s18+$0x2860] =	vst v0  }
0x24: {  	[spmem:s4] =	stream.linear.scatter [tilespmem:s13], [sflag:$0x1], $0x4000, $0x38;
	[tilespmem:$0x1A800] =	vst v63  }
0x25: {  	_ =	swait.ge [sflag:s12], $0x4000  }
0x26: {  	[sflag:s12] =	ssyncset.done $0x0  }
0x27: {  	[sflag:s12] =	ssyncadd.s32 $0xFFFFC000  }
0x28: {  	[spmem:s6] =	stream.linear.scatter [tilespmem:s13], [sflag:$0x1], $0x4000, $0x38;
	[tilespmem:$0x1A800] =	vst v63  }
0x29: {  	_ =	swait.ge [sflag:s12], $0x4000  }
0x2a: {  	[sflag:s12] =	ssyncset.done $0x0  }
0x2b: {  	[sflag:s12] =	ssyncadd.s32 $0xFFFFC000  }
0x2c: {  	[spmem:s7] =	stream.linear.scatter [tilespmem:s13], [sflag:$0x1], $0x4000, $0x38;
	[tilespmem:$0x1A800] =	vst v63  }
0x2d: {  	_ =	swait.ge [sflag:s12], $0x4000  }
0x2e: {  	[sflag:s12] =	ssyncset.done $0x0  }
0x2f: {  	[sflag:s12] =	ssyncadd.s32 $0xFFFFC000  }
0x30: {  	[spmem:s8] =	stream.linear.scatter [tilespmem:s13], [sflag:$0x1], $0x4000, $0x38;
	[tilespmem:$0x1A800] =	vst v63  }
0x31: {  	_ =	swait.ge [sflag:s12], $0x4000  }
0x32: {  	[sflag:s12] =	ssyncset.done $0x0  }
0x33: {  	[sflag:s12] =	ssyncadd.s32 $0xFFFFC000  }
0x34: {  	[spmem:s9] =	stream.linear.scatter [tilespmem:s13], [sflag:$0x1], $0x4000, $0x38;
	[tilespmem:$0x1A800] =	vst v63  }
0x35: {  	_ =	swait.ge [sflag:s12], $0x4000  }
0x36: {  	[sflag:s12] =	ssyncset.done $0x0  }
0x37: {  	s18 =	simm.s32 $0x0;
	s19 =	simm.s32 $0x200;
	[sflag:s12] =	ssyncadd.s32 $0xFFFFC000  }
.LBB2_4:
0x38: {  	p0 =	sne.s32 s19, $0xFE00;
	[tilespmem:s18+$0x2870] =	vst v1  }
0x39: {  	[tilespmem:s18+$0x2800] =	vst v1  }
0x3a: {  	[tilespmem:s18+$0x2810] =	vst v1  }
.Ltmp1:
0x3b: {  	[tilespmem:s18+$0x2820] =	vst v1;
	(pc) =	sbr.rel @p0 .LBB2_4-.Ltmp1, $4  }
0x3c: {  	[tilespmem:s18+$0x2830] =	vst v1  }
0x3d: {  	[tilespmem:s18+$0x2840] =	vst v1  }
0x3e: {  	[tilespmem:s18+$0x2850] =	vst v1  }
0x3f: {  	[tilespmem:s18+$0x2860] =	vst v1;
	s18 =	sshra.s32 s19, $0x2;
	s19 =	sadd.s32 $0x200, s19  }
0x40: {  	[tilespmem:s18+$0x2870] =	vst v1  }
0x41: {  	[tilespmem:s18+$0x2800] =	vst v1  }
0x42: {  	[tilespmem:s18+$0x2810] =	vst v1  }
0x43: {  	[tilespmem:s18+$0x2820] =	vst v1  }
0x44: {  	[tilespmem:s18+$0x2830] =	vst v1  }
0x45: {  	[tilespmem:s18+$0x2840] =	vst v1  }
0x46: {  	[tilespmem:s18+$0x2850] =	vst v1  }
0x47: {  	[tilespmem:s18+$0x2860] =	vst v1  }
0x48: {  	s31 =	simm.s32 $0x0;
	[bflag:$0x0] =	sbarrier.arrive $0xFFFF  }
0x49: {  	[spmem:s2] =	stream.indirect.scatter.add.f32 [tilespmem:s13], [sflag:$0x1], $0x80, s31, s14, $0xb8;
	[tilespmem:$0x1A800] =	vst v63  }
0x4a: {  	_ =	swait.ge [sflag:s12], $0x4000  }
0x4b: {  	s18 =	simm.s32 $0x200;
	[sflag:s12] =	ssyncset.done $0x0  }
.LBB2_6:
0x4c: {  	s19 =	sshra.s32 s18, $0x2;
	[sflag:s12] =	ssyncadd.s32 $0xFFFFC000;
	p0 =	sne.s32 s18, $0x9C00  }
0x4d: {  	[spmem:s2] =	stream.indirect.scatter.add.f32 [tilespmem:s13], [sflag:$0x1], $0x80, s19, s14, $0xb8;
	[tilespmem:$0x1A800] =	vst v63  }
.Ltmp2:
0x4e: {  	_ = 	snop;
	(pc) =	sbr.rel @p0 .LBB2_6-.Ltmp2, $4  }
0x4f: {  	_ = 	snop  }
0x50: {  	s18 =	sadd.s32 $0x200, s18  }
0x51: {  	_ =	swait.ge [sflag:s12], $0x4000  }
0x52: {  	[sflag:s12] =	ssyncset.done $0x0  }
0x53: {  	s17 =	sadd.s32 $0x1, s17  }
0x54: {  	[sflag:s12] =	ssyncadd.s32 $0xFFFFC000;
	p0 =	sne.s32 s17, s11  }
.Ltmp3:
0x55: {  	[bflag:$0x0] =	sbarrier.arrive $0xFFFF;
	(pc) =	sbr.rel @p0 .LBB2_1-.Ltmp3, $4  }
0x56: {  	[hbm:s10], [sflag:s15] =	dma.local [spmem:s16], $0x2800  }
0x57: {  	_ =	swait.ge [sflag:s12], $0x2800  }
0x58: {  	[sflag:s12] =	ssyncset.done $0x0  }
0x59: {  	[sflag:s12] =	ssyncadd.s32 $0xFFFFD800  }
0x5a: {  	_ =	sfence.sel $0x180000  }
0x5b: {  	[bflag:$0x0] =	sbarrier.arrive $0xFFFF  }
0x5c: {  	p0 =	sne.s32 s0, $0x0;
	_ =	strace $0x90000047  }
0x5d: {  	s0 =	sadd.s32 @!p0 $0x100000, s1;
	[bflag:$0x2] =	sbarrier.arrive $0xFFFF  }
0x5e: {  	[sflag:s0] =	ssyncadd.tile.s32 @!p0 $0x1;
	_ =	shalt  }
.Lfunc_end2:
_tile_overlayer_lowered:
.L_overlay_start_2:
0x5f: {  	(tag) =	ssettag $0x2  }
0x60: {  	s0 =	rddreg [dreg:$0x0];
	s2 =	stileid.u32  }
0x61: {  	s1 =	rddreg [dreg:$0x1];
	p0 =	sne.s32 s2, $0x0  }
0x62: {  	s3 =	rddreg [dreg:$0x2];
	[bflag:$0x3] =	sbarrier.arrive $0xFFFF;
	s2 =	simm.s32 @!p0 $0x1C01  }
0x63: {  	[timem:s3], [sflag:s2] =	dma.local @!p0 [hbm:s0], s1  }
0x64: {  	s0 =	simm.s32 @!p0 $0x1  }
0x65: {  	_ =	swait.ge @!p0 [sflag:s0], s1  }
0x66: {  	s1 =	ssub.s32 @!p0 $0x0, s1;
	[sflag:s0] =	ssyncset.done @!p0 $0x0  }
0x67: {  	[sflag:s0] =	ssyncadd.s32 @!p0 s1  }
0x68: {  	[bflag:$0x3] =	sbarrier.arrive $0xFFFF  }
0x69: {  	_ =	shalt  }

// kernel: kernel.13.cloned.1.call-start
scs
__scs_entry_jumppad:
0x0: {  	(pc) =	sbr.rel $0x88, $3  }
0x1: {  	(tag) =	ssettag $0x0;
	lr =	simm.s32 $0x1  }
0x2: {  	[smem:$0x3F93] =	sst lr;
	_ =	strace $0xD0000000  }
0x3: {  	_ = 	snop  }
0x4: {  	_ = 	snop  }
0x5: {  	_ = 	snop  }
0x6: {  	_ = 	snop  }
0x7: {  	_ = 	snop  }
__scs_overlays_trampoline_lowered:
0x8: {  	[smem:$0x3FA2] =	sst s0  }
0x9: {  	[smem:$0x3FA3] =	sst s1  }
0xa: {  	[smem:$0x3FA4] =	sst s2  }
0xb: {  	[smem:$0x3FA5] =	sst s3  }
0xc: {  	[smem:$0x3FA6] =	sst s4  }
0xd: {  	[smem:$0x3FA7] =	sst s5  }
0xe: {  	[smem:$0x3FA8] =	sst s6  }
0xf: {  	[smem:$0x3FA9] =	sst s7  }
0x10: {  	[smem:$0x3FAA] =	sst s8  }
0x11: {  	[smem:$0x3FAB] =	sst s9;
	s0 =	simm.s32 @!p0 $0x0  }
0x12: {  	s1 =	sld [smem:$0x3F91];
	s0 =	simm.s32 @p0 $0x1  }
0x13: {  	[smem:$0x3FAC] =	sst s0;
	s0 =	simm.s32 @!p1 $0x0  }
0x14: {  	s2 =	sld [smem:$0x3F90];
	s0 =	simm.s32 @p1 $0x1  }
0x15: {  	[smem:$0x3FAD] =	sst s0;
	s0 =	simm.s32 @!p2 $0x0  }
0x16: {  	s3 =	sld [smem:$0x3FDB];
	s0 =	simm.s32 @p2 $0x1  }
0x17: {  	s4 =	simm.s32 $0x1BF5;
	[smem:$0x3FAF] =	sst s0  }
0x18: {  	s0 =	sld [smem:$0x3F92];
	_ =	swait.ge [sflag:s4], $0x0  }
0x19: {  	s7 =	sld [smem:$0x3F93]  }
0x1a: {  	s8 =	sadd.s32 $0xFFFFE003, lr  }
0x1b: {  	s9 =	sadd.s32 $0xFFFFFEF7, lr;
	s5 =	simm.s32 $0xFFFFFFFF;
	p2 =	slt.u32 s8, $0xFFFFF086  }
0x1c: {  	p1 =	slt.u32 s9, $0xF7A;
	s5 =	simm.s32 @!p2 $0x0  }
0x1d: {  	s5 =	simm.s32 @p1 $0x1;
	p0 =	seq.s32 s7, s2  }
0x1e: {  	s7 =	smul.u32 @!p0 $0xF7A, s2;
	p2 =	seq.s32 @!p0 s5, $0x0  }
0x1f: {  	s9 =	smul.u32 $0xF7A, s1;
	s8 =	simm.s32 @!p0 $0x1BF5;
	p2 =	por !p2, p0  }
0x20: {  	[sflag:s8] =	ssyncset.s32 @!p0 $0xFFFFF086;
	s6 =	sadd.s32 @!p0 s3, s7;
	s7 =	simm.s32 @!p0 $0x108  }
0x21: {  	s3 =	sadd.s32 s3, s9;
	s6 =	sadd.s32 @!p0 $0x88, s6;
	s7 =	simm.s32 @p2 $0x1082  }
0x22: {  	[simem:s7], [sflag:s8] =	dma.local @!p0 [hbm:s6], $0xF7A  }
0x23: {  	s9 =	sor.u32 $0xD0000000, s2;
	s6 =	simm.s32 $0x108;
	_ =	swait.ge @!p0 [sflag:s8], $0x0  }
0x24: {  	s3 =	sadd.s32 $0x88, s3;
	s6 =	simm.s32 @!p1 $0x1082;
	[sflag:s4] =	ssyncset.s32 $0xFFFFF086  }
0x25: {  	[simem:s6], [sflag:s4] =	dma.local [hbm:s3], $0xF7A  }
0x26: {  	[smem:$0x3F93] =	sst s1;
	(tag) =	ssettag s2;
	_ =	strace s9  }
0x27: {  	s1 =	sld [smem:$0x3FA3]  }
0x28: {  	s2 =	sld [smem:$0x3FA4]  }
0x29: {  	s4 =	sld [smem:$0x3FA6]  }
0x2a: {  	p0 =	seq.s32 s5, $0x0;
	s5 =	sld [smem:$0x3FA7]  }
0x2b: {  	s6 =	sld [smem:$0x3FA8]  }
0x2c: {  	s7 =	sld [smem:$0x3FA9]  }
0x2d: {  	s3 =	simm.s32 $0x108;
	s8 =	sld [smem:$0x3FAA]  }
0x2e: {  	s3 =	simm.s32 @!p0 $0x1082;
	s9 =	sld [smem:$0x3FAB]  }
0x2f: {  	lr =	sadd.s32 s0, s3;
	s0 =	sld [smem:$0x3FA2]  }
0x30: {  	s3 =	sld [smem:$0x3FA5]  }
0x31: {  	[smem:$0x3FAE] =	sst s10  }
0x32: {  	s10 =	sld [smem:$0x3FAC];
	_ =	sdelay $0x3  }
0x33: {  	p0 =	seq.s32 s10, $0x1;
	s10 =	sld [smem:$0x3FAE];
	_ =	sdelay $0x3  }
0x34: {  	[smem:$0x3FAE] =	sst s10  }
0x35: {  	s10 =	sld [smem:$0x3FAD];
	_ =	sdelay $0x3  }
0x36: {  	p1 =	seq.s32 s10, $0x1;
	s10 =	sld [smem:$0x3FAE];
	_ =	sdelay $0x3  }
0x37: {  	[smem:$0x3FAE] =	sst s10  }
0x38: {  	s10 =	sld [smem:$0x3FAF]  }
0x39: {  	_ = 	snop;
	(pc) =	sbr.ind lr, $3  }
0x3a: {  	_ = 	snop  }
0x3b: {  	_ = 	snop  }
0x3c: {  	p2 =	seq.s32 s10, $0x1;
	s10 =	sld [smem:$0x3FAE]  }
0x3d: {  	_ =	shalt  }
0x3e: {  	_ =	shalt  }
0x3f: {  	_ =	shalt  }
0x40: {  	_ =	shalt  }
0x41: {  	_ =	shalt  }
0x42: {  	_ =	shalt  }
0x43: {  	_ =	shalt  }
0x44: {  	_ =	shalt  }
0x45: {  	_ =	shalt  }
0x46: {  	_ =	shalt  }
0x47: {  	_ =	shalt  }
0x48: {  	_ =	shalt  }
0x49: {  	_ =	shalt  }
0x4a: {  	_ =	shalt  }
0x4b: {  	_ =	shalt  }
0x4c: {  	_ =	shalt  }
0x4d: {  	_ =	shalt  }
0x4e: {  	_ =	shalt  }
0x4f: {  	_ =	shalt  }
0x50: {  	_ =	shalt  }
0x51: {  	_ =	shalt  }
0x52: {  	_ =	shalt  }
0x53: {  	_ =	shalt  }
0x54: {  	_ =	shalt  }
0x55: {  	_ =	shalt  }
0x56: {  	_ =	shalt  }
0x57: {  	_ =	shalt  }
0x58: {  	_ =	shalt  }
0x59: {  	_ =	shalt  }
0x5a: {  	_ =	shalt  }
0x5b: {  	_ =	shalt  }
0x5c: {  	_ =	shalt  }
0x5d: {  	_ =	shalt  }
0x5e: {  	_ =	shalt  }
0x5f: {  	_ =	shalt  }
0x60: {  	_ =	shalt  }
0x61: {  	_ =	shalt  }
0x62: {  	_ =	shalt  }
0x63: {  	_ =	shalt  }
0x64: {  	_ =	shalt  }
0x65: {  	_ =	shalt  }
0x66: {  	_ =	shalt  }
0x67: {  	_ =	shalt  }
0x68: {  	_ =	shalt  }
0x69: {  	_ =	shalt  }
0x6a: {  	_ =	shalt  }
0x6b: {  	_ =	shalt  }
0x6c: {  	_ =	shalt  }
0x6d: {  	_ =	shalt  }
0x6e: {  	_ =	shalt  }
0x6f: {  	_ =	shalt  }
0x70: {  	_ =	shalt  }
0x71: {  	_ =	shalt  }
0x72: {  	_ =	shalt  }
0x73: {  	_ =	shalt  }
0x74: {  	_ =	shalt  }
0x75: {  	_ =	shalt  }
0x76: {  	_ =	shalt  }
0x77: {  	_ =	shalt  }
0x78: {  	_ =	shalt  }
0x79: {  	_ =	shalt  }
0x7a: {  	_ =	shalt  }
0x7b: {  	_ =	shalt  }
0x7c: {  	_ =	shalt  }
0x7d: {  	_ =	shalt  }
0x7e: {  	_ =	shalt  }
0x7f: {  	_ =	shalt  }
0x80: {  	_ =	shalt  }
0x81: {  	_ =	shalt  }
0x82: {  	_ =	shalt  }
0x83: {  	_ =	shalt  }
0x84: {  	_ =	shalt  }
0x85: {  	_ =	shalt  }
0x86: {  	_ =	shalt  }
0x87: {  	_ =	shalt  }
.Lfunc_end0:
.L_simem_size_0:
called_computation.1_lowered:
.L_overlay_start_0:
0x88: {  	s2 =	sld [smem:$0x3FD9]  }
0x89: {  	s3 =	sld [smem:$0x3FFE];
	_ =	sdelay $0x1  }
0x8a: {  	s1 =	srdreg.scid  }
0x8b: {  	s0 =	sand.u32 $0x1, s1  }
0x8c: {  	s16 =	sshll.u32 s0, $0xA;
	s2 =	sadd.s32 s3, s2  }
0x8d: {  	s2 =	sadd.s32 s2, s16  }
0x8e: {  	[smem:$0x3FBA] =	sst s2  }
0x8f: {  	_ = 	snop  }
0x90: {  	(tm) =	ssettm $0x1  }
0x91: {  	s17 =	sld [smem:$0x3FFB];
	_ =	sdelay $0x3  }
0x92: {  	_ =	strace s17  }
0x93: {  	s2 =	sld [smem:$0x3FFC];
	_ =	sdelay $0x3  }
0x94: {  	_ =	strace s2  }
0x95: {  	s2 =	sld [smem:$0x3FFD];
	_ =	sdelay $0x3  }
0x96: {  	_ =	strace s2  }
0x97: {  	_ =	strace $0x8FFFFFFF  }
0x98: {  	s18 =	sld [smem:$0x3FDB];
	_ =	sdelay $0x1  }
0x99: {  	s19 =	simm.s32 $_scs_section_size  }
0x9a: {  	s4 =	simm.s32 $_size__tile_overlayer_lowered;
	s5 =	simm.s32 $_tile_overlayer_lowered  }
0x9b: {  	s22 =	simm.s32 $0x1BFF;
	s21 =	sshll.u32 s5, $0x1;
	s2 =	sadd.s32 s19, s18  }
0x9c: {  	s6 =	simm.s32 $0x0;
	s20 =	sshll.u32 s4, $0x1;
	s4 =	sadd.s32 s21, s2  }
0x9d: {  	[timem:s6], [sflag:s22] =	dma.local [hbm:s4], s20  }
0x9e: {  	_ =	swait.ge [sflag:s22], s20  }
0x9f: {  	s3 =	ssub.s32 $0x0, s20;
	[sflag:s22] =	ssyncset.done $0x0  }
0xa0: {  	[sflag:s22] =	ssyncadd.s32 s3;
	_ =	sdelay $0x1  }
0xa1: {  	s23 =	simm.s32 $0x1B8B  }
0xa2: {  	_ =	swait.ge [sflag:s23], $0x1  }
0xa3: {  	[sflag:s23] =	ssyncset.done $0x0  }
0xa4: {  	s25 =	simm.s32 $0x1B8E;
	s24 =	sld [smem:$0x3FFE];
	[sflag:s23] =	ssyncadd.s32 $0xFFFFFFFF  }
0xa5: {  	s26 =	simm.s32 $execute0_lowered;
	[smem:$0x3FD2] =	sst s25  }
0xa6: {  	s4 =	sshll.u32 s26, $0x1;
	_ =	strace $0x80000049;
	[dreg:$0x1] =	wrdreg $0xFFFFFFFF  }
0xa7: {  	s28 =	simm.s32 $_size_execute0_lowered;
	s2 =	sadd.s32 s2, s4;
	[dreg:$0x0] =	wrdreg $0x0  }
0xa8: {  	s4 =	sshll.u32 s28, $0x1;
	[dreg:$0x2] =	wrdreg s2  }
0xa9: {  	[dreg:$0x3] =	wrdreg s4  }
0xaa: {  	[dreg:$0x4] =	wrdreg $0xC0  }
0xab: {  	_ =	task [dreg:s6], $0x5FFFF  }
0xac: {  	[dreg:$0x1] =	wrdreg $0xFFFFFFFF  }
0xad: {  	[dreg:$0x0] =	wrdreg $0x60  }
0xae: {  	[dreg:$0x2] =	wrdreg s24  }
0xaf: {  	[dreg:$0x3] =	wrdreg $0x90000  }
0xb0: {  	[dreg:$0x4] =	wrdreg $0x9  }
0xb1: {  	_ =	task.clear_ibuf [dreg:s6], $0x5FFFF;
	_ =	strace $0x90000049  }
0xb2: {  	s29 =	simm.s32 $0x9;
	_ =	strace $0x8000004B  }
0xb3: {  	_ =	swait.ge [sflag:s29], $0x1  }
0xb4: {  	[sflag:s29] =	ssyncadd.s32 $0xFFFFFFFF  }
0xb5: {  	_ =	strace $0x9000004B  }
0xb6: {  	_ =	sfence  }
0xb7: {  	s30 =	sld [smem:$0x0];
	_ =	sdelay $0x2  }
0xb8: {  	s31 =	sshll.u32 s1, $0xD;
	s1 =	sshrl.u32 s1, $0x2  }
0xb9: {  	s3 =	sand.u32 $0x4000, s31;
	s1 =	sadd.s32 s1, s30  }
0xba: {  	s0 =	sor.u32 s3, s0;
	s1 =	sshll.u32 s1, $0x11  }
0xbb: {  	s0 =	sor.u32 s1, s0  }
0xbc: {  	s0 =	sadd.s32 $0x8F2B, s0  }
0xbd: {  	[sflag:s0] =	ssyncadd.remote.s32 $0x1  }
0xbe: {  	_ =	sfence.sel $0xFFFF  }
0xbf: {  	[dreg:$0x0] =	wrdreg $0xFFFFFFFF;
	(pc) =	sbr.abs _section_cstart, $3  }
0xc0: {  	[dreg:$0x1] =	wrdreg $0xFFFFFFFF  }
0xc1: {  	_ =	task.clear_ibuf [dreg:s6], $0x2FFFF;
	_ =	strace $0x9FFFFFFF  }
0xc2: {  	(tm) =	ssettm $0x7FFFFFFF  }
0xc3: {  	_ =	shalt  }
tec
execute0_lowered:
.L_overlay_start_1:
0x0: {  	(tag) =	ssettag $0x1  }
0x1: {  	s5 =	rddreg [dreg:$0x0];
	s0 =	srdreg.scid  }
0x2: {  	s2 =	rddreg [dreg:$0x1];
	s1 =	stileid.u32;
	s3 =	simm.s32 $0x0  }
0x3: {  	s15 =	simm.s32 $0x2;
	s16 =	simm.s32 $0x2800;
	s6 =	smul.u32 $0x2800, s1  }
0x4: {  	s17 =	simm.s32 $0x5000;
	s18 =	simm.s32 $0x80;
	s8 =	smul.u32 $0x14000, s1  }
0x5: {  	s19 =	simm.s32 $0x1;
	s14 =	sand.u32 $0x1, s0;
	s9 =	smul.u32 $0x50000, s1  }
0x6: {  	s22 =	simm.s32 $0x0;
	s0 =	rddreg [dreg:$0x2];
	s4 =	smul.u32 $0x28000, s14  }
0x7: {  	[smem:$0x7FF] =	sst s3;
	s20 =	sshll.u32 s1, $0x6;
	s7 =	smul.u32 $0x140000, s14  }
0x8: {  	_ =	strace $0x8000004A;
	s30 =	ssub.s32 $0x2, s14;
	s14 =	sor.u32 $0x4E, s14  }
0x9: {  	s20 =	sor.u32 $0x1C02, s20;
	s31 =	sshrl.u32 s30, $0x1;
	s6 =	sadd.s32 s6, s4  }
0xa: {  	s9 =	sshrl.u32 s9, $0x2;
	s29 =	sadd.s32 s8, s7;
	s6 =	sshrl.u32 s6, $0x3  }
0xb: {  	s13 =	ssub.s32 s30, s31;
	s10 =	sadd.s32 s6, s5;
	s6 =	sshrl.u32 s29, $0x3  }
0xc: {  	s4 =	sadd.s32 $0x4C00, s5;
	s13 =	smax.u32 s13, $0x1;
	s12 =	sadd.s32 s6, s5  }
0xd: {  	s5 =	sadd.s32 s9, s2;
	s6 =	sadd.s32 $0x5EC00, s10;
	s7 =	sadd.s32 $0x54C00, s10  }
0xe: {  	s8 =	sadd.s32 $0x4000, s5;
	s9 =	sadd.s32 $0x8000, s5;
	s10 =	sadd.s32 $0xC000, s5  }
0xf: {  	v0 =	vimm.f32 $0.0e+00;
	s11 =	sadd.s32 $0x10000, s5;
	s12 =	sadd.s32 $0x68C00, s12;
	s21 =	sshrl.u32 s5, $0x3  }
.LBB2_1:
0x10: {  	[tilespmem:s3], [sflag:$0x2] =	stream.linear.gather [hbm4b:s6+s3], $0x2780, $0x38;
	[tilespmem:$0x1D000] =	vst v63  }
0x11: {  	_ =	swait.ge [sflag:s15], $0x2780  }
0x12: {  	[sflag:s15] =	ssyncset.done $0x0  }
0x13: {  	[sflag:s15] =	ssyncadd.s32 $0xFFFFD880  }
0x14: {  	[tilespmem:s16], [sflag:$0x2] =	stream.linear.gather [hbm4b:s7+s3], $0x2780, $0x38;
	[tilespmem:$0x1D000] =	vst v63  }
0x15: {  	_ =	swait.ge [sflag:s15], $0x2780  }
0x16: {  	[sflag:s15] =	ssyncset.done $0x0  }
0x17: {  	s23 =	simm.s32 $0x0;
	s24 =	simm.s32 $0x200;
	[sflag:s15] =	ssyncadd.s32 $0xFFFFD880  }
.LBB2_2:
0x18: {  	p0 =	sne.s32 s24, $0xFE00;
	[tilespmem:s23+$0x5070] =	vst v0  }
0x19: {  	[tilespmem:s23+$0x5000] =	vst v0  }
0x1a: {  	[tilespmem:s23+$0x5010] =	vst v0  }
.Ltmp0:
0x1b: {  	[tilespmem:s23+$0x5020] =	vst v0;
	(pc) =	sbr.rel @p0 .LBB2_2-.Ltmp0, $4  }
0x1c: {  	[tilespmem:s23+$0x5030] =	vst v0  }
0x1d: {  	[tilespmem:s23+$0x5040] =	vst v0  }
0x1e: {  	[tilespmem:s23+$0x5050] =	vst v0  }
0x1f: {  	[tilespmem:s23+$0x5060] =	vst v0;
	s23 =	sshra.s32 s24, $0x2;
	s24 =	sadd.s32 $0x200, s24  }
0x20: {  	[tilespmem:s23+$0x5070] =	vst v0  }
0x21: {  	[tilespmem:s23+$0x5000] =	vst v0  }
0x22: {  	[tilespmem:s23+$0x5010] =	vst v0  }
0x23: {  	[tilespmem:s23+$0x5020] =	vst v0  }
0x24: {  	[tilespmem:s23+$0x5030] =	vst v0  }
0x25: {  	[tilespmem:s23+$0x5040] =	vst v0  }
0x26: {  	[tilespmem:s23+$0x5050] =	vst v0  }
0x27: {  	[tilespmem:s23+$0x5060] =	vst v0  }
0x28: {  	[spmem:s5] =	stream.linear.scatter [tilespmem:s17], [sflag:$0x2], $0x4000, $0x38;
	[tilespmem:$0x1D000] =	vst v63  }
0x29: {  	_ =	swait.ge [sflag:s15], $0x4000  }
0x2a: {  	[sflag:s15] =	ssyncset.done $0x0  }
0x2b: {  	[sflag:s15] =	ssyncadd.s32 $0xFFFFC000  }
0x2c: {  	[spmem:s8] =	stream.linear.scatter [tilespmem:s17], [sflag:$0x2], $0x4000, $0x38;
	[tilespmem:$0x1D000] =	vst v63  }
0x2d: {  	_ =	swait.ge [sflag:s15], $0x4000  }
0x2e: {  	[sflag:s15] =	ssyncset.done $0x0  }
0x2f: {  	[sflag:s15] =	ssyncadd.s32 $0xFFFFC000  }
0x30: {  	[spmem:s9] =	stream.linear.scatter [tilespmem:s17], [sflag:$0x2], $0x4000, $0x38;
	[tilespmem:$0x1D000] =	vst v63  }
0x31: {  	_ =	swait.ge [sflag:s15], $0x4000  }
0x32: {  	[sflag:s15] =	ssyncset.done $0x0  }
0x33: {  	[sflag:s15] =	ssyncadd.s32 $0xFFFFC000  }
0x34: {  	[spmem:s10] =	stream.linear.scatter [tilespmem:s17], [sflag:$0x2], $0x4000, $0x38;
	[tilespmem:$0x1D000] =	vst v63  }
0x35: {  	_ =	swait.ge [sflag:s15], $0x4000  }
0x36: {  	[sflag:s15] =	ssyncset.done $0x0  }
0x37: {  	[sflag:s15] =	ssyncadd.s32 $0xFFFFC000  }
0x38: {  	[spmem:s11] =	stream.linear.scatter [tilespmem:s17], [sflag:$0x2], $0x4000, $0x38;
	[tilespmem:$0x1D000] =	vst v63  }
0x39: {  	_ =	swait.ge [sflag:s15], $0x4000  }
0x3a: {  	[sflag:s15] =	ssyncset.done $0x0  }
0x3b: {  	[sflag:s15] =	ssyncadd.s32 $0xFFFFC000  }
0x3c: {  	s23 =	simm.s32 $0x0;
	[bflag:$0x0] =	sbarrier.arrive $0xFFFF  }
0x3d: {  	[tilespmem:s17], [sflag:$0x1] =	stream.indirect.gather [hbm4b:s4+s18], $0x80, s23, s18, $0xb8;
	[tilespmem:$0x1D000] =	vst v63  }
0x3e: {  	p0 =	sne.s32 s14, $0x1;
	_ =	swait.ge [sflag:s19], $0x4000  }
.Ltmp1:
0x3f: {  	[sflag:s19] =	ssyncset.done $0x0;
	(pc) =	sbr.rel @!p0 .LBB2_5-.Ltmp1, $4  }
0x40: {  	s24 =	simm.s32 $0x2800;
	[sflag:s19] =	ssyncadd.s32 $0xFFFFC000  }
0x41: {  	[spmem:s2] =	stream.indirect.scatter.add.f32 [tilespmem:s17], [sflag:$0x2], $0x80, s24, s18, $0xb8;
	[tilespmem:$0x1D000] =	vst v63  }
0x42: {  	_ =	swait.ge [sflag:s15], $0x4000  }
0x43: {  	s25 =	sadd.s32 $0xFFFFFFFF, s14;
	[sflag:s15] =	ssyncset.done $0x0  }
.LBB2_4:
0x44: {  	[sflag:s15] =	ssyncadd.s32 $0xFFFFC000;
	s23 =	sadd.s32 $0x80, s23;
	s24 =	sadd.s32 $0x80, s24  }
0x45: {  	[tilespmem:s17], [sflag:$0x1] =	stream.indirect.gather [hbm4b:s4+s18], $0x80, s23, s18, $0xb8;
	[tilespmem:$0x1D000] =	vst v63  }
0x46: {  	p0 =	sne.s32 s25, $0x1;
	s25 =	sadd.s32 $0xFFFFFFFF, s25;
	_ =	swait.ge [sflag:s19], $0x4000  }
.Ltmp2:
0x47: {  	[sflag:s19] =	ssyncset.done $0x0;
	(pc) =	sbr.rel @p0 .LBB2_4-.Ltmp2, $4  }
0x48: {  	[sflag:s19] =	ssyncadd.s32 $0xFFFFC000  }
0x49: {  	[spmem:s2] =	stream.indirect.scatter.add.f32 [tilespmem:s17], [sflag:$0x2], $0x80, s24, s18, $0xb8;
	[tilespmem:$0x1D000] =	vst v63  }
0x4a: {  	_ =	swait.ge [sflag:s15], $0x4000  }
0x4b: {  	[sflag:s15] =	ssyncset.done $0x0  }
.LBB2_5:
0x4c: {  	s22 =	sadd.s32 $0x1, s22  }
0x4d: {  	[sflag:s15] =	ssyncadd.s32 $0xFFFFC000;
	p0 =	sne.s32 s22, s13  }
.Ltmp3:
0x4e: {  	[bflag:$0x0] =	sbarrier.arrive $0xFFFF;
	(pc) =	sbr.rel @p0 .LBB2_1-.Ltmp3, $4  }
0x4f: {  	[hbm:s12], [sflag:s20] =	dma.local [spmem:s21], $0x2800  }
0x50: {  	_ =	swait.ge [sflag:s15], $0x2800  }
0x51: {  	[sflag:s15] =	ssyncset.done $0x0  }
0x52: {  	[sflag:s15] =	ssyncadd.s32 $0xFFFFD800  }
0x53: {  	_ =	sfence.sel $0x180000  }
0x54: {  	[bflag:$0x0] =	sbarrier.arrive $0xFFFF  }
0x55: {  	p0 =	sne.s32 s1, $0x0;
	_ =	strace $0x9000004A  }
0x56: {  	s0 =	sadd.s32 @!p0 $0x100000, s0;
	[bflag:$0x2] =	sbarrier.arrive $0xFFFF  }
0x57: {  	[sflag:s0] =	ssyncadd.tile.s32 @!p0 $0x1;
	_ =	shalt  }
.Lfunc_end2:
_tile_overlayer_lowered:
.L_overlay_start_2:
0x58: {  	(tag) =	ssettag $0x2  }
0x59: {  	s0 =	rddreg [dreg:$0x0];
	s2 =	stileid.u32  }
0x5a: {  	s1 =	rddreg [dreg:$0x1];
	p0 =	sne.s32 s2, $0x0  }
0x5b: {  	s3 =	rddreg [dreg:$0x2];
	[bflag:$0x3] =	sbarrier.arrive $0xFFFF;
	s2 =	simm.s32 @!p0 $0x1C02  }
0x5c: {  	[timem:s3], [sflag:s2] =	dma.local @!p0 [hbm:s0], s1  }
0x5d: {  	s0 =	simm.s32 @!p0 $0x2  }
0x5e: {  	_ =	swait.ge @!p0 [sflag:s0], s1  }
0x5f: {  	s1 =	ssub.s32 @!p0 $0x0, s1;
	[sflag:s0] =	ssyncset.done @!p0 $0x0  }
0x60: {  	[sflag:s0] =	ssyncadd.s32 @!p0 s1  }
0x61: {  	[bflag:$0x3] =	sbarrier.arrive $0xFFFF  }
0x62: {  	_ =	shalt  }

// kernel: kernel.16.cloned.1.call-start
scs
__scs_entry_jumppad:
0x0: {  	(pc) =	sbr.rel $0x88, $3  }
0x1: {  	(tag) =	ssettag $0x0;
	lr =	simm.s32 $0x1  }
0x2: {  	[smem:$0x3F93] =	sst lr;
	_ =	strace $0xD0000000  }
0x3: {  	_ = 	snop  }
0x4: {  	_ = 	snop  }
0x5: {  	_ = 	snop  }
0x6: {  	_ = 	snop  }
0x7: {  	_ = 	snop  }
__scs_overlays_trampoline_lowered:
0x8: {  	[smem:$0x3FA2] =	sst s0  }
0x9: {  	[smem:$0x3FA3] =	sst s1  }
0xa: {  	[smem:$0x3FA4] =	sst s2  }
0xb: {  	[smem:$0x3FA5] =	sst s3  }
0xc: {  	[smem:$0x3FA6] =	sst s4  }
0xd: {  	[smem:$0x3FA7] =	sst s5  }
0xe: {  	[smem:$0x3FA8] =	sst s6  }
0xf: {  	[smem:$0x3FA9] =	sst s7  }
0x10: {  	[smem:$0x3FAA] =	sst s8  }
0x11: {  	[smem:$0x3FAB] =	sst s9;
	s0 =	simm.s32 @!p0 $0x0  }
0x12: {  	s1 =	sld [smem:$0x3F91];
	s0 =	simm.s32 @p0 $0x1  }
0x13: {  	[smem:$0x3FAC] =	sst s0;
	s0 =	simm.s32 @!p1 $0x0  }
0x14: {  	s2 =	sld [smem:$0x3F90];
	s0 =	simm.s32 @p1 $0x1  }
0x15: {  	[smem:$0x3FAD] =	sst s0;
	s0 =	simm.s32 @!p2 $0x0  }
0x16: {  	s3 =	sld [smem:$0x3FDB];
	s0 =	simm.s32 @p2 $0x1  }
0x17: {  	s4 =	simm.s32 $0x1BF5;
	[smem:$0x3FAF] =	sst s0  }
0x18: {  	s0 =	sld [smem:$0x3F92];
	_ =	swait.ge [sflag:s4], $0x0  }
0x19: {  	s7 =	sld [smem:$0x3F93]  }
0x1a: {  	s8 =	sadd.s32 $0xFFFFE003, lr  }
0x1b: {  	s9 =	sadd.s32 $0xFFFFFEF7, lr;
	s5 =	simm.s32 $0xFFFFFFFF;
	p2 =	slt.u32 s8, $0xFFFFF086  }
0x1c: {  	p1 =	slt.u32 s9, $0xF7A;
	s5 =	simm.s32 @!p2 $0x0  }
0x1d: {  	s5 =	simm.s32 @p1 $0x1;
	p0 =	seq.s32 s7, s2  }
0x1e: {  	s7 =	smul.u32 @!p0 $0xF7A, s2;
	p2 =	seq.s32 @!p0 s5, $0x0  }
0x1f: {  	s9 =	smul.u32 $0xF7A, s1;
	s8 =	simm.s32 @!p0 $0x1BF5;
	p2 =	por !p2, p0  }
0x20: {  	[sflag:s8] =	ssyncset.s32 @!p0 $0xFFFFF086;
	s6 =	sadd.s32 @!p0 s3, s7;
	s7 =	simm.s32 @!p0 $0x108  }
0x21: {  	s3 =	sadd.s32 s3, s9;
	s6 =	sadd.s32 @!p0 $0x88, s6;
	s7 =	simm.s32 @p2 $0x1082  }
0x22: {  	[simem:s7], [sflag:s8] =	dma.local @!p0 [hbm:s6], $0xF7A  }
0x23: {  	s9 =	sor.u32 $0xD0000000, s2;
	s6 =	simm.s32 $0x108;
	_ =	swait.ge @!p0 [sflag:s8], $0x0  }
0x24: {  	s3 =	sadd.s32 $0x88, s3;
	s6 =	simm.s32 @!p1 $0x1082;
	[sflag:s4] =	ssyncset.s32 $0xFFFFF086  }
0x25: {  	[simem:s6], [sflag:s4] =	dma.local [hbm:s3], $0xF7A  }
0x26: {  	[smem:$0x3F93] =	sst s1;
	(tag) =	ssettag s2;
	_ =	strace s9  }
0x27: {  	s1 =	sld [smem:$0x3FA3]  }
0x28: {  	s2 =	sld [smem:$0x3FA4]  }
0x29: {  	s4 =	sld [smem:$0x3FA6]  }
0x2a: {  	p0 =	seq.s32 s5, $0x0;
	s5 =	sld [smem:$0x3FA7]  }
0x2b: {  	s6 =	sld [smem:$0x3FA8]  }
0x2c: {  	s7 =	sld [smem:$0x3FA9]  }
0x2d: {  	s3 =	simm.s32 $0x108;
	s8 =	sld [smem:$0x3FAA]  }
0x2e: {  	s3 =	simm.s32 @!p0 $0x1082;
	s9 =	sld [smem:$0x3FAB]  }
0x2f: {  	lr =	sadd.s32 s0, s3;
	s0 =	sld [smem:$0x3FA2]  }
0x30: {  	s3 =	sld [smem:$0x3FA5]  }
0x31: {  	[smem:$0x3FAE] =	sst s10  }
0x32: {  	s10 =	sld [smem:$0x3FAC];
	_ =	sdelay $0x3  }
0x33: {  	p0 =	seq.s32 s10, $0x1;
	s10 =	sld [smem:$0x3FAE];
	_ =	sdelay $0x3  }
0x34: {  	[smem:$0x3FAE] =	sst s10  }
0x35: {  	s10 =	sld [smem:$0x3FAD];
	_ =	sdelay $0x3  }
0x36: {  	p1 =	seq.s32 s10, $0x1;
	s10 =	sld [smem:$0x3FAE];
	_ =	sdelay $0x3  }
0x37: {  	[smem:$0x3FAE] =	sst s10  }
0x38: {  	s10 =	sld [smem:$0x3FAF]  }
0x39: {  	_ = 	snop;
	(pc) =	sbr.ind lr, $3  }
0x3a: {  	_ = 	snop  }
0x3b: {  	_ = 	snop  }
0x3c: {  	p2 =	seq.s32 s10, $0x1;
	s10 =	sld [smem:$0x3FAE]  }
0x3d: {  	_ =	shalt  }
0x3e: {  	_ =	shalt  }
0x3f: {  	_ =	shalt  }
0x40: {  	_ =	shalt  }
0x41: {  	_ =	shalt  }
0x42: {  	_ =	shalt  }
0x43: {  	_ =	shalt  }
0x44: {  	_ =	shalt  }
0x45: {  	_ =	shalt  }
0x46: {  	_ =	shalt  }
0x47: {  	_ =	shalt  }
0x48: {  	_ =	shalt  }
0x49: {  	_ =	shalt  }
0x4a: {  	_ =	shalt  }
0x4b: {  	_ =	shalt  }
0x4c: {  	_ =	shalt  }
0x4d: {  	_ =	shalt  }
0x4e: {  	_ =	shalt  }
0x4f: {  	_ =	shalt  }
0x50: {  	_ =	shalt  }
0x51: {  	_ =	shalt  }
0x52: {  	_ =	shalt  }
0x53: {  	_ =	shalt  }
0x54: {  	_ =	shalt  }
0x55: {  	_ =	shalt  }
0x56: {  	_ =	shalt  }
0x57: {  	_ =	shalt  }
0x58: {  	_ =	shalt  }
0x59: {  	_ =	shalt  }
0x5a: {  	_ =	shalt  }
0x5b: {  	_ =	shalt  }
0x5c: {  	_ =	shalt  }
0x5d: {  	_ =	shalt  }
0x5e: {  	_ =	shalt  }
0x5f: {  	_ =	shalt  }
0x60: {  	_ =	shalt  }
0x61: {  	_ =	shalt  }
0x62: {  	_ =	shalt  }
0x63: {  	_ =	shalt  }
0x64: {  	_ =	shalt  }
0x65: {  	_ =	shalt  }
0x66: {  	_ =	shalt  }
0x67: {  	_ =	shalt  }
0x68: {  	_ =	shalt  }
0x69: {  	_ =	shalt  }
0x6a: {  	_ =	shalt  }
0x6b: {  	_ =	shalt  }
0x6c: {  	_ =	shalt  }
0x6d: {  	_ =	shalt  }
0x6e: {  	_ =	shalt  }
0x6f: {  	_ =	shalt  }
0x70: {  	_ =	shalt  }
0x71: {  	_ =	shalt  }
0x72: {  	_ =	shalt  }
0x73: {  	_ =	shalt  }
0x74: {  	_ =	shalt  }
0x75: {  	_ =	shalt  }
0x76: {  	_ =	shalt  }
0x77: {  	_ =	shalt  }
0x78: {  	_ =	shalt  }
0x79: {  	_ =	shalt  }
0x7a: {  	_ =	shalt  }
0x7b: {  	_ =	shalt  }
0x7c: {  	_ =	shalt  }
0x7d: {  	_ =	shalt  }
0x7e: {  	_ =	shalt  }
0x7f: {  	_ =	shalt  }
0x80: {  	_ =	shalt  }
0x81: {  	_ =	shalt  }
0x82: {  	_ =	shalt  }
0x83: {  	_ =	shalt  }
0x84: {  	_ =	shalt  }
0x85: {  	_ =	shalt  }
0x86: {  	_ =	shalt  }
0x87: {  	_ =	shalt  }
.Lfunc_end0:
.L_simem_size_0:
called_computation.2_lowered:
.L_overlay_start_0:
0x88: {  	s2 =	sld [smem:$0x3FD9]  }
0x89: {  	s3 =	sld [smem:$0x3FFE];
	_ =	sdelay $0x1  }
0x8a: {  	s1 =	srdreg.scid  }
0x8b: {  	s0 =	sand.u32 $0x1, s1  }
0x8c: {  	s16 =	sshll.u32 s0, $0xA;
	s2 =	sadd.s32 s3, s2  }
0x8d: {  	s2 =	sadd.s32 s2, s16  }
0x8e: {  	[smem:$0x3FBA] =	sst s2  }
0x8f: {  	_ = 	snop  }
0x90: {  	(tm) =	ssettm $0x1  }
0x91: {  	s17 =	sld [smem:$0x3FFB];
	_ =	sdelay $0x3  }
0x92: {  	_ =	strace s17  }
0x93: {  	s2 =	sld [smem:$0x3FFC];
	_ =	sdelay $0x3  }
0x94: {  	_ =	strace s2  }
0x95: {  	s2 =	sld [smem:$0x3FFD];
	_ =	sdelay $0x3  }
0x96: {  	_ =	strace s2  }
0x97: {  	_ =	strace $0x8FFFFFFF  }
0x98: {  	s18 =	sld [smem:$0x3FDB];
	_ =	sdelay $0x1  }
0x99: {  	s19 =	simm.s32 $_scs_section_size  }
0x9a: {  	s4 =	simm.s32 $_size__tile_overlayer_lowered;
	s5 =	simm.s32 $_tile_overlayer_lowered  }
0x9b: {  	s22 =	simm.s32 $0x1BFF;
	s21 =	sshll.u32 s5, $0x1;
	s2 =	sadd.s32 s19, s18  }
0x9c: {  	s6 =	simm.s32 $0x0;
	s20 =	sshll.u32 s4, $0x1;
	s4 =	sadd.s32 s21, s2  }
0x9d: {  	[timem:s6], [sflag:s22] =	dma.local [hbm:s4], s20  }
0x9e: {  	_ =	swait.ge [sflag:s22], s20  }
0x9f: {  	s3 =	ssub.s32 $0x0, s20;
	[sflag:s22] =	ssyncset.done $0x0  }
0xa0: {  	[sflag:s22] =	ssyncadd.s32 s3;
	_ =	sdelay $0x1  }
0xa1: {  	s23 =	simm.s32 $0x1B8B  }
0xa2: {  	_ =	swait.ge [sflag:s23], $0x1  }
0xa3: {  	[sflag:s23] =	ssyncset.done $0x0  }
0xa4: {  	s25 =	simm.s32 $0x1B8E;
	s24 =	sld [smem:$0x3FFE];
	[sflag:s23] =	ssyncadd.s32 $0xFFFFFFFF  }
0xa5: {  	s26 =	simm.s32 $execute0_lowered;
	[smem:$0x3FD2] =	sst s25  }
0xa6: {  	s4 =	sshll.u32 s26, $0x1;
	_ =	strace $0x8000004C;
	[dreg:$0x1] =	wrdreg $0xFFFFFFFF  }
0xa7: {  	s28 =	simm.s32 $_size_execute0_lowered;
	s2 =	sadd.s32 s2, s4;
	[dreg:$0x0] =	wrdreg $0x0  }
0xa8: {  	s4 =	sshll.u32 s28, $0x1;
	[dreg:$0x2] =	wrdreg s2  }
0xa9: {  	[dreg:$0x3] =	wrdreg s4  }
0xaa: {  	[dreg:$0x4] =	wrdreg $0xC0  }
0xab: {  	_ =	task [dreg:s6], $0x5FFFF  }
0xac: {  	[dreg:$0x1] =	wrdreg $0xFFFFFFFF  }
0xad: {  	[dreg:$0x0] =	wrdreg $0x60  }
0xae: {  	[dreg:$0x2] =	wrdreg s24  }
0xaf: {  	[dreg:$0x3] =	wrdreg $0x90000  }
0xb0: {  	[dreg:$0x4] =	wrdreg $0x9  }
0xb1: {  	_ =	task.clear_ibuf [dreg:s6], $0x5FFFF;
	_ =	strace $0x9000004C  }
0xb2: {  	s29 =	simm.s32 $0x9;
	_ =	strace $0x8000004E  }
0xb3: {  	_ =	swait.ge [sflag:s29], $0x1  }
0xb4: {  	[sflag:s29] =	ssyncadd.s32 $0xFFFFFFFF  }
0xb5: {  	_ =	strace $0x9000004E  }
0xb6: {  	_ =	sfence  }
0xb7: {  	s30 =	sld [smem:$0x0];
	_ =	sdelay $0x2  }
0xb8: {  	s31 =	sshll.u32 s1, $0xD;
	s1 =	sshrl.u32 s1, $0x2  }
0xb9: {  	s3 =	sand.u32 $0x4000, s31;
	s1 =	sadd.s32 s1, s30  }
0xba: {  	s0 =	sor.u32 s3, s0;
	s1 =	sshll.u32 s1, $0x11  }
0xbb: {  	s0 =	sor.u32 s1, s0  }
0xbc: {  	s0 =	sadd.s32 $0x8F2B, s0  }
0xbd: {  	[sflag:s0] =	ssyncadd.remote.s32 $0x1  }
0xbe: {  	_ =	sfence.sel $0xFFFF  }
0xbf: {  	[dreg:$0x0] =	wrdreg $0xFFFFFFFF;
	(pc) =	sbr.abs _section_cstart, $3  }
0xc0: {  	[dreg:$0x1] =	wrdreg $0xFFFFFFFF  }
0xc1: {  	_ =	task.clear_ibuf [dreg:s6], $0x2FFFF;
	_ =	strace $0x9FFFFFFF  }
0xc2: {  	(tm) =	ssettm $0x7FFFFFFF  }
0xc3: {  	_ =	shalt  }
tec
execute0_lowered:
.L_overlay_start_1:
0x0: {  	(tag) =	ssettag $0x1  }
0x1: {  	s5 =	rddreg [dreg:$0x0];
	s0 =	srdreg.scid  }
0x2: {  	s2 =	rddreg [dreg:$0x1];
	s1 =	stileid.u32;
	s3 =	simm.s32 $0x0  }
0x3: {  	s15 =	simm.s32 $0x2;
	s16 =	simm.s32 $0x2800;
	s6 =	smul.u32 $0x2800, s1  }
0x4: {  	s17 =	simm.s32 $0x5000;
	s18 =	simm.s32 $0x80;
	s8 =	smul.u32 $0x14000, s1  }
0x5: {  	s19 =	simm.s32 $0x1;
	s14 =	sand.u32 $0x1, s0;
	s9 =	smul.u32 $0x50000, s1  }
0x6: {  	s22 =	simm.s32 $0x0;
	s0 =	rddreg [dreg:$0x2];
	s4 =	smul.u32 $0x28000, s14  }
0x7: {  	[smem:$0x7FF] =	sst s3;
	s20 =	sshll.u32 s1, $0x6;
	s7 =	smul.u32 $0x140000, s14  }
0x8: {  	_ =	strace $0x8000004D;
	s30 =	ssub.s32 $0x2, s14;
	s14 =	sor.u32 $0x4E, s14  }
0x9: {  	s20 =	sor.u32 $0x1C02, s20;
	s31 =	sshrl.u32 s30, $0x1;
	s6 =	sadd.s32 s6, s4  }
0xa: {  	s9 =	sshrl.u32 s9, $0x2;
	s29 =	sadd.s32 s8, s7;
	s6 =	sshrl.u32 s6, $0x3  }
0xb: {  	s13 =	ssub.s32 s30, s31;
	s10 =	sadd.s32 s6, s5;
	s6 =	sshrl.u32 s29, $0x3  }
0xc: {  	s4 =	sadd.s32 $0x4C00, s5;
	s13 =	smax.u32 s13, $0x1;
	s12 =	sadd.s32 s6, s5  }
0xd: {  	s5 =	sadd.s32 s9, s2;
	s6 =	sadd.s32 $0x5EC00, s10;
	s7 =	sadd.s32 $0x54C00, s10  }
0xe: {  	s8 =	sadd.s32 $0x4000, s5;
	s9 =	sadd.s32 $0x8000, s5;
	s10 =	sadd.s32 $0xC000, s5  }
0xf: {  	v0 =	vimm.f32 $0.0e+00;
	s11 =	sadd.s32 $0x10000, s5;
	s12 =	sadd.s32 $0x68C00, s12;
	s21 =	sshrl.u32 s5, $0x3  }
.LBB2_1:
0x10: {  	[tilespmem:s3], [sflag:$0x2] =	stream.linear.gather [hbm4b:s6+s3], $0x2780, $0x38;
	[tilespmem:$0x1D000] =	vst v63  }
0x11: {  	_ =	swait.ge [sflag:s15], $0x2780  }
0x12: {  	[sflag:s15] =	ssyncset.done $0x0  }
0x13: {  	[sflag:s15] =	ssyncadd.s32 $0xFFFFD880  }
0x14: {  	[tilespmem:s16], [sflag:$0x2] =	stream.linear.gather [hbm4b:s7+s3], $0x2780, $0x38;
	[tilespmem:$0x1D000] =	vst v63  }
0x15: {  	_ =	swait.ge [sflag:s15], $0x2780  }
0x16: {  	[sflag:s15] =	ssyncset.done $0x0  }
0x17: {  	s23 =	simm.s32 $0x0;
	s24 =	simm.s32 $0x200;
	[sflag:s15] =	ssyncadd.s32 $0xFFFFD880  }
.LBB2_2:
0x18: {  	p0 =	sne.s32 s24, $0xFE00;
	[tilespmem:s23+$0x5070] =	vst v0  }
0x19: {  	[tilespmem:s23+$0x5000] =	vst v0  }
0x1a: {  	[tilespmem:s23+$0x5010] =	vst v0  }
.Ltmp0:
0x1b: {  	[tilespmem:s23+$0x5020] =	vst v0;
	(pc) =	sbr.rel @p0 .LBB2_2-.Ltmp0, $4  }
0x1c: {  	[tilespmem:s23+$0x5030] =	vst v0  }
0x1d: {  	[tilespmem:s23+$0x5040] =	vst v0  }
0x1e: {  	[tilespmem:s23+$0x5050] =	vst v0  }
0x1f: {  	[tilespmem:s23+$0x5060] =	vst v0;
	s23 =	sshra.s32 s24, $0x2;
	s24 =	sadd.s32 $0x200, s24  }
0x20: {  	[tilespmem:s23+$0x5070] =	vst v0  }
0x21: {  	[tilespmem:s23+$0x5000] =	vst v0  }
0x22: {  	[tilespmem:s23+$0x5010] =	vst v0  }
0x23: {  	[tilespmem:s23+$0x5020] =	vst v0  }
0x24: {  	[tilespmem:s23+$0x5030] =	vst v0  }
0x25: {  	[tilespmem:s23+$0x5040] =	vst v0  }
0x26: {  	[tilespmem:s23+$0x5050] =	vst v0  }
0x27: {  	[tilespmem:s23+$0x5060] =	vst v0  }
0x28: {  	[spmem:s5] =	stream.linear.scatter [tilespmem:s17], [sflag:$0x2], $0x4000, $0x38;
	[tilespmem:$0x1D000] =	vst v63  }
0x29: {  	_ =	swait.ge [sflag:s15], $0x4000  }
0x2a: {  	[sflag:s15] =	ssyncset.done $0x0  }
0x2b: {  	[sflag:s15] =	ssyncadd.s32 $0xFFFFC000  }
0x2c: {  	[spmem:s8] =	stream.linear.scatter [tilespmem:s17], [sflag:$0x2], $0x4000, $0x38;
	[tilespmem:$0x1D000] =	vst v63  }
0x2d: {  	_ =	swait.ge [sflag:s15], $0x4000  }
0x2e: {  	[sflag:s15] =	ssyncset.done $0x0  }
0x2f: {  	[sflag:s15] =	ssyncadd.s32 $0xFFFFC000  }
0x30: {  	[spmem:s9] =	stream.linear.scatter [tilespmem:s17], [sflag:$0x2], $0x4000, $0x38;
	[tilespmem:$0x1D000] =	vst v63  }
0x31: {  	_ =	swait.ge [sflag:s15], $0x4000  }
0x32: {  	[sflag:s15] =	ssyncset.done $0x0  }
0x33: {  	[sflag:s15] =	ssyncadd.s32 $0xFFFFC000  }
0x34: {  	[spmem:s10] =	stream.linear.scatter [tilespmem:s17], [sflag:$0x2], $0x4000, $0x38;
	[tilespmem:$0x1D000] =	vst v63  }
0x35: {  	_ =	swait.ge [sflag:s15], $0x4000  }
0x36: {  	[sflag:s15] =	ssyncset.done $0x0  }
0x37: {  	[sflag:s15] =	ssyncadd.s32 $0xFFFFC000  }
0x38: {  	[spmem:s11] =	stream.linear.scatter [tilespmem:s17], [sflag:$0x2], $0x4000, $0x38;
	[tilespmem:$0x1D000] =	vst v63  }
0x39: {  	_ =	swait.ge [sflag:s15], $0x4000  }
0x3a: {  	[sflag:s15] =	ssyncset.done $0x0  }
0x3b: {  	[sflag:s15] =	ssyncadd.s32 $0xFFFFC000  }
0x3c: {  	s23 =	simm.s32 $0x0;
	[bflag:$0x0] =	sbarrier.arrive $0xFFFF  }
0x3d: {  	[tilespmem:s17], [sflag:$0x1] =	stream.indirect.gather [hbm4b:s4+s18], $0x80, s23, s18, $0xb8;
	[tilespmem:$0x1D000] =	vst v63  }
0x3e: {  	p0 =	sne.s32 s14, $0x1;
	_ =	swait.ge [sflag:s19], $0x4000  }
.Ltmp1:
0x3f: {  	[sflag:s19] =	ssyncset.done $0x0;
	(pc) =	sbr.rel @!p0 .LBB2_5-.Ltmp1, $4  }
0x40: {  	s24 =	simm.s32 $0x2800;
	[sflag:s19] =	ssyncadd.s32 $0xFFFFC000  }
0x41: {  	[spmem:s2] =	stream.indirect.scatter.add.f32 [tilespmem:s17], [sflag:$0x2], $0x80, s24, s18, $0xb8;
	[tilespmem:$0x1D000] =	vst v63  }
0x42: {  	_ =	swait.ge [sflag:s15], $0x4000  }
0x43: {  	s25 =	sadd.s32 $0xFFFFFFFF, s14;
	[sflag:s15] =	ssyncset.done $0x0  }
.LBB2_4:
0x44: {  	[sflag:s15] =	ssyncadd.s32 $0xFFFFC000;
	s23 =	sadd.s32 $0x80, s23;
	s24 =	sadd.s32 $0x80, s24  }
0x45: {  	[tilespmem:s17], [sflag:$0x1] =	stream.indirect.gather [hbm4b:s4+s18], $0x80, s23, s18, $0xb8;
	[tilespmem:$0x1D000] =	vst v63  }
0x46: {  	p0 =	sne.s32 s25, $0x1;
	s25 =	sadd.s32 $0xFFFFFFFF, s25;
	_ =	swait.ge [sflag:s19], $0x4000  }
.Ltmp2:
0x47: {  	[sflag:s19] =	ssyncset.done $0x0;
	(pc) =	sbr.rel @p0 .LBB2_4-.Ltmp2, $4  }
0x48: {  	[sflag:s19] =	ssyncadd.s32 $0xFFFFC000  }
0x49: {  	[spmem:s2] =	stream.indirect.scatter.add.f32 [tilespmem:s17], [sflag:$0x2], $0x80, s24, s18, $0xb8;
	[tilespmem:$0x1D000] =	vst v63  }
0x4a: {  	_ =	swait.ge [sflag:s15], $0x4000  }
0x4b: {  	[sflag:s15] =	ssyncset.done $0x0  }
.LBB2_5:
0x4c: {  	s22 =	sadd.s32 $0x1, s22  }
0x4d: {  	[sflag:s15] =	ssyncadd.s32 $0xFFFFC000;
	p0 =	sne.s32 s22, s13  }
.Ltmp3:
0x4e: {  	[bflag:$0x0] =	sbarrier.arrive $0xFFFF;
	(pc) =	sbr.rel @p0 .LBB2_1-.Ltmp3, $4  }
0x4f: {  	[hbm:s12], [sflag:s20] =	dma.local [spmem:s21], $0x2800  }
0x50: {  	_ =	swait.ge [sflag:s15], $0x2800  }
0x51: {  	[sflag:s15] =	ssyncset.done $0x0  }
0x52: {  	[sflag:s15] =	ssyncadd.s32 $0xFFFFD800  }
0x53: {  	_ =	sfence.sel $0x180000  }
0x54: {  	[bflag:$0x0] =	sbarrier.arrive $0xFFFF  }
0x55: {  	p0 =	sne.s32 s1, $0x0;
	_ =	strace $0x9000004D  }
0x56: {  	s0 =	sadd.s32 @!p0 $0x100000, s0;
	[bflag:$0x2] =	sbarrier.arrive $0xFFFF  }
0x57: {  	[sflag:s0] =	ssyncadd.tile.s32 @!p0 $0x1;
	_ =	shalt  }
.Lfunc_end2:
_tile_overlayer_lowered:
.L_overlay_start_2:
0x58: {  	(tag) =	ssettag $0x2  }
0x59: {  	s0 =	rddreg [dreg:$0x0];
	s2 =	stileid.u32  }
0x5a: {  	s1 =	rddreg [dreg:$0x1];
	p0 =	sne.s32 s2, $0x0  }
0x5b: {  	s3 =	rddreg [dreg:$0x2];
	[bflag:$0x3] =	sbarrier.arrive $0xFFFF;
	s2 =	simm.s32 @!p0 $0x1C02  }
0x5c: {  	[timem:s3], [sflag:s2] =	dma.local @!p0 [hbm:s0], s1  }
0x5d: {  	s0 =	simm.s32 @!p0 $0x2  }
0x5e: {  	_ =	swait.ge @!p0 [sflag:s0], s1  }
0x5f: {  	s1 =	ssub.s32 @!p0 $0x0, s1;
	[sflag:s0] =	ssyncset.done @!p0 $0x0  }
0x60: {  	[sflag:s0] =	ssyncadd.s32 @!p0 s1  }
0x61: {  	[bflag:$0x3] =	sbarrier.arrive $0xFFFF  }
0x62: {  	_ =	shalt  }

// kernel: kernel.19.cloned.1.call-start
scs
__scs_entry_jumppad:
0x0: {  	(pc) =	sbr.rel $0x88, $3  }
0x1: {  	(tag) =	ssettag $0x0;
	lr =	simm.s32 $0x1  }
0x2: {  	[smem:$0x3F93] =	sst lr;
	_ =	strace $0xD0000000  }
0x3: {  	_ = 	snop  }
0x4: {  	_ = 	snop  }
0x5: {  	_ = 	snop  }
0x6: {  	_ = 	snop  }
0x7: {  	_ = 	snop  }
__scs_overlays_trampoline_lowered:
0x8: {  	[smem:$0x3FA2] =	sst s0  }
0x9: {  	[smem:$0x3FA3] =	sst s1  }
0xa: {  	[smem:$0x3FA4] =	sst s2  }
0xb: {  	[smem:$0x3FA5] =	sst s3  }
0xc: {  	[smem:$0x3FA6] =	sst s4  }
0xd: {  	[smem:$0x3FA7] =	sst s5  }
0xe: {  	[smem:$0x3FA8] =	sst s6  }
0xf: {  	[smem:$0x3FA9] =	sst s7  }
0x10: {  	[smem:$0x3FAA] =	sst s8  }
0x11: {  	[smem:$0x3FAB] =	sst s9;
	s0 =	simm.s32 @!p0 $0x0  }
0x12: {  	s1 =	sld [smem:$0x3F91];
	s0 =	simm.s32 @p0 $0x1  }
0x13: {  	[smem:$0x3FAC] =	sst s0;
	s0 =	simm.s32 @!p1 $0x0  }
0x14: {  	s2 =	sld [smem:$0x3F90];
	s0 =	simm.s32 @p1 $0x1  }
0x15: {  	[smem:$0x3FAD] =	sst s0;
	s0 =	simm.s32 @!p2 $0x0  }
0x16: {  	s3 =	sld [smem:$0x3FDB];
	s0 =	simm.s32 @p2 $0x1  }
0x17: {  	s4 =	simm.s32 $0x1BF5;
	[smem:$0x3FAF] =	sst s0  }
0x18: {  	s0 =	sld [smem:$0x3F92];
	_ =	swait.ge [sflag:s4], $0x0  }
0x19: {  	s7 =	sld [smem:$0x3F93]  }
0x1a: {  	s8 =	sadd.s32 $0xFFFFE003, lr  }
0x1b: {  	s9 =	sadd.s32 $0xFFFFFEF7, lr;
	s5 =	simm.s32 $0xFFFFFFFF;
	p2 =	slt.u32 s8, $0xFFFFF086  }
0x1c: {  	p1 =	slt.u32 s9, $0xF7A;
	s5 =	simm.s32 @!p2 $0x0  }
0x1d: {  	s5 =	simm.s32 @p1 $0x1;
	p0 =	seq.s32 s7, s2  }
0x1e: {  	s7 =	smul.u32 @!p0 $0xF7A, s2;
	p2 =	seq.s32 @!p0 s5, $0x0  }
0x1f: {  	s9 =	smul.u32 $0xF7A, s1;
	s8 =	simm.s32 @!p0 $0x1BF5;
	p2 =	por !p2, p0  }
0x20: {  	[sflag:s8] =	ssyncset.s32 @!p0 $0xFFFFF086;
	s6 =	sadd.s32 @!p0 s3, s7;
	s7 =	simm.s32 @!p0 $0x108  }
0x21: {  	s3 =	sadd.s32 s3, s9;
	s6 =	sadd.s32 @!p0 $0x88, s6;
	s7 =	simm.s32 @p2 $0x1082  }
0x22: {  	[simem:s7], [sflag:s8] =	dma.local @!p0 [hbm:s6], $0xF7A  }
0x23: {  	s9 =	sor.u32 $0xD0000000, s2;
	s6 =	simm.s32 $0x108;
	_ =	swait.ge @!p0 [sflag:s8], $0x0  }
0x24: {  	s3 =	sadd.s32 $0x88, s3;
	s6 =	simm.s32 @!p1 $0x1082;
	[sflag:s4] =	ssyncset.s32 $0xFFFFF086  }
0x25: {  	[simem:s6], [sflag:s4] =	dma.local [hbm:s3], $0xF7A  }
0x26: {  	[smem:$0x3F93] =	sst s1;
	(tag) =	ssettag s2;
	_ =	strace s9  }
0x27: {  	s1 =	sld [smem:$0x3FA3]  }
0x28: {  	s2 =	sld [smem:$0x3FA4]  }
0x29: {  	s4 =	sld [smem:$0x3FA6]  }
0x2a: {  	p0 =	seq.s32 s5, $0x0;
	s5 =	sld [smem:$0x3FA7]  }
0x2b: {  	s6 =	sld [smem:$0x3FA8]  }
0x2c: {  	s7 =	sld [smem:$0x3FA9]  }
0x2d: {  	s3 =	simm.s32 $0x108;
	s8 =	sld [smem:$0x3FAA]  }
0x2e: {  	s3 =	simm.s32 @!p0 $0x1082;
	s9 =	sld [smem:$0x3FAB]  }
0x2f: {  	lr =	sadd.s32 s0, s3;
	s0 =	sld [smem:$0x3FA2]  }
0x30: {  	s3 =	sld [smem:$0x3FA5]  }
0x31: {  	[smem:$0x3FAE] =	sst s10  }
0x32: {  	s10 =	sld [smem:$0x3FAC];
	_ =	sdelay $0x3  }
0x33: {  	p0 =	seq.s32 s10, $0x1;
	s10 =	sld [smem:$0x3FAE];
	_ =	sdelay $0x3  }
0x34: {  	[smem:$0x3FAE] =	sst s10  }
0x35: {  	s10 =	sld [smem:$0x3FAD];
	_ =	sdelay $0x3  }
0x36: {  	p1 =	seq.s32 s10, $0x1;
	s10 =	sld [smem:$0x3FAE];
	_ =	sdelay $0x3  }
0x37: {  	[smem:$0x3FAE] =	sst s10  }
0x38: {  	s10 =	sld [smem:$0x3FAF]  }
0x39: {  	_ = 	snop;
	(pc) =	sbr.ind lr, $3  }
0x3a: {  	_ = 	snop  }
0x3b: {  	_ = 	snop  }
0x3c: {  	p2 =	seq.s32 s10, $0x1;
	s10 =	sld [smem:$0x3FAE]  }
0x3d: {  	_ =	shalt  }
0x3e: {  	_ =	shalt  }
0x3f: {  	_ =	shalt  }
0x40: {  	_ =	shalt  }
0x41: {  	_ =	shalt  }
0x42: {  	_ =	shalt  }
0x43: {  	_ =	shalt  }
0x44: {  	_ =	shalt  }
0x45: {  	_ =	shalt  }
0x46: {  	_ =	shalt  }
0x47: {  	_ =	shalt  }
0x48: {  	_ =	shalt  }
0x49: {  	_ =	shalt  }
0x4a: {  	_ =	shalt  }
0x4b: {  	_ =	shalt  }
0x4c: {  	_ =	shalt  }
0x4d: {  	_ =	shalt  }
0x4e: {  	_ =	shalt  }
0x4f: {  	_ =	shalt  }
0x50: {  	_ =	shalt  }
0x51: {  	_ =	shalt  }
0x52: {  	_ =	shalt  }
0x53: {  	_ =	shalt  }
0x54: {  	_ =	shalt  }
0x55: {  	_ =	shalt  }
0x56: {  	_ =	shalt  }
0x57: {  	_ =	shalt  }
0x58: {  	_ =	shalt  }
0x59: {  	_ =	shalt  }
0x5a: {  	_ =	shalt  }
0x5b: {  	_ =	shalt  }
0x5c: {  	_ =	shalt  }
0x5d: {  	_ =	shalt  }
0x5e: {  	_ =	shalt  }
0x5f: {  	_ =	shalt  }
0x60: {  	_ =	shalt  }
0x61: {  	_ =	shalt  }
0x62: {  	_ =	shalt  }
0x63: {  	_ =	shalt  }
0x64: {  	_ =	shalt  }
0x65: {  	_ =	shalt  }
0x66: {  	_ =	shalt  }
0x67: {  	_ =	shalt  }
0x68: {  	_ =	shalt  }
0x69: {  	_ =	shalt  }
0x6a: {  	_ =	shalt  }
0x6b: {  	_ =	shalt  }
0x6c: {  	_ =	shalt  }
0x6d: {  	_ =	shalt  }
0x6e: {  	_ =	shalt  }
0x6f: {  	_ =	shalt  }
0x70: {  	_ =	shalt  }
0x71: {  	_ =	shalt  }
0x72: {  	_ =	shalt  }
0x73: {  	_ =	shalt  }
0x74: {  	_ =	shalt  }
0x75: {  	_ =	shalt  }
0x76: {  	_ =	shalt  }
0x77: {  	_ =	shalt  }
0x78: {  	_ =	shalt  }
0x79: {  	_ =	shalt  }
0x7a: {  	_ =	shalt  }
0x7b: {  	_ =	shalt  }
0x7c: {  	_ =	shalt  }
0x7d: {  	_ =	shalt  }
0x7e: {  	_ =	shalt  }
0x7f: {  	_ =	shalt  }
0x80: {  	_ =	shalt  }
0x81: {  	_ =	shalt  }
0x82: {  	_ =	shalt  }
0x83: {  	_ =	shalt  }
0x84: {  	_ =	shalt  }
0x85: {  	_ =	shalt  }
0x86: {  	_ =	shalt  }
0x87: {  	_ =	shalt  }
.Lfunc_end0:
.L_simem_size_0:
called_computation.3_lowered:
.L_overlay_start_0:
0x88: {  	s2 =	sld [smem:$0x3FD9]  }
0x89: {  	s3 =	sld [smem:$0x3FFE];
	_ =	sdelay $0x1  }
0x8a: {  	s1 =	srdreg.scid  }
0x8b: {  	s0 =	sand.u32 $0x1, s1  }
0x8c: {  	s16 =	sshll.u32 s0, $0xA;
	s2 =	sadd.s32 s3, s2  }
0x8d: {  	s2 =	sadd.s32 s2, s16  }
0x8e: {  	[smem:$0x3FBA] =	sst s2  }
0x8f: {  	_ = 	snop  }
0x90: {  	(tm) =	ssettm $0x1  }
0x91: {  	s17 =	sld [smem:$0x3FFB];
	_ =	sdelay $0x3  }
0x92: {  	_ =	strace s17  }
0x93: {  	s2 =	sld [smem:$0x3FFC];
	_ =	sdelay $0x3  }
0x94: {  	_ =	strace s2  }
0x95: {  	s2 =	sld [smem:$0x3FFD];
	_ =	sdelay $0x3  }
0x96: {  	_ =	strace s2  }
0x97: {  	_ =	strace $0x8FFFFFFF  }
0x98: {  	s18 =	sld [smem:$0x3FDB];
	_ =	sdelay $0x1  }
0x99: {  	s19 =	simm.s32 $_scs_section_size  }
0x9a: {  	s4 =	simm.s32 $_size__tile_overlayer_lowered;
	s5 =	simm.s32 $_tile_overlayer_lowered  }
0x9b: {  	s22 =	simm.s32 $0x1BFF;
	s21 =	sshll.u32 s5, $0x1;
	s2 =	sadd.s32 s19, s18  }
0x9c: {  	s6 =	simm.s32 $0x0;
	s20 =	sshll.u32 s4, $0x1;
	s4 =	sadd.s32 s21, s2  }
0x9d: {  	[timem:s6], [sflag:s22] =	dma.local [hbm:s4], s20  }
0x9e: {  	_ =	swait.ge [sflag:s22], s20  }
0x9f: {  	s3 =	ssub.s32 $0x0, s20;
	[sflag:s22] =	ssyncset.done $0x0  }
0xa0: {  	[sflag:s22] =	ssyncadd.s32 s3;
	_ =	sdelay $0x1  }
0xa1: {  	s23 =	simm.s32 $0x1B8B  }
0xa2: {  	_ =	swait.ge [sflag:s23], $0x1  }
0xa3: {  	[sflag:s23] =	ssyncset.done $0x0  }
0xa4: {  	s25 =	simm.s32 $0x1B8E;
	s24 =	sld [smem:$0x3FFE];
	[sflag:s23] =	ssyncadd.s32 $0xFFFFFFFF  }
0xa5: {  	s26 =	simm.s32 $execute0_lowered;
	[smem:$0x3FD2] =	sst s25  }
0xa6: {  	s4 =	sshll.u32 s26, $0x1;
	_ =	strace $0x8000004F;
	[dreg:$0x1] =	wrdreg $0xFFFFFFFF  }
0xa7: {  	s28 =	simm.s32 $_size_execute0_lowered;
	s2 =	sadd.s32 s2, s4;
	[dreg:$0x0] =	wrdreg $0x0  }
0xa8: {  	s4 =	sshll.u32 s28, $0x1;
	[dreg:$0x2] =	wrdreg s2  }
0xa9: {  	[dreg:$0x3] =	wrdreg s4  }
0xaa: {  	[dreg:$0x4] =	wrdreg $0xC0  }
0xab: {  	_ =	task [dreg:s6], $0x5FFFF  }
0xac: {  	[dreg:$0x1] =	wrdreg $0xFFFFFFFF  }
0xad: {  	[dreg:$0x0] =	wrdreg $0x60  }
0xae: {  	[dreg:$0x2] =	wrdreg s24  }
0xaf: {  	[dreg:$0x3] =	wrdreg $0x90000  }
0xb0: {  	[dreg:$0x4] =	wrdreg $0x9  }
0xb1: {  	_ =	task.clear_ibuf [dreg:s6], $0x5FFFF;
	_ =	strace $0x9000004F  }
0xb2: {  	s29 =	simm.s32 $0x9;
	_ =	strace $0x80000051  }
0xb3: {  	_ =	swait.ge [sflag:s29], $0x1  }
0xb4: {  	[sflag:s29] =	ssyncadd.s32 $0xFFFFFFFF  }
0xb5: {  	_ =	strace $0x90000051  }
0xb6: {  	_ =	sfence  }
0xb7: {  	s30 =	sld [smem:$0x0];
	_ =	sdelay $0x2  }
0xb8: {  	s31 =	sshll.u32 s1, $0xD;
	s1 =	sshrl.u32 s1, $0x2  }
0xb9: {  	s3 =	sand.u32 $0x4000, s31;
	s1 =	sadd.s32 s1, s30  }
0xba: {  	s0 =	sor.u32 s3, s0;
	s1 =	sshll.u32 s1, $0x11  }
0xbb: {  	s0 =	sor.u32 s1, s0  }
0xbc: {  	s0 =	sadd.s32 $0x8F2B, s0  }
0xbd: {  	[sflag:s0] =	ssyncadd.remote.s32 $0x1  }
0xbe: {  	_ =	sfence.sel $0xFFFF  }
0xbf: {  	[dreg:$0x0] =	wrdreg $0xFFFFFFFF;
	(pc) =	sbr.abs _section_cstart, $3  }
0xc0: {  	[dreg:$0x1] =	wrdreg $0xFFFFFFFF  }
0xc1: {  	_ =	task.clear_ibuf [dreg:s6], $0x2FFFF;
	_ =	strace $0x9FFFFFFF  }
0xc2: {  	(tm) =	ssettm $0x7FFFFFFF  }
0xc3: {  	_ =	shalt  }
tec
execute0_lowered:
.L_overlay_start_1:
0x0: {  	(tag) =	ssettag $0x1  }
0x1: {  	s5 =	rddreg [dreg:$0x0];
	s0 =	srdreg.scid  }
0x2: {  	s2 =	rddreg [dreg:$0x1];
	s1 =	stileid.u32;
	s3 =	simm.s32 $0x0  }
0x3: {  	s15 =	simm.s32 $0x2;
	s16 =	simm.s32 $0x2800;
	s6 =	smul.u32 $0x2800, s1  }
0x4: {  	s17 =	simm.s32 $0x5000;
	s18 =	simm.s32 $0x80;
	s8 =	smul.u32 $0x14000, s1  }
0x5: {  	s19 =	simm.s32 $0x1;
	s14 =	sand.u32 $0x1, s0;
	s9 =	smul.u32 $0x50000, s1  }
0x6: {  	s22 =	simm.s32 $0x0;
	s0 =	rddreg [dreg:$0x2];
	s4 =	smul.u32 $0x28000, s14  }
0x7: {  	[smem:$0x7FF] =	sst s3;
	s20 =	sshll.u32 s1, $0x6;
	s7 =	smul.u32 $0x140000, s14  }
0x8: {  	_ =	strace $0x80000050;
	s30 =	ssub.s32 $0x2, s14;
	s14 =	sor.u32 $0x4E, s14  }
0x9: {  	s20 =	sor.u32 $0x1C02, s20;
	s31 =	sshrl.u32 s30, $0x1;
	s6 =	sadd.s32 s6, s4  }
0xa: {  	s9 =	sshrl.u32 s9, $0x2;
	s29 =	sadd.s32 s8, s7;
	s6 =	sshrl.u32 s6, $0x3  }
0xb: {  	s13 =	ssub.s32 s30, s31;
	s10 =	sadd.s32 s6, s5;
	s6 =	sshrl.u32 s29, $0x3  }
0xc: {  	s4 =	sadd.s32 $0x4C00, s5;
	s13 =	smax.u32 s13, $0x1;
	s12 =	sadd.s32 s6, s5  }
0xd: {  	s5 =	sadd.s32 s9, s2;
	s6 =	sadd.s32 $0x5EC00, s10;
	s7 =	sadd.s32 $0x54C00, s10  }
0xe: {  	s8 =	sadd.s32 $0x4000, s5;
	s9 =	sadd.s32 $0x8000, s5;
	s10 =	sadd.s32 $0xC000, s5  }
0xf: {  	v0 =	vimm.f32 $0.0e+00;
	s11 =	sadd.s32 $0x10000, s5;
	s12 =	sadd.s32 $0x68C00, s12;
	s21 =	sshrl.u32 s5, $0x3  }
.LBB2_1:
0x10: {  	[tilespmem:s3], [sflag:$0x2] =	stream.linear.gather [hbm4b:s6+s3], $0x2780, $0x38;
	[tilespmem:$0x1D000] =	vst v63  }
0x11: {  	_ =	swait.ge [sflag:s15], $0x2780  }
0x12: {  	[sflag:s15] =	ssyncset.done $0x0  }
0x13: {  	[sflag:s15] =	ssyncadd.s32 $0xFFFFD880  }
0x14: {  	[tilespmem:s16], [sflag:$0x2] =	stream.linear.gather [hbm4b:s7+s3], $0x2780, $0x38;
	[tilespmem:$0x1D000] =	vst v63  }
0x15: {  	_ =	swait.ge [sflag:s15], $0x2780  }
0x16: {  	[sflag:s15] =	ssyncset.done $0x0  }
0x17: {  	s23 =	simm.s32 $0x0;
	s24 =	simm.s32 $0x200;
	[sflag:s15] =	ssyncadd.s32 $0xFFFFD880  }
.LBB2_2:
0x18: {  	p0 =	sne.s32 s24, $0xFE00;
	[tilespmem:s23+$0x5070] =	vst v0  }
0x19: {  	[tilespmem:s23+$0x5000] =	vst v0  }
0x1a: {  	[tilespmem:s23+$0x5010] =	vst v0  }
.Ltmp0:
0x1b: {  	[tilespmem:s23+$0x5020] =	vst v0;
	(pc) =	sbr.rel @p0 .LBB2_2-.Ltmp0, $4  }
0x1c: {  	[tilespmem:s23+$0x5030] =	vst v0  }
0x1d: {  	[tilespmem:s23+$0x5040] =	vst v0  }
0x1e: {  	[tilespmem:s23+$0x5050] =	vst v0  }
0x1f: {  	[tilespmem:s23+$0x5060] =	vst v0;
	s23 =	sshra.s32 s24, $0x2;
	s24 =	sadd.s32 $0x200, s24  }
0x20: {  	[tilespmem:s23+$0x5070] =	vst v0  }
0x21: {  	[tilespmem:s23+$0x5000] =	vst v0  }
0x22: {  	[tilespmem:s23+$0x5010] =	vst v0  }
0x23: {  	[tilespmem:s23+$0x5020] =	vst v0  }
0x24: {  	[tilespmem:s23+$0x5030] =	vst v0  }
0x25: {  	[tilespmem:s23+$0x5040] =	vst v0  }
0x26: {  	[tilespmem:s23+$0x5050] =	vst v0  }
0x27: {  	[tilespmem:s23+$0x5060] =	vst v0  }
0x28: {  	[spmem:s5] =	stream.linear.scatter [tilespmem:s17], [sflag:$0x2], $0x4000, $0x38;
	[tilespmem:$0x1D000] =	vst v63  }
0x29: {  	_ =	swait.ge [sflag:s15], $0x4000  }
0x2a: {  	[sflag:s15] =	ssyncset.done $0x0  }
0x2b: {  	[sflag:s15] =	ssyncadd.s32 $0xFFFFC000  }
0x2c: {  	[spmem:s8] =	stream.linear.scatter [tilespmem:s17], [sflag:$0x2], $0x4000, $0x38;
	[tilespmem:$0x1D000] =	vst v63  }
0x2d: {  	_ =	swait.ge [sflag:s15], $0x4000  }
0x2e: {  	[sflag:s15] =	ssyncset.done $0x0  }
0x2f: {  	[sflag:s15] =	ssyncadd.s32 $0xFFFFC000  }
0x30: {  	[spmem:s9] =	stream.linear.scatter [tilespmem:s17], [sflag:$0x2], $0x4000, $0x38;
	[tilespmem:$0x1D000] =	vst v63  }
0x31: {  	_ =	swait.ge [sflag:s15], $0x4000  }
0x32: {  	[sflag:s15] =	ssyncset.done $0x0  }
0x33: {  	[sflag:s15] =	ssyncadd.s32 $0xFFFFC000  }
0x34: {  	[spmem:s10] =	stream.linear.scatter [tilespmem:s17], [sflag:$0x2], $0x4000, $0x38;
	[tilespmem:$0x1D000] =	vst v63  }
0x35: {  	_ =	swait.ge [sflag:s15], $0x4000  }
0x36: {  	[sflag:s15] =	ssyncset.done $0x0  }
0x37: {  	[sflag:s15] =	ssyncadd.s32 $0xFFFFC000  }
0x38: {  	[spmem:s11] =	stream.linear.scatter [tilespmem:s17], [sflag:$0x2], $0x4000, $0x38;
	[tilespmem:$0x1D000] =	vst v63  }
0x39: {  	_ =	swait.ge [sflag:s15], $0x4000  }
0x3a: {  	[sflag:s15] =	ssyncset.done $0x0  }
0x3b: {  	[sflag:s15] =	ssyncadd.s32 $0xFFFFC000  }
0x3c: {  	s23 =	simm.s32 $0x0;
	[bflag:$0x0] =	sbarrier.arrive $0xFFFF  }
0x3d: {  	[tilespmem:s17], [sflag:$0x1] =	stream.indirect.gather [hbm4b:s4+s18], $0x80, s23, s18, $0xb8;
	[tilespmem:$0x1D000] =	vst v63  }
0x3e: {  	p0 =	sne.s32 s14, $0x1;
	_ =	swait.ge [sflag:s19], $0x4000  }
.Ltmp1:
0x3f: {  	[sflag:s19] =	ssyncset.done $0x0;
	(pc) =	sbr.rel @!p0 .LBB2_5-.Ltmp1, $4  }
0x40: {  	s24 =	simm.s32 $0x2800;
	[sflag:s19] =	ssyncadd.s32 $0xFFFFC000  }
0x41: {  	[spmem:s2] =	stream.indirect.scatter.add.f32 [tilespmem:s17], [sflag:$0x2], $0x80, s24, s18, $0xb8;
	[tilespmem:$0x1D000] =	vst v63  }
0x42: {  	_ =	swait.ge [sflag:s15], $0x4000  }
0x43: {  	s25 =	sadd.s32 $0xFFFFFFFF, s14;
	[sflag:s15] =	ssyncset.done $0x0  }
.LBB2_4:
0x44: {  	[sflag:s15] =	ssyncadd.s32 $0xFFFFC000;
	s23 =	sadd.s32 $0x80, s23;
	s24 =	sadd.s32 $0x80, s24  }
0x45: {  	[tilespmem:s17], [sflag:$0x1] =	stream.indirect.gather [hbm4b:s4+s18], $0x80, s23, s18, $0xb8;
	[tilespmem:$0x1D000] =	vst v63  }
0x46: {  	p0 =	sne.s32 s25, $0x1;
	s25 =	sadd.s32 $0xFFFFFFFF, s25;
	_ =	swait.ge [sflag:s19], $0x4000  }
.Ltmp2:
0x47: {  	[sflag:s19] =	ssyncset.done $0x0;
	(pc) =	sbr.rel @p0 .LBB2_4-.Ltmp2, $4  }
0x48: {  	[sflag:s19] =	ssyncadd.s32 $0xFFFFC000  }
0x49: {  	[spmem:s2] =	stream.indirect.scatter.add.f32 [tilespmem:s17], [sflag:$0x2], $0x80, s24, s18, $0xb8;
	[tilespmem:$0x1D000] =	vst v63  }
0x4a: {  	_ =	swait.ge [sflag:s15], $0x4000  }
0x4b: {  	[sflag:s15] =	ssyncset.done $0x0  }
.LBB2_5:
0x4c: {  	s22 =	sadd.s32 $0x1, s22  }
0x4d: {  	[sflag:s15] =	ssyncadd.s32 $0xFFFFC000;
	p0 =	sne.s32 s22, s13  }
.Ltmp3:
0x4e: {  	[bflag:$0x0] =	sbarrier.arrive $0xFFFF;
	(pc) =	sbr.rel @p0 .LBB2_1-.Ltmp3, $4  }
0x4f: {  	[hbm:s12], [sflag:s20] =	dma.local [spmem:s21], $0x2800  }
0x50: {  	_ =	swait.ge [sflag:s15], $0x2800  }
0x51: {  	[sflag:s15] =	ssyncset.done $0x0  }
0x52: {  	[sflag:s15] =	ssyncadd.s32 $0xFFFFD800  }
0x53: {  	_ =	sfence.sel $0x180000  }
0x54: {  	[bflag:$0x0] =	sbarrier.arrive $0xFFFF  }
0x55: {  	p0 =	sne.s32 s1, $0x0;
	_ =	strace $0x90000050  }
0x56: {  	s0 =	sadd.s32 @!p0 $0x100000, s0;
	[bflag:$0x2] =	sbarrier.arrive $0xFFFF  }
0x57: {  	[sflag:s0] =	ssyncadd.tile.s32 @!p0 $0x1;
	_ =	shalt  }
.Lfunc_end2:
_tile_overlayer_lowered:
.L_overlay_start_2:
0x58: {  	(tag) =	ssettag $0x2  }
0x59: {  	s0 =	rddreg [dreg:$0x0];
	s2 =	stileid.u32  }
0x5a: {  	s1 =	rddreg [dreg:$0x1];
	p0 =	sne.s32 s2, $0x0  }
0x5b: {  	s3 =	rddreg [dreg:$0x2];
	[bflag:$0x3] =	sbarrier.arrive $0xFFFF;
	s2 =	simm.s32 @!p0 $0x1C02  }
0x5c: {  	[timem:s3], [sflag:s2] =	dma.local @!p0 [hbm:s0], s1  }
0x5d: {  	s0 =	simm.s32 @!p0 $0x2  }
0x5e: {  	_ =	swait.ge @!p0 [sflag:s0], s1  }
0x5f: {  	s1 =	ssub.s32 @!p0 $0x0, s1;
	[sflag:s0] =	ssyncset.done @!p0 $0x0  }
0x60: {  	[sflag:s0] =	ssyncadd.s32 @!p0 s1  }
0x61: {  	[bflag:$0x3] =	sbarrier.arrive $0xFFFF  }
0x62: {  	_ =	shalt  }

</sc_bundles>
